<compile_context>
chip_gen: v7x
topology: tpu7x:2x2x1
jax: 0.10.2.dev20260603
libtpu: 0.0.44.dev20260713+nightly
codegen_flags: <defaults>
</compile_context>

<pallas_src>
import functools

import jax
import jax.numpy as jnp
import numpy as np
from jax import lax
from jax.experimental import pallas as pl
from jax.experimental.pallas import tpu as pltpu
from jax.experimental.pallas import tpu_sc as plsc

N, E, B, D = 10000, 320000, 512, 128
EPS = float(np.finfo(np.float32).eps)

NC, NS = 2, 16
NW = NC * NS
CH = 128
NCHUNKS = E // CH
CHT = NCHUNKS // NW
CREM = NCHUNKS - CHT * NW
RCH = 80
NRCH = N // RCH
RCH_PER_TILE = NRCH // NS
RCH_REM = NRCH - RCH_PER_TILE * NS


def _seg_sum_body(x_hbm, src_hbm, dst_hbm, out_hbm, src_v0, src_v1, src_v2,
                  dst_v0, dst_v1, dst_v2, rows_v, acc_sh,
                  gs0, gs1, gs2, ss0, ss1, ss2):
    cid = lax.axis_index("c")
    sid = lax.axis_index("s")
    wid = sid * NC + cid

    def _zero_row(r, carry):
        for k in range(D // 16):
            rows_v[0, r, pl.ds(k * 16, 16)] = jnp.zeros((16,), jnp.float32)
        return carry

    lax.fori_loop(0, RCH, _zero_row, 0)
    nrch = RCH_PER_TILE + jnp.where(sid < RCH_REM, 1, 0)
    rch_base = RCH_PER_TILE * sid + jnp.minimum(sid, RCH_REM)

    def _init_chunk(j, carry):
        pltpu.sync_copy(rows_v.at[0, pl.ds(0, RCH), :],
                        acc_sh.at[pl.ds((rch_base + j) * RCH, RCH), :])
        return carry

    lax.fori_loop(0, nrch, _init_chunk, 0)
    plsc.subcore_barrier()

    ch0 = wid * CHT
    gsems = (gs0, gs1, gs2)
    ssems = (ss0, ss1, ss2)
    srcs = (src_v0, src_v1, src_v2)
    dsts = (dst_v0, dst_v1, dst_v2)
    for b in range(2):
        pltpu.sync_copy(src_hbm.at[pl.ds((ch0 + b) * CH, CH)], srcs[b])
        pltpu.sync_copy(dst_hbm.at[pl.ds((ch0 + b) * CH, CH)], dsts[b])
        pltpu.async_copy(x_hbm.at[srcs[b]], rows_v.at[b], gsems[b])

    def _outer(g, carry):
        for b0 in range(3):
            c = 3 * g + b0
            pltpu.make_async_copy(x_hbm.at[srcs[b0]], rows_v.at[b0],
                                  gsems[b0]).wait()
            pltpu.async_copy(rows_v.at[b0], acc_sh.at[dsts[b0]], ssems[b0],
                             add=True)
            b2 = (b0 + 2) % 3

            @pl.when(jnp.logical_and(c >= 1, c <= CHT - 3))
            def _():
                pltpu.make_async_copy(rows_v.at[b2], acc_sh.at[dsts[b2]],
                                      ssems[b2]).wait()

            @pl.when(c <= CHT - 3)
            def _():
                e0 = (ch0 + c + 2) * CH
                pltpu.sync_copy(src_hbm.at[pl.ds(e0, CH)], srcs[b2])
                pltpu.sync_copy(dst_hbm.at[pl.ds(e0, CH)], dsts[b2])
                pltpu.async_copy(x_hbm.at[srcs[b2]], rows_v.at[b2], gsems[b2])
        return carry

    lax.fori_loop(0, CHT // 3, _outer, 0)
    for b in range(3):
        pltpu.make_async_copy(rows_v.at[b], acc_sh.at[dsts[b]],
                              ssems[b]).wait()

    @pl.when(wid < CREM)
    def _rem():
        e0 = (CHT * NW + wid) * CH
        pltpu.sync_copy(src_hbm.at[pl.ds(e0, CH)], src_v0)
        pltpu.sync_copy(dst_hbm.at[pl.ds(e0, CH)], dst_v0)
        pltpu.async_copy(x_hbm.at[src_v0], rows_v.at[0], gs0).wait()
        pltpu.sync_copy(rows_v.at[0], acc_sh.at[dst_v0], add=True)

    plsc.subcore_barrier()

    def _out_chunk(j, carry):
        r0 = (rch_base + j) * RCH
        pltpu.sync_copy(acc_sh.at[pl.ds(r0, RCH), :], rows_v.at[0, pl.ds(0, RCH), :])
        pltpu.sync_copy(rows_v.at[0, pl.ds(0, RCH), :],
                        out_hbm.at[cid, pl.ds(r0, RCH), :])
        return carry

    lax.fori_loop(0, nrch, _out_chunk, 0)


@functools.cache
def _get_seg_sum():
    return pl.kernel(
        _seg_sum_body,
        out_type=jax.ShapeDtypeStruct((NC, N, D), jnp.float32),
        mesh=plsc.VectorSubcoreMesh(core_axis_name="c", subcore_axis_name="s",
                                    num_cores=NC, num_subcores=NS),
        scratch_types=[
            pltpu.VMEM((CH,), jnp.int32),
            pltpu.VMEM((CH,), jnp.int32),
            pltpu.VMEM((CH,), jnp.int32),
            pltpu.VMEM((CH,), jnp.int32),
            pltpu.VMEM((CH,), jnp.int32),
            pltpu.VMEM((CH,), jnp.int32),
            pltpu.VMEM((3, CH, D), jnp.float32),
            pltpu.VMEM_SHARED((N, D), jnp.float32),
            pltpu.SemaphoreType.DMA,
            pltpu.SemaphoreType.DMA,
            pltpu.SemaphoreType.DMA,
            pltpu.SemaphoreType.DMA,
            pltpu.SemaphoreType.DMA,
            pltpu.SemaphoreType.DMA,
        ],
    )


def _conv_post_body(p_ref, x_ref, wrelT_ref, wrootT_ref, brel_ref, o_ref):
    agg = p_ref[0] + p_ref[1]
    o_ref[...] = jnp.maximum(
        jnp.dot(agg, wrelT_ref[...], preferred_element_type=jnp.float32)
        + jnp.dot(x_ref[...], wrootT_ref[...], preferred_element_type=jnp.float32)
        + brel_ref[...],
        0.0,
    )


_NB = 400


def _conv_post(p, x, wrelT, wrootT, brel2d):
    return pl.pallas_call(
        _conv_post_body,
        grid=(N // _NB,),
        in_specs=[
            pl.BlockSpec((NC, _NB, D), lambda i: (0, i, 0)),
            pl.BlockSpec((_NB, D), lambda i: (i, 0)),
            pl.BlockSpec((D, D), lambda i: (0, 0)),
            pl.BlockSpec((D, D), lambda i: (0, 0)),
            pl.BlockSpec((1, D), lambda i: (0, 0)),
        ],
        out_specs=pl.BlockSpec((_NB, D), lambda i: (i, 0)),
        out_shape=jax.ShapeDtypeStruct((N, D), jnp.float32),
    )(p, x, wrelT, wrootT, brel2d)


_PCH = 2000


def _tail_body(h_ref, b_ref, lw0T_ref, lb0_ref, lw1T_ref, lb1_ref, tt_ref, th_ref,
               g0rT_ref, g0b_ref, g0oT_ref, g1rT_ref, g1b_ref, g1oT_ref,
               cw0T_ref, cb0_ref, cw1T_ref, cb1_ref, o_ref):
    f32 = jnp.float32
    ids = lax.broadcasted_iota(jnp.int32, (B, 1), 0)
    ssum = jnp.zeros((B, D), f32)
    cnt = jnp.zeros((B, 1), f32)
    for r in range(N // _PCH):
        row = b_ref[r, :]
        m = (row[None, :] == ids).astype(f32)
        ssum = ssum + jnp.dot(m, h_ref[r * _PCH:(r + 1) * _PCH, :],
                              preferred_element_type=f32, precision=lax.Precision.HIGHEST)
        cnt = cnt + jnp.sum(m, axis=1, keepdims=True)
    feat = ssum / jnp.maximum(cnt, 1.0)

    o1 = jnp.maximum(jnp.dot(feat, lw0T_ref[...], preferred_element_type=f32)
                     + lb0_ref[...], 0.0)
    o2 = jnp.maximum(jnp.dot(o1, lw1T_ref[...], preferred_element_type=f32)
                     + lb1_ref[...], 0.0)

    G = lax.dot_general(o2, o2, (((1,), (1,)), ((), ())),
                        preferred_element_type=f32, precision=lax.Precision.HIGHEST)
    eye = (lax.broadcasted_iota(jnp.int32, (B, B), 0)
           == lax.broadcasted_iota(jnp.int32, (B, B), 1)).astype(f32)
    ncol = jnp.sum(G * eye, axis=1, keepdims=True)
    nrow = jnp.sum(G * eye, axis=0, keepdims=True)
    d2 = jnp.maximum(ncol + nrow - 2.0 * G, 0.0)
    msk = (d2 != 0.0).astype(f32)
    dist = -jnp.sqrt(d2 + EPS) * msk
    prob = tt_ref[0, 0] * dist + th_ref[0, 0]
    adjm = jax.nn.sigmoid(prob + eye)

    agg0 = lax.dot_general(adjm, feat, (((0,), (0,)), ((), ())),
                           preferred_element_type=f32, precision=lax.Precision.HIGHEST)
    g = jnp.maximum(jnp.dot(agg0, g0rT_ref[...], preferred_element_type=f32)
                    + g0b_ref[...]
                    + jnp.dot(feat, g0oT_ref[...], preferred_element_type=f32), 0.0)
    rowvec = jnp.dot(jnp.sum(g, axis=0, keepdims=True), g1rT_ref[...],
                     preferred_element_type=f32) + g1b_ref[...]
    g2 = jnp.maximum(jnp.dot(g, g1oT_ref[...], preferred_element_type=f32)
                     + rowvec, 0.0)
    c1 = jnp.maximum(jnp.dot(g2, cw0T_ref[...], preferred_element_type=f32)
                     + cb0_ref[...], 0.0)
    o_ref[...] = jnp.dot(c1, cw1T_ref[...], preferred_element_type=f32) + cb1_ref[0, 0]


def _tail(h, batch2d, *ws):
    return pl.pallas_call(
        _tail_body,
        out_shape=jax.ShapeDtypeStruct((B, D), jnp.float32),
    )(h, batch2d, *ws)


def kernel(x, edge_index, batch, nc0_Wrel, nc0_brel, nc0_Wroot, nc1_Wrel, nc1_brel,
           nc1_Wroot, lgl_W0, lgl_b0, lgl_W1, lgl_b1, temp, theta,
           g0_Wrel, g0_brel, g0_Wroot, g1_Wrel, g1_brel, g1_Wroot,
           cls_W0, cls_b0, cls_W1, cls_b1):
    src = edge_index[0]
    dst = edge_index[1]
    batch2d = batch.reshape(N // _PCH, _PCH)

    seg_sum = _get_seg_sum()
    p0 = seg_sum(x, src, dst)
    h1 = _conv_post(p0, x, nc0_Wrel.T, nc0_Wroot.T, nc0_brel[None, :])
    p1 = seg_sum(h1, src, dst)
    h2 = _conv_post(p1, h1, nc1_Wrel.T, nc1_Wroot.T, nc1_brel[None, :])

    cw1T = jnp.zeros((64, D), jnp.float32).at[:, :1].set(cls_W1.T)
    out = _tail(
        h2, batch2d,
        lgl_W0.T, lgl_b0[None, :], lgl_W1.T, lgl_b1[None, :],
        temp.reshape(1, 1), theta.reshape(1, 1),
        g0_Wrel.T, g0_brel[None, :], g0_Wroot.T,
        g1_Wrel.T, g1_brel[None, :], g1_Wroot.T,
        cls_W0.T, cls_b0[None, :], cw1T, cls_b1.reshape(1, 1),
    )
    return out[:, :1]

# --- scband reference (transcript-rebuilt; emitter-appended) ---
"""Pipeline reference for scband-gi-g-10986526343839 (READ-ONLY COPY).

The authoritative reference and input builder live on the scoring server;
editing this copy changes nothing except your own understanding.
"""

import jax, jax.numpy as jnp
import numpy as np

N, E, B, D = 10000, 320000, 512, 128
EPS = float(np.finfo(np.float32).eps)


def graph_conv(x, edge_index, W_rel, b_rel, W_root, edge_weight=None):
    # PyG GraphConv (aggr='add'): out = lin_rel(sum_j msg_j) + lin_root(x)
    src = edge_index[0]
    dst = edge_index[1]
    msg = x[src]
    if edge_weight is not None:
        msg = msg * edge_weight[:, None]
    agg = jax.ops.segment_sum(msg, dst, num_segments=x.shape[0])
    return agg @ W_rel.T + b_rel + x @ W_root.T


def setup_inputs(seed: int = 0):
    key = jax.random.key(seed)
    ks = jax.random.split(key, 30)

    def w(i, shape):
        return jax.random.normal(ks[i], shape, dtype=jnp.float32) * 0.05

    inp = {
        "x": jax.random.normal(ks[0], (N, D), dtype=jnp.float32),
        "edge_index": jax.random.randint(ks[1], (2, E), 0, N),
        "batch": jnp.sort(jax.random.randint(ks[2], (N,), 0, B)),
        "nc0_Wrel": w(3, (128, 128)), "nc0_brel": w(4, (128,)), "nc0_Wroot": w(5, (128, 128)),
        "nc1_Wrel": w(6, (128, 128)), "nc1_brel": w(7, (128,)), "nc1_Wroot": w(8, (128, 128)),
        "lgl_W0": w(9, (128, 128)), "lgl_b0": w(10, (128,)),
        "lgl_W1": w(11, (64, 128)), "lgl_b1": w(12, (64,)),
        "temp": jnp.asarray(1.0, jnp.float32), "theta": jnp.asarray(0.5, jnp.float32),
        "g0_Wrel": w(13, (128, 128)), "g0_brel": w(14, (128,)), "g0_Wroot": w(15, (128, 128)),
        "g1_Wrel": w(16, (128, 128)), "g1_brel": w(17, (128,)), "g1_Wroot": w(18, (128, 128)),
        "cls_W0": w(19, (64, 128)), "cls_b0": w(20, (64,)),
        "cls_W1": w(21, (1, 64)), "cls_b1": w(22, (1,)),
    }
    return inp


def reference(x, edge_index, batch, nc0_Wrel, nc0_brel, nc0_Wroot, nc1_Wrel, nc1_brel, nc1_Wroot,
              lgl_W0, lgl_b0, lgl_W1, lgl_b1, temp, theta,
              g0_Wrel, g0_brel, g0_Wroot, g1_Wrel, g1_brel, g1_Wroot,
              cls_W0, cls_b0, cls_W1, cls_b1):
    # ---- NodeConvolution: 2x GraphConv + ReLU + global_mean_pool ----
    h = jax.nn.relu(graph_conv(x, edge_index, nc0_Wrel, nc0_brel, nc0_Wroot))
    h = jax.nn.relu(graph_conv(h, edge_index, nc1_Wrel, nc1_brel, nc1_Wroot))
    ssum = jax.ops.segment_sum(h, batch, num_segments=B)
    cnt = jax.ops.segment_sum(jnp.ones((h.shape[0], 1), h.dtype), batch, num_segments=B)
    feat = ssum / jnp.maximum(cnt, 1.0)  # [B, 128] graph embeddings
    # ---- LGL population-level latent graph learning ----
    o = jax.nn.relu(feat @ lgl_W0.T + lgl_b0)
    o = jax.nn.relu(o @ lgl_W1.T + lgl_b1)
    diff = ((o[:, None, :] - o[None, :, :]) ** 2).sum(2)
    mask = (diff != 0.0).astype(diff.dtype)
    dist = -jnp.sqrt(diff + EPS)
    dist = dist * mask
    prob = temp * dist + theta
    adj = jax.nn.sigmoid(prob + jnp.eye(B, dtype=prob.dtype))
    # dense_to_sparse: sigmoid > 0 everywhere -> all B*B entries, row-major order
    rows = jnp.repeat(jnp.arange(B), B)
    cols = jnp.tile(jnp.arange(B), B)
    pop_ei = jnp.stack([rows, cols])
    ew = adj.reshape(-1)
    # ---- GNN over population graph (LGL returns original features as x) ----
    g = jax.nn.relu(graph_conv(feat, pop_ei, g0_Wrel, g0_brel, g0_Wroot, edge_weight=ew))
    g = jax.nn.relu(graph_conv(g, pop_ei, g1_Wrel, g1_brel, g1_Wroot))
    # ---- Classifier ----
    out = jax.nn.relu(g @ cls_W0.T + cls_b0) @ cls_W1.T + cls_b1
    return out

if __name__ == "__main__":
    import jax
    _d = setup_inputs()
    print(jax.jit(kernel)(*tuple(_d.values())))

</pallas_src>

<mosaic_0001>
#map = affine_map<(d0, d1) -> (0, 0)>
#map1 = affine_map<(d0, d1) -> (0)>
#map2 = affine_map<(d0, d1) -> (0, 0, 0)>
module attributes {stable_mosaic.version = 14 : i64} {
  func.func @_seg_sum_body(%arg0: i32, %arg1: i32, %arg2: memref<10000x128xf32, #tpu.memory_space<hbm>>, %arg3: memref<320000xi32, #tpu.memory_space<hbm>>, %arg4: memref<320000xi32, #tpu.memory_space<hbm>>, %arg5: memref<2x10000x128xf32, #tpu.memory_space<hbm>>, %arg6: memref<128xi32, #tpu.memory_space<vmem>>, %arg7: memref<128xi32, #tpu.memory_space<vmem>>, %arg8: memref<128xi32, #tpu.memory_space<vmem>>, %arg9: memref<128xi32, #tpu.memory_space<vmem>>, %arg10: memref<128xi32, #tpu.memory_space<vmem>>, %arg11: memref<128xi32, #tpu.memory_space<vmem>>, %arg12: memref<3x128x128xf32, #tpu.memory_space<vmem>>, %arg13: memref<10000x128xf32, #tpu.memory_space<vmem_shared>>, %arg14: memref<!tpu.dma_semaphore, #tpu.memory_space<semaphore_mem>>, %arg15: memref<!tpu.dma_semaphore, #tpu.memory_space<semaphore_mem>>, %arg16: memref<!tpu.dma_semaphore, #tpu.memory_space<semaphore_mem>>, %arg17: memref<!tpu.dma_semaphore, #tpu.memory_space<semaphore_mem>>, %arg18: memref<!tpu.dma_semaphore, #tpu.memory_space<semaphore_mem>>, %arg19: memref<!tpu.dma_semaphore, #tpu.memory_space<semaphore_mem>>) attributes {dimension_semantics = [#tpu.dimension_semantics<core_parallel>, #tpu.dimension_semantics<subcore_parallel>], iteration_bounds = array<i64: 2, 16>, scalar_prefetch = 0 : i64, scratch_operands = 14 : i64, tpu.core_type = #tpu.core_type<sc_vector_subcore>, window_params = [{transform_indices = #map}, {transform_indices = #map1}, {transform_indices = #map1}, {transform_indices = #map2}]} {
    %mul3A = arith.constant 2 : i32
    %mul3A_0 = arith.muli %arg1, %mul3A : i32
    %add3A = arith.addi %mul3A_0, %arg0 : i32
    %scan3A = arith.constant 0 : i32
    %scan3A_1 = arith.constant 0 : i32
    %scan3A_2 = arith.constant 80 : i32
    %scan3A_3 = arith.addi %scan3A_1, %scan3A_2 : i32
    %scan3A_4 = arith.constant 1 : i32
    scf.for %scan3A_99 = %scan3A_1 to %scan3A_3 step %scan3A_4  : i32 {
      %broadcast_in_dim3A = arith.constant 0.000000e+00 : f32
      %broadcast_in_dim3A_100 = vector.broadcast %broadcast_in_dim3A : f32 to vector<16xf32>
      %swap3A = arith.constant 0 : i32
      %swap3A_101 = arith.index_cast %swap3A : i32 to index
      %swap3A_102 = arith.index_cast %scan3A_99 : i32 to index
      %swap3A_103 = arith.constant 0 : index
      %swap3A_104 = tpu.vector_load %arg12[%swap3A_101, %swap3A_102, %swap3A_103] {strides = array<i32>} : memref<3x128x128xf32, #tpu.memory_space<vmem>>, vector<1x1x16xf32>,
      %swap3A_105 = vector.shape_cast %swap3A_104 : vector<1x1x16xf32> to vector<16xf32>
      %swap3A_106 = vector.shape_cast %broadcast_in_dim3A_100 : vector<16xf32> to vector<1x1x16xf32>
      tpu.vector_store %arg12[%swap3A_101, %swap3A_102, %swap3A_103], %swap3A_106 {strides = array<i32>} : memref<3x128x128xf32, #tpu.memory_space<vmem>>, vector<1x1x16xf32>,
      %broadcast_in_dim3A_107 = arith.constant 0.000000e+00 : f32
      %broadcast_in_dim3A_108 = vector.broadcast %broadcast_in_dim3A_107 : f32 to vector<16xf32>
      %swap3A_109 = arith.constant 0 : i32
      %swap3A_110 = arith.index_cast %swap3A_109 : i32 to index
      %swap3A_111 = arith.index_cast %scan3A_99 : i32 to index
      %swap3A_112 = arith.constant 16 : index
      %swap3A_113 = tpu.vector_load %arg12[%swap3A_110, %swap3A_111, %swap3A_112] {strides = array<i32>} : memref<3x128x128xf32, #tpu.memory_space<vmem>>, vector<1x1x16xf32>,
      %swap3A_114 = vector.shape_cast %swap3A_113 : vector<1x1x16xf32> to vector<16xf32>
      %swap3A_115 = vector.shape_cast %broadcast_in_dim3A_108 : vector<16xf32> to vector<1x1x16xf32>
      tpu.vector_store %arg12[%swap3A_110, %swap3A_111, %swap3A_112], %swap3A_115 {strides = array<i32>} : memref<3x128x128xf32, #tpu.memory_space<vmem>>, vector<1x1x16xf32>,
      %broadcast_in_dim3A_116 = arith.constant 0.000000e+00 : f32
      %broadcast_in_dim3A_117 = vector.broadcast %broadcast_in_dim3A_116 : f32 to vector<16xf32>
      %swap3A_118 = arith.constant 0 : i32
      %swap3A_119 = arith.index_cast %swap3A_118 : i32 to index
      %swap3A_120 = arith.index_cast %scan3A_99 : i32 to index
      %swap3A_121 = arith.constant 32 : index
      %swap3A_122 = tpu.vector_load %arg12[%swap3A_119, %swap3A_120, %swap3A_121] {strides = array<i32>} : memref<3x128x128xf32, #tpu.memory_space<vmem>>, vector<1x1x16xf32>,
      %swap3A_123 = vector.shape_cast %swap3A_122 : vector<1x1x16xf32> to vector<16xf32>
      %swap3A_124 = vector.shape_cast %broadcast_in_dim3A_117 : vector<16xf32> to vector<1x1x16xf32>
      tpu.vector_store %arg12[%swap3A_119, %swap3A_120, %swap3A_121], %swap3A_124 {strides = array<i32>} : memref<3x128x128xf32, #tpu.memory_space<vmem>>, vector<1x1x16xf32>,
      %broadcast_in_dim3A_125 = arith.constant 0.000000e+00 : f32
      %broadcast_in_dim3A_126 = vector.broadcast %broadcast_in_dim3A_125 : f32 to vector<16xf32>
      %swap3A_127 = arith.constant 0 : i32
      %swap3A_128 = arith.index_cast %swap3A_127 : i32 to index
      %swap3A_129 = arith.index_cast %scan3A_99 : i32 to index
      %swap3A_130 = arith.constant 48 : index
      %swap3A_131 = tpu.vector_load %arg12[%swap3A_128, %swap3A_129, %swap3A_130] {strides = array<i32>} : memref<3x128x128xf32, #tpu.memory_space<vmem>>, vector<1x1x16xf32>,
      %swap3A_132 = vector.shape_cast %swap3A_131 : vector<1x1x16xf32> to vector<16xf32>
      %swap3A_133 = vector.shape_cast %broadcast_in_dim3A_126 : vector<16xf32> to vector<1x1x16xf32>
      tpu.vector_store %arg12[%swap3A_128, %swap3A_129, %swap3A_130], %swap3A_133 {strides = array<i32>} : memref<3x128x128xf32, #tpu.memory_space<vmem>>, vector<1x1x16xf32>,
      %broadcast_in_dim3A_134 = arith.constant 0.000000e+00 : f32
      %broadcast_in_dim3A_135 = vector.broadcast %broadcast_in_dim3A_134 : f32 to vector<16xf32>
      %swap3A_136 = arith.constant 0 : i32
      %swap3A_137 = arith.index_cast %swap3A_136 : i32 to index
      %swap3A_138 = arith.index_cast %scan3A_99 : i32 to index
      %swap3A_139 = arith.constant 64 : index
      %swap3A_140 = tpu.vector_load %arg12[%swap3A_137, %swap3A_138, %swap3A_139] {strides = array<i32>} : memref<3x128x128xf32, #tpu.memory_space<vmem>>, vector<1x1x16xf32>,
      %swap3A_141 = vector.shape_cast %swap3A_140 : vector<1x1x16xf32> to vector<16xf32>
      %swap3A_142 = vector.shape_cast %broadcast_in_dim3A_135 : vector<16xf32> to vector<1x1x16xf32>
      tpu.vector_store %arg12[%swap3A_137, %swap3A_138, %swap3A_139], %swap3A_142 {strides = array<i32>} : memref<3x128x128xf32, #tpu.memory_space<vmem>>, vector<1x1x16xf32>,
      %broadcast_in_dim3A_143 = arith.constant 0.000000e+00 : f32
      %broadcast_in_dim3A_144 = vector.broadcast %broadcast_in_dim3A_143 : f32 to vector<16xf32>
      %swap3A_145 = arith.constant 0 : i32
      %swap3A_146 = arith.index_cast %swap3A_145 : i32 to index
      %swap3A_147 = arith.index_cast %scan3A_99 : i32 to index
      %swap3A_148 = arith.constant 80 : index
      %swap3A_149 = tpu.vector_load %arg12[%swap3A_146, %swap3A_147, %swap3A_148] {strides = array<i32>} : memref<3x128x128xf32, #tpu.memory_space<vmem>>, vector<1x1x16xf32>,
      %swap3A_150 = vector.shape_cast %swap3A_149 : vector<1x1x16xf32> to vector<16xf32>
      %swap3A_151 = vector.shape_cast %broadcast_in_dim3A_144 : vector<16xf32> to vector<1x1x16xf32>
      tpu.vector_store %arg12[%swap3A_146, %swap3A_147, %swap3A_148], %swap3A_151 {strides = array<i32>} : memref<3x128x128xf32, #tpu.memory_space<vmem>>, vector<1x1x16xf32>,
      %broadcast_in_dim3A_152 = arith.constant 0.000000e+00 : f32
      %broadcast_in_dim3A_153 = vector.broadcast %broadcast_in_dim3A_152 : f32 to vector<16xf32>
      %swap3A_154 = arith.constant 0 : i32
      %swap3A_155 = arith.index_cast %swap3A_154 : i32 to index
      %swap3A_156 = arith.index_cast %scan3A_99 : i32 to index
      %swap3A_157 = arith.constant 96 : index
      %swap3A_158 = tpu.vector_load %arg12[%swap3A_155, %swap3A_156, %swap3A_157] {strides = array<i32>} : memref<3x128x128xf32, #tpu.memory_space<vmem>>, vector<1x1x16xf32>,
      %swap3A_159 = vector.shape_cast %swap3A_158 : vector<1x1x16xf32> to vector<16xf32>
      %swap3A_160 = vector.shape_cast %broadcast_in_dim3A_153 : vector<16xf32> to vector<1x1x16xf32>
      tpu.vector_store %arg12[%swap3A_155, %swap3A_156, %swap3A_157], %swap3A_160 {strides = array<i32>} : memref<3x128x128xf32, #tpu.memory_space<vmem>>, vector<1x1x16xf32>,
      %broadcast_in_dim3A_161 = arith.constant 0.000000e+00 : f32
      %broadcast_in_dim3A_162 = vector.broadcast %broadcast_in_dim3A_161 : f32 to vector<16xf32>
      %swap3A_163 = arith.constant 0 : i32
      %swap3A_164 = arith.index_cast %swap3A_163 : i32 to index
      %swap3A_165 = arith.index_cast %scan3A_99 : i32 to index
      %swap3A_166 = arith.constant 112 : index
      %swap3A_167 = tpu.vector_load %arg12[%swap3A_164, %swap3A_165, %swap3A_166] {strides = array<i32>} : memref<3x128x128xf32, #tpu.memory_space<vmem>>, vector<1x1x16xf32>,
      %swap3A_168 = vector.shape_cast %swap3A_167 : vector<1x1x16xf32> to vector<16xf32>
      %swap3A_169 = vector.shape_cast %broadcast_in_dim3A_162 : vector<16xf32> to vector<1x1x16xf32>
      tpu.vector_store %arg12[%swap3A_164, %swap3A_165, %swap3A_166], %swap3A_169 {strides = array<i32>} : memref<3x128x128xf32, #tpu.memory_space<vmem>>, vector<1x1x16xf32>,
    }
    %scan3A_5 = arith.constant 80 : i32
    %lt3A = arith.constant 13 : i32
    %lt3A_6 = arith.cmpi slt, %arg1, %lt3A : i32
    %jit3A = arith.constant 1 : i32
    %jit3A_7 = arith.constant 0 : i32
    %select_n3A = arith.select %lt3A_6, %jit3A, %jit3A_7 : i32
    %add3A_8 = arith.constant 7 : i32
    %add3A_9 = arith.addi %add3A_8, %select_n3A : i32
    %mul3A_10 = arith.constant 7 : i32
    %mul3A_11 = arith.muli %mul3A_10, %arg1 : i32
    %min3A = arith.constant 13 : i32
    %min3A_12 = arith.minsi %arg1, %min3A : i32
    %add3A_13 = arith.addi %mul3A_11, %min3A_12 : i32
    %while3A = arith.constant 0 : i32
    %while3A_14 = arith.constant 0 : i32
    %while3A_15 = arith.subi %add3A_9, %while3A_14 : i32
    %while3A_16 = arith.addi %while3A_14, %while3A_15 : i32
    %while3A_17 = arith.constant 1 : i32
    %while3A_18 = arith.divsi %while3A_15, %while3A_17 : i32
    %while3A_19 = arith.muli %while3A_18, %while3A_17 : i32
    %while3A_20 = arith.addi %while3A_14, %while3A_19 : i32
    %while3A_21 = arith.constant 1 : i32
    scf.for %while3A_99 = %while3A_14 to %while3A_20 step %while3A_21  : i32 {
      %add3A_100 = arith.addi %add3A_13, %while3A_99 : i32
      %mul3A_101 = arith.constant 80 : i32
      %mul3A_102 = arith.muli %add3A_100, %mul3A_101 : i32
      %run_scoped3A = arith.constant 0 : i32
      "tpu.region"() ({
        %run_scoped3A_103 = tpu.sem_alloc : memref<!tpu.dma_semaphore, #tpu.memory_space<semaphore_mem>>
        %dma_start3A_104 = arith.constant 0 : i32
        %dma_start3A_105 = arith.constant 0 : i32
        %dma_start3A_106 = tpu.memref_slice %arg12[%run_scoped3A, %dma_start3A_104, %dma_start3A_105] : memref<3x128x128xf32, #tpu.memory_space<vmem>> -> memref<1x80x128xf32, #tpu.memory_space<vmem>>
        %dma_start3A_107 = tpu.memref_squeeze %dma_start3A_106 : memref<1x80x128xf32, #tpu.memory_space<vmem>> -> memref<80x128xf32, #tpu.memory_space<vmem>>
        %dma_start3A_108 = arith.constant 0 : i32
        %dma_start3A_109 = tpu.memref_slice %arg13[%mul3A_102, %dma_start3A_108] : memref<10000x128xf32, #tpu.memory_space<vmem_shared>> -> memref<80x128xf32, #tpu.memory_space<vmem_shared>>
        %dma_start3A_110 = arith.constant 0 : i32
        %dma_start3A_111 = tpu.memref_slice %arg13[%mul3A_102, %dma_start3A_110] : memref<10000x128xf32, #tpu.memory_space<vmem_shared>> -> memref<80x128xf32, #tpu.memory_space<vmem_shared>>
        %dma_start3A_112 = arith.constant 0 : i32
        %dma_start3A_113 = arith.constant 0 : i32
        %dma_start3A_114 = tpu.memref_slice %arg12[%run_scoped3A, %dma_start3A_112, %dma_start3A_113] : memref<3x128x128xf32, #tpu.memory_space<vmem>> -> memref<1x80x128xf32, #tpu.memory_space<vmem>>
        %dma_start3A_115 = tpu.memref_squeeze %dma_start3A_114 : memref<1x80x128xf32, #tpu.memory_space<vmem>> -> memref<80x128xf32, #tpu.memory_space<vmem>>
        tpu.enqueue_dma source(%dma_start3A_115 : memref<80x128xf32, #tpu.memory_space<vmem>>) target(%dma_start3A_111 : memref<80x128xf32, #tpu.memory_space<vmem_shared>>) target_semaphore(%run_scoped3A_103 : memref<!tpu.dma_semaphore, #tpu.memory_space<semaphore_mem>>)
        %dma_wait3A_116 = arith.constant 0 : i32
        %dma_wait3A_117 = arith.constant 0 : i32
        %dma_wait3A_118 = tpu.memref_slice %arg12[%run_scoped3A, %dma_wait3A_116, %dma_wait3A_117] : memref<3x128x128xf32, #tpu.memory_space<vmem>> -> memref<1x80x128xf32, #tpu.memory_space<vmem>>
        %dma_wait3A_119 = tpu.memref_squeeze %dma_wait3A_118 : memref<1x80x128xf32, #tpu.memory_space<vmem>> -> memref<80x128xf32, #tpu.memory_space<vmem>>
        %dma_wait3A_120 = arith.constant 0 : i32
        %dma_wait3A_121 = tpu.memref_slice %arg13[%mul3A_102, %dma_wait3A_120] : memref<10000x128xf32, #tpu.memory_space<vmem_shared>> -> memref<80x128xf32, #tpu.memory_space<vmem_shared>>
        %dma_wait3A_122 = arith.constant 0 : i32
        %dma_wait3A_123 = tpu.memref_slice %arg13[%mul3A_102, %dma_wait3A_122] : memref<10000x128xf32, #tpu.memory_space<vmem_shared>> -> memref<80x128xf32, #tpu.memory_space<vmem_shared>>
        %dma_wait3A_124 = arith.constant 0 : i32
        %dma_wait3A_125 = arith.constant 0 : i32
        %dma_wait3A_126 = tpu.memref_slice %arg12[%run_scoped3A, %dma_wait3A_124, %dma_wait3A_125] : memref<3x128x128xf32, #tpu.memory_space<vmem>> -> memref<1x80x128xf32, #tpu.memory_space<vmem>>
        %dma_wait3A_127 = tpu.memref_squeeze %dma_wait3A_126 : memref<1x80x128xf32, #tpu.memory_space<vmem>> -> memref<80x128xf32, #tpu.memory_space<vmem>>
        tpu.wait_dma2 semaphore(%run_scoped3A_103 : memref<!tpu.dma_semaphore, #tpu.memory_space<semaphore_mem>>) src(%dma_wait3A_127 : memref<80x128xf32, #tpu.memory_space<vmem>>) dst(%dma_wait3A_123 : memref<80x128xf32, #tpu.memory_space<vmem_shared>>)
        tpu.yield
      }) : () -> ()
    }
    %while3A_22 = arith.constant 1 : i32
    scf.for %while3A_99 = %while3A_20 to %while3A_16 step %while3A_22  : i32 {
      %add3A_100 = arith.addi %add3A_13, %while3A_99 : i32
      %mul3A_101 = arith.constant 80 : i32
      %mul3A_102 = arith.muli %add3A_100, %mul3A_101 : i32
      %run_scoped3A = arith.constant 0 : i32
      "tpu.region"() ({
        %run_scoped3A_103 = tpu.sem_alloc : memref<!tpu.dma_semaphore, #tpu.memory_space<semaphore_mem>>
        %dma_start3A_104 = arith.constant 0 : i32
        %dma_start3A_105 = arith.constant 0 : i32
        %dma_start3A_106 = tpu.memref_slice %arg12[%run_scoped3A, %dma_start3A_104, %dma_start3A_105] : memref<3x128x128xf32, #tpu.memory_space<vmem>> -> memref<1x80x128xf32, #tpu.memory_space<vmem>>
        %dma_start3A_107 = tpu.memref_squeeze %dma_start3A_106 : memref<1x80x128xf32, #tpu.memory_space<vmem>> -> memref<80x128xf32, #tpu.memory_space<vmem>>
        %dma_start3A_108 = arith.constant 0 : i32
        %dma_start3A_109 = tpu.memref_slice %arg13[%mul3A_102, %dma_start3A_108] : memref<10000x128xf32, #tpu.memory_space<vmem_shared>> -> memref<80x128xf32, #tpu.memory_space<vmem_shared>>
        %dma_start3A_110 = arith.constant 0 : i32
        %dma_start3A_111 = tpu.memref_slice %arg13[%mul3A_102, %dma_start3A_110] : memref<10000x128xf32, #tpu.memory_space<vmem_shared>> -> memref<80x128xf32, #tpu.memory_space<vmem_shared>>
        %dma_start3A_112 = arith.constant 0 : i32
        %dma_start3A_113 = arith.constant 0 : i32
        %dma_start3A_114 = tpu.memref_slice %arg12[%run_scoped3A, %dma_start3A_112, %dma_start3A_113] : memref<3x128x128xf32, #tpu.memory_space<vmem>> -> memref<1x80x128xf32, #tpu.memory_space<vmem>>
        %dma_start3A_115 = tpu.memref_squeeze %dma_start3A_114 : memref<1x80x128xf32, #tpu.memory_space<vmem>> -> memref<80x128xf32, #tpu.memory_space<vmem>>
        tpu.enqueue_dma source(%dma_start3A_115 : memref<80x128xf32, #tpu.memory_space<vmem>>) target(%dma_start3A_111 : memref<80x128xf32, #tpu.memory_space<vmem_shared>>) target_semaphore(%run_scoped3A_103 : memref<!tpu.dma_semaphore, #tpu.memory_space<semaphore_mem>>)
        %dma_wait3A_116 = arith.constant 0 : i32
        %dma_wait3A_117 = arith.constant 0 : i32
        %dma_wait3A_118 = tpu.memref_slice %arg12[%run_scoped3A, %dma_wait3A_116, %dma_wait3A_117] : memref<3x128x128xf32, #tpu.memory_space<vmem>> -> memref<1x80x128xf32, #tpu.memory_space<vmem>>
        %dma_wait3A_119 = tpu.memref_squeeze %dma_wait3A_118 : memref<1x80x128xf32, #tpu.memory_space<vmem>> -> memref<80x128xf32, #tpu.memory_space<vmem>>
        %dma_wait3A_120 = arith.constant 0 : i32
        %dma_wait3A_121 = tpu.memref_slice %arg13[%mul3A_102, %dma_wait3A_120] : memref<10000x128xf32, #tpu.memory_space<vmem_shared>> -> memref<80x128xf32, #tpu.memory_space<vmem_shared>>
        %dma_wait3A_122 = arith.constant 0 : i32
        %dma_wait3A_123 = tpu.memref_slice %arg13[%mul3A_102, %dma_wait3A_122] : memref<10000x128xf32, #tpu.memory_space<vmem_shared>> -> memref<80x128xf32, #tpu.memory_space<vmem_shared>>
        %dma_wait3A_124 = arith.constant 0 : i32
        %dma_wait3A_125 = arith.constant 0 : i32
        %dma_wait3A_126 = tpu.memref_slice %arg12[%run_scoped3A, %dma_wait3A_124, %dma_wait3A_125] : memref<3x128x128xf32, #tpu.memory_space<vmem>> -> memref<1x80x128xf32, #tpu.memory_space<vmem>>
        %dma_wait3A_127 = tpu.memref_squeeze %dma_wait3A_126 : memref<1x80x128xf32, #tpu.memory_space<vmem>> -> memref<80x128xf32, #tpu.memory_space<vmem>>
        tpu.wait_dma2 semaphore(%run_scoped3A_103 : memref<!tpu.dma_semaphore, #tpu.memory_space<semaphore_mem>>) src(%dma_wait3A_127 : memref<80x128xf32, #tpu.memory_space<vmem>>) dst(%dma_wait3A_123 : memref<80x128xf32, #tpu.memory_space<vmem_shared>>)
        tpu.yield
      }) : () -> ()
    }
    %barrier3A = arith.constant 0 : index
    tpu.barrier barrier_id(%barrier3A)
    %mul3A_23 = arith.constant 78 : i32
    %mul3A_24 = arith.muli %add3A, %mul3A_23 : i32
    %add3A_25 = arith.constant 0 : i32
    %add3A_26 = arith.addi %mul3A_24, %add3A_25 : i32
    %mul3A_27 = arith.constant 128 : i32
    %mul3A_28 = arith.muli %add3A_26, %mul3A_27 : i32
    "tpu.region"() ({
      %run_scoped3A = tpu.sem_alloc : memref<!tpu.dma_semaphore, #tpu.memory_space<semaphore_mem>>
      %dma_start3A_99 = tpu.memref_slice %arg3[%mul3A_28] : memref<320000xi32, #tpu.memory_space<hbm>> -> memref<128xi32, #tpu.memory_space<hbm>>
      %dma_start3A_100 = tpu.memref_slice %arg3[%mul3A_28] : memref<320000xi32, #tpu.memory_space<hbm>> -> memref<128xi32, #tpu.memory_space<hbm>>
      tpu.enqueue_dma source(%dma_start3A_100 : memref<128xi32, #tpu.memory_space<hbm>>) target(%arg6 : memref<128xi32, #tpu.memory_space<vmem>>) target_semaphore(%run_scoped3A : memref<!tpu.dma_semaphore, #tpu.memory_space<semaphore_mem>>)
      %dma_wait3A_101 = tpu.memref_slice %arg3[%mul3A_28] : memref<320000xi32, #tpu.memory_space<hbm>> -> memref<128xi32, #tpu.memory_space<hbm>>
      %dma_wait3A_102 = tpu.memref_slice %arg3[%mul3A_28] : memref<320000xi32, #tpu.memory_space<hbm>> -> memref<128xi32, #tpu.memory_space<hbm>>
      tpu.wait_dma2 semaphore(%run_scoped3A : memref<!tpu.dma_semaphore, #tpu.memory_space<semaphore_mem>>) src(%dma_wait3A_102 : memref<128xi32, #tpu.memory_space<hbm>>) dst(%arg6 : memref<128xi32, #tpu.memory_space<vmem>>)
      tpu.yield
    }) : () -> ()
    %add3A_29 = arith.constant 0 : i32
    %add3A_30 = arith.addi %mul3A_24, %add3A_29 : i32
    %mul3A_31 = arith.constant 128 : i32
    %mul3A_32 = arith.muli %add3A_30, %mul3A_31 : i32
    "tpu.region"() ({
      %run_scoped3A = tpu.sem_alloc : memref<!tpu.dma_semaphore, #tpu.memory_space<semaphore_mem>>
      %dma_start3A_99 = tpu.memref_slice %arg4[%mul3A_32] : memref<320000xi32, #tpu.memory_space<hbm>> -> memref<128xi32, #tpu.memory_space<hbm>>
      %dma_start3A_100 = tpu.memref_slice %arg4[%mul3A_32] : memref<320000xi32, #tpu.memory_space<hbm>> -> memref<128xi32, #tpu.memory_space<hbm>>
      tpu.enqueue_dma source(%dma_start3A_100 : memref<128xi32, #tpu.memory_space<hbm>>) target(%arg9 : memref<128xi32, #tpu.memory_space<vmem>>) target_semaphore(%run_scoped3A : memref<!tpu.dma_semaphore, #tpu.memory_space<semaphore_mem>>)
      %dma_wait3A_101 = tpu.memref_slice %arg4[%mul3A_32] : memref<320000xi32, #tpu.memory_space<hbm>> -> memref<128xi32, #tpu.memory_space<hbm>>
      %dma_wait3A_102 = tpu.memref_slice %arg4[%mul3A_32] : memref<320000xi32, #tpu.memory_space<hbm>> -> memref<128xi32, #tpu.memory_space<hbm>>
      tpu.wait_dma2 semaphore(%run_scoped3A : memref<!tpu.dma_semaphore, #tpu.memory_space<semaphore_mem>>) src(%dma_wait3A_102 : memref<128xi32, #tpu.memory_space<hbm>>) dst(%arg9 : memref<128xi32, #tpu.memory_space<vmem>>)
      tpu.yield
    }) : () -> ()
    %dma_start3A = arith.constant 0 : i32
    %dma_start3A_33 = arith.constant 0 : i32
    %dma_start3A_34 = arith.constant 0 : i32
    %dma_start3A_35 = tpu.memref_slice %arg12[%dma_start3A, %dma_start3A_33, %dma_start3A_34] : memref<3x128x128xf32, #tpu.memory_space<vmem>> -> memref<1x128x128xf32, #tpu.memory_space<vmem>>
    %dma_start3A_36 = tpu.memref_squeeze %dma_start3A_35 : memref<1x128x128xf32, #tpu.memory_space<vmem>> -> memref<128x128xf32, #tpu.memory_space<vmem>>
    %dma_start3A_37 = arith.constant 0 : i32
    %dma_start3A_38 = arith.constant 0 : i32
    %dma_start3A_39 = tpu.memref_slice %arg2[%dma_start3A_37, %dma_start3A_38] : memref<10000x128xf32, #tpu.memory_space<hbm>> -> memref<10000x128xf32, #tpu.memory_space<hbm>>
    tpu.enqueue_indirect_dma source(%dma_start3A_39 : memref<10000x128xf32, #tpu.memory_space<hbm>>) target(%dma_start3A_36 : memref<128x128xf32, #tpu.memory_space<vmem>>) offsets(%arg6 : memref<128xi32, #tpu.memory_space<vmem>>) semaphore(%arg14 : memref<!tpu.dma_semaphore, #tpu.memory_space<semaphore_mem>>)
    %add3A_40 = arith.constant 1 : i32
    %add3A_41 = arith.addi %mul3A_24, %add3A_40 : i32
    %mul3A_42 = arith.constant 128 : i32
    %mul3A_43 = arith.muli %add3A_41, %mul3A_42 : i32
    "tpu.region"() ({
      %run_scoped3A = tpu.sem_alloc : memref<!tpu.dma_semaphore, #tpu.memory_space<semaphore_mem>>
      %dma_start3A_99 = tpu.memref_slice %arg3[%mul3A_43] : memref<320000xi32, #tpu.memory_space<hbm>> -> memref<128xi32, #tpu.memory_space<hbm>>
      %dma_start3A_100 = tpu.memref_slice %arg3[%mul3A_43] : memref<320000xi32, #tpu.memory_space<hbm>> -> memref<128xi32, #tpu.memory_space<hbm>>
      tpu.enqueue_dma source(%dma_start3A_100 : memref<128xi32, #tpu.memory_space<hbm>>) target(%arg7 : memref<128xi32, #tpu.memory_space<vmem>>) target_semaphore(%run_scoped3A : memref<!tpu.dma_semaphore, #tpu.memory_space<semaphore_mem>>)
      %dma_wait3A_101 = tpu.memref_slice %arg3[%mul3A_43] : memref<320000xi32, #tpu.memory_space<hbm>> -> memref<128xi32, #tpu.memory_space<hbm>>
      %dma_wait3A_102 = tpu.memref_slice %arg3[%mul3A_43] : memref<320000xi32, #tpu.memory_space<hbm>> -> memref<128xi32, #tpu.memory_space<hbm>>
      tpu.wait_dma2 semaphore(%run_scoped3A : memref<!tpu.dma_semaphore, #tpu.memory_space<semaphore_mem>>) src(%dma_wait3A_102 : memref<128xi32, #tpu.memory_space<hbm>>) dst(%arg7 : memref<128xi32, #tpu.memory_space<vmem>>)
      tpu.yield
    }) : () -> ()
    %add3A_44 = arith.constant 1 : i32
    %add3A_45 = arith.addi %mul3A_24, %add3A_44 : i32
    %mul3A_46 = arith.constant 128 : i32
    %mul3A_47 = arith.muli %add3A_45, %mul3A_46 : i32
    "tpu.region"() ({
      %run_scoped3A = tpu.sem_alloc : memref<!tpu.dma_semaphore, #tpu.memory_space<semaphore_mem>>
      %dma_start3A_99 = tpu.memref_slice %arg4[%mul3A_47] : memref<320000xi32, #tpu.memory_space<hbm>> -> memref<128xi32, #tpu.memory_space<hbm>>
      %dma_start3A_100 = tpu.memref_slice %arg4[%mul3A_47] : memref<320000xi32, #tpu.memory_space<hbm>> -> memref<128xi32, #tpu.memory_space<hbm>>
      tpu.enqueue_dma source(%dma_start3A_100 : memref<128xi32, #tpu.memory_space<hbm>>) target(%arg10 : memref<128xi32, #tpu.memory_space<vmem>>) target_semaphore(%run_scoped3A : memref<!tpu.dma_semaphore, #tpu.memory_space<semaphore_mem>>)
      %dma_wait3A_101 = tpu.memref_slice %arg4[%mul3A_47] : memref<320000xi32, #tpu.memory_space<hbm>> -> memref<128xi32, #tpu.memory_space<hbm>>
      %dma_wait3A_102 = tpu.memref_slice %arg4[%mul3A_47] : memref<320000xi32, #tpu.memory_space<hbm>> -> memref<128xi32, #tpu.memory_space<hbm>>
      tpu.wait_dma2 semaphore(%run_scoped3A : memref<!tpu.dma_semaphore, #tpu.memory_space<semaphore_mem>>) src(%dma_wait3A_102 : memref<128xi32, #tpu.memory_space<hbm>>) dst(%arg10 : memref<128xi32, #tpu.memory_space<vmem>>)
      tpu.yield
    }) : () -> ()
    %dma_start3A_48 = arith.constant 1 : i32
    %dma_start3A_49 = arith.constant 0 : i32
    %dma_start3A_50 = arith.constant 0 : i32
    %dma_start3A_51 = tpu.memref_slice %arg12[%dma_start3A_48, %dma_start3A_49, %dma_start3A_50] : memref<3x128x128xf32, #tpu.memory_space<vmem>> -> memref<1x128x128xf32, #tpu.memory_space<vmem>>
    %dma_start3A_52 = tpu.memref_squeeze %dma_start3A_51 : memref<1x128x128xf32, #tpu.memory_space<vmem>> -> memref<128x128xf32, #tpu.memory_space<vmem>>
    %dma_start3A_53 = arith.constant 0 : i32
    %dma_start3A_54 = arith.constant 0 : i32
    %dma_start3A_55 = tpu.memref_slice %arg2[%dma_start3A_53, %dma_start3A_54] : memref<10000x128xf32, #tpu.memory_space<hbm>> -> memref<10000x128xf32, #tpu.memory_space<hbm>>
    tpu.enqueue_indirect_dma source(%dma_start3A_55 : memref<10000x128xf32, #tpu.memory_space<hbm>>) target(%dma_start3A_52 : memref<128x128xf32, #tpu.memory_space<vmem>>) offsets(%arg7 : memref<128xi32, #tpu.memory_space<vmem>>) semaphore(%arg15 : memref<!tpu.dma_semaphore, #tpu.memory_space<semaphore_mem>>)
    %scan3A_56 = arith.constant 0 : i32
    %scan3A_57 = arith.constant 0 : i32
    %scan3A_58 = arith.constant 26 : i32
    %scan3A_59 = arith.addi %scan3A_57, %scan3A_58 : i32
    %scan3A_60 = arith.constant 1 : i32
    scf.for %scan3A_99 = %scan3A_57 to %scan3A_59 step %scan3A_60  : i32 {
      %mul3A_100 = arith.constant 3 : i32
      %mul3A_101 = arith.muli %mul3A_100, %scan3A_99 : i32
      %add3A_102 = arith.constant 0 : i32
      %add3A_103 = arith.addi %mul3A_101, %add3A_102 : i32
      %dma_wait3A_104 = arith.constant 0 : i32
      %dma_wait3A_105 = arith.constant 0 : i32
      %dma_wait3A_106 = arith.constant 0 : i32
      %dma_wait3A_107 = tpu.memref_slice %arg12[%dma_wait3A_104, %dma_wait3A_105, %dma_wait3A_106] : memref<3x128x128xf32, #tpu.memory_space<vmem>> -> memref<1x128x128xf32, #tpu.memory_space<vmem>>
      %dma_wait3A_108 = tpu.memref_squeeze %dma_wait3A_107 : memref<1x128x128xf32, #tpu.memory_space<vmem>> -> memref<128x128xf32, #tpu.memory_space<vmem>>
      %dma_wait3A_109 = arith.constant 0 : i32
      %dma_wait3A_110 = arith.constant 0 : i32
      %dma_wait3A_111 = tpu.memref_slice %arg2[%dma_wait3A_109, %dma_wait3A_110] : memref<10000x128xf32, #tpu.memory_space<hbm>> -> memref<10000x128xf32, #tpu.memory_space<hbm>>
      tpu.wait_indirect_dma semaphore(%arg14 : memref<!tpu.dma_semaphore, #tpu.memory_space<semaphore_mem>>) src(%dma_wait3A_111 : memref<10000x128xf32, #tpu.memory_space<hbm>>) dst(%dma_wait3A_108 : memref<128x128xf32, #tpu.memory_space<vmem>>)
      %dma_start3A_112 = arith.constant 0 : i32
      %dma_start3A_113 = arith.constant 0 : i32
      %dma_start3A_114 = arith.constant 0 : i32
      %dma_start3A_115 = tpu.memref_slice %arg12[%dma_start3A_112, %dma_start3A_113, %dma_start3A_114] : memref<3x128x128xf32, #tpu.memory_space<vmem>> -> memref<1x128x128xf32, #tpu.memory_space<vmem>>
      %dma_start3A_116 = tpu.memref_squeeze %dma_start3A_115 : memref<1x128x128xf32, #tpu.memory_space<vmem>> -> memref<128x128xf32, #tpu.memory_space<vmem>>
      %dma_start3A_117 = arith.constant 0 : i32
      %dma_start3A_118 = arith.constant 0 : i32
      %dma_start3A_119 = tpu.memref_slice %arg13[%dma_start3A_117, %dma_start3A_118] : memref<10000x128xf32, #tpu.memory_space<vmem_shared>> -> memref<10000x128xf32, #tpu.memory_space<vmem_shared>>
      tpu.enqueue_indirect_dma source(%dma_start3A_116 : memref<128x128xf32, #tpu.memory_space<vmem>>) target(%dma_start3A_119 : memref<10000x128xf32, #tpu.memory_space<vmem_shared>>) offsets(%arg9 : memref<128xi32, #tpu.memory_space<vmem>>) semaphore(%arg17 : memref<!tpu.dma_semaphore, #tpu.memory_space<semaphore_mem>>) {add = true}
      %ge3A = arith.constant 1 : i32
      %ge3A_120 = arith.cmpi sge, %add3A_103, %ge3A : i32
      %le3A = arith.constant 75 : i32
      %le3A_121 = arith.cmpi sle, %add3A_103, %le3A : i32
      %and3A = arith.andi %ge3A_120, %le3A_121 : i1
      %convert_element_type3A_122 = arith.extui %and3A : i1 to i32
      %cond3A_123 = arith.constant 0 : i32
      %cond3A_124 = arith.cmpi ne, %convert_element_type3A_122, %cond3A_123 : i32
      scf.if %cond3A_124 {
        %dma_wait3A_196 = arith.constant 2 : i32
        %dma_wait3A_197 = arith.constant 0 : i32
        %dma_wait3A_198 = arith.constant 0 : i32
        %dma_wait3A_199 = tpu.memref_slice %arg12[%dma_wait3A_196, %dma_wait3A_197, %dma_wait3A_198] : memref<3x128x128xf32, #tpu.memory_space<vmem>> -> memref<1x128x128xf32, #tpu.memory_space<vmem>>
        %dma_wait3A_200 = tpu.memref_squeeze %dma_wait3A_199 : memref<1x128x128xf32, #tpu.memory_space<vmem>> -> memref<128x128xf32, #tpu.memory_space<vmem>>
        %dma_wait3A_201 = arith.constant 0 : i32
        %dma_wait3A_202 = arith.constant 0 : i32
        %dma_wait3A_203 = tpu.memref_slice %arg13[%dma_wait3A_201, %dma_wait3A_202] : memref<10000x128xf32, #tpu.memory_space<vmem_shared>> -> memref<10000x128xf32, #tpu.memory_space<vmem_shared>>
        tpu.wait_indirect_dma semaphore(%arg19 : memref<!tpu.dma_semaphore, #tpu.memory_space<semaphore_mem>>) src(%dma_wait3A_200 : memref<128x128xf32, #tpu.memory_space<vmem>>) dst(%dma_wait3A_203 : memref<10000x128xf32, #tpu.memory_space<vmem_shared>>)
      } else {
      }
      %le3A_125 = arith.constant 75 : i32
      %le3A_126 = arith.cmpi sle, %add3A_103, %le3A_125 : i32
      %convert_element_type3A_127 = arith.extui %le3A_126 : i1 to i32
      %cond3A_128 = arith.constant 0 : i32
      %cond3A_129 = arith.cmpi ne, %convert_element_type3A_127, %cond3A_128 : i32
      scf.if %cond3A_129 {
        %add3A_196 = arith.addi %mul3A_24, %add3A_103 : i32
        %add3A_197 = arith.constant 2 : i32
        %add3A_198 = arith.addi %add3A_196, %add3A_197 : i32
        %mul3A_199 = arith.constant 128 : i32
        %mul3A_200 = arith.muli %add3A_198, %mul3A_199 : i32
        "tpu.region"() ({
          %run_scoped3A = tpu.sem_alloc : memref<!tpu.dma_semaphore, #tpu.memory_space<semaphore_mem>>
          %dma_start3A_209 = tpu.memref_slice %arg3[%mul3A_200] : memref<320000xi32, #tpu.memory_space<hbm>> -> memref<128xi32, #tpu.memory_space<hbm>>
          %dma_start3A_210 = tpu.memref_slice %arg3[%mul3A_200] : memref<320000xi32, #tpu.memory_space<hbm>> -> memref<128xi32, #tpu.memory_space<hbm>>
          tpu.enqueue_dma source(%dma_start3A_210 : memref<128xi32, #tpu.memory_space<hbm>>) target(%arg8 : memref<128xi32, #tpu.memory_space<vmem>>) target_semaphore(%run_scoped3A : memref<!tpu.dma_semaphore, #tpu.memory_space<semaphore_mem>>)
          %dma_wait3A_211 = tpu.memref_slice %arg3[%mul3A_200] : memref<320000xi32, #tpu.memory_space<hbm>> -> memref<128xi32, #tpu.memory_space<hbm>>
          %dma_wait3A_212 = tpu.memref_slice %arg3[%mul3A_200] : memref<320000xi32, #tpu.memory_space<hbm>> -> memref<128xi32, #tpu.memory_space<hbm>>
          tpu.wait_dma2 semaphore(%run_scoped3A : memref<!tpu.dma_semaphore, #tpu.memory_space<semaphore_mem>>) src(%dma_wait3A_212 : memref<128xi32, #tpu.memory_space<hbm>>) dst(%arg8 : memref<128xi32, #tpu.memory_space<vmem>>)
          tpu.yield
        }) : () -> ()
        "tpu.region"() ({
          %run_scoped3A = tpu.sem_alloc : memref<!tpu.dma_semaphore, #tpu.memory_space<semaphore_mem>>
          %dma_start3A_209 = tpu.memref_slice %arg4[%mul3A_200] : memref<320000xi32, #tpu.memory_space<hbm>> -> memref<128xi32, #tpu.memory_space<hbm>>
          %dma_start3A_210 = tpu.memref_slice %arg4[%mul3A_200] : memref<320000xi32, #tpu.memory_space<hbm>> -> memref<128xi32, #tpu.memory_space<hbm>>
          tpu.enqueue_dma source(%dma_start3A_210 : memref<128xi32, #tpu.memory_space<hbm>>) target(%arg11 : memref<128xi32, #tpu.memory_space<vmem>>) target_semaphore(%run_scoped3A : memref<!tpu.dma_semaphore, #tpu.memory_space<semaphore_mem>>)
          %dma_wait3A_211 = tpu.memref_slice %arg4[%mul3A_200] : memref<320000xi32, #tpu.memory_space<hbm>> -> memref<128xi32, #tpu.memory_space<hbm>>
          %dma_wait3A_212 = tpu.memref_slice %arg4[%mul3A_200] : memref<320000xi32, #tpu.memory_space<hbm>> -> memref<128xi32, #tpu.memory_space<hbm>>
          tpu.wait_dma2 semaphore(%run_scoped3A : memref<!tpu.dma_semaphore, #tpu.memory_space<semaphore_mem>>) src(%dma_wait3A_212 : memref<128xi32, #tpu.memory_space<hbm>>) dst(%arg11 : memref<128xi32, #tpu.memory_space<vmem>>)
          tpu.yield
        }) : () -> ()
        %dma_start3A_201 = arith.constant 2 : i32
        %dma_start3A_202 = arith.constant 0 : i32
        %dma_start3A_203 = arith.constant 0 : i32
        %dma_start3A_204 = tpu.memref_slice %arg12[%dma_start3A_201, %dma_start3A_202, %dma_start3A_203] : memref<3x128x128xf32, #tpu.memory_space<vmem>> -> memref<1x128x128xf32, #tpu.memory_space<vmem>>
        %dma_start3A_205 = tpu.memref_squeeze %dma_start3A_204 : memref<1x128x128xf32, #tpu.memory_space<vmem>> -> memref<128x128xf32, #tpu.memory_space<vmem>>
        %dma_start3A_206 = arith.constant 0 : i32
        %dma_start3A_207 = arith.constant 0 : i32
        %dma_start3A_208 = tpu.memref_slice %arg2[%dma_start3A_206, %dma_start3A_207] : memref<10000x128xf32, #tpu.memory_space<hbm>> -> memref<10000x128xf32, #tpu.memory_space<hbm>>
        tpu.enqueue_indirect_dma source(%dma_start3A_208 : memref<10000x128xf32, #tpu.memory_space<hbm>>) target(%dma_start3A_205 : memref<128x128xf32, #tpu.memory_space<vmem>>) offsets(%arg8 : memref<128xi32, #tpu.memory_space<vmem>>) semaphore(%arg16 : memref<!tpu.dma_semaphore, #tpu.memory_space<semaphore_mem>>)
      } else {
      }
      %mul3A_130 = arith.constant 3 : i32
      %mul3A_131 = arith.muli %mul3A_130, %scan3A_99 : i32
      %add3A_132 = arith.constant 1 : i32
      %add3A_133 = arith.addi %mul3A_131, %add3A_132 : i32
      %dma_wait3A_134 = arith.constant 1 : i32
      %dma_wait3A_135 = arith.constant 0 : i32
      %dma_wait3A_136 = arith.constant 0 : i32
      %dma_wait3A_137 = tpu.memref_slice %arg12[%dma_wait3A_134, %dma_wait3A_135, %dma_wait3A_136] : memref<3x128x128xf32, #tpu.memory_space<vmem>> -> memref<1x128x128xf32, #tpu.memory_space<vmem>>
      %dma_wait3A_138 = tpu.memref_squeeze %dma_wait3A_137 : memref<1x128x128xf32, #tpu.memory_space<vmem>> -> memref<128x128xf32, #tpu.memory_space<vmem>>
      %dma_wait3A_139 = arith.constant 0 : i32
      %dma_wait3A_140 = arith.constant 0 : i32
      %dma_wait3A_141 = tpu.memref_slice %arg2[%dma_wait3A_139, %dma_wait3A_140] : memref<10000x128xf32, #tpu.memory_space<hbm>> -> memref<10000x128xf32, #tpu.memory_space<hbm>>
      tpu.wait_indirect_dma semaphore(%arg15 : memref<!tpu.dma_semaphore, #tpu.memory_space<semaphore_mem>>) src(%dma_wait3A_141 : memref<10000x128xf32, #tpu.memory_space<hbm>>) dst(%dma_wait3A_138 : memref<128x128xf32, #tpu.memory_space<vmem>>)
      %dma_start3A_142 = arith.constant 1 : i32
      %dma_start3A_143 = arith.constant 0 : i32
      %dma_start3A_144 = arith.constant 0 : i32
      %dma_start3A_145 = tpu.memref_slice %arg12[%dma_start3A_142, %dma_start3A_143, %dma_start3A_144] : memref<3x128x128xf32, #tpu.memory_space<vmem>> -> memref<1x128x128xf32, #tpu.memory_space<vmem>>
      %dma_start3A_146 = tpu.memref_squeeze %dma_start3A_145 : memref<1x128x128xf32, #tpu.memory_space<vmem>> -> memref<128x128xf32, #tpu.memory_space<vmem>>
      %dma_start3A_147 = arith.constant 0 : i32
      %dma_start3A_148 = arith.constant 0 : i32
      %dma_start3A_149 = tpu.memref_slice %arg13[%dma_start3A_147, %dma_start3A_148] : memref<10000x128xf32, #tpu.memory_space<vmem_shared>> -> memref<10000x128xf32, #tpu.memory_space<vmem_shared>>
      tpu.enqueue_indirect_dma source(%dma_start3A_146 : memref<128x128xf32, #tpu.memory_space<vmem>>) target(%dma_start3A_149 : memref<10000x128xf32, #tpu.memory_space<vmem_shared>>) offsets(%arg10 : memref<128xi32, #tpu.memory_space<vmem>>) semaphore(%arg18 : memref<!tpu.dma_semaphore, #tpu.memory_space<semaphore_mem>>) {add = true}
      %ge3A_150 = arith.constant 1 : i32
      %ge3A_151 = arith.cmpi sge, %add3A_133, %ge3A_150 : i32
      %le3A_152 = arith.constant 75 : i32
      %le3A_153 = arith.cmpi sle, %add3A_133, %le3A_152 : i32
      %and3A_154 = arith.andi %ge3A_151, %le3A_153 : i1
      %convert_element_type3A_155 = arith.extui %and3A_154 : i1 to i32
      %cond3A_156 = arith.constant 0 : i32
      %cond3A_157 = arith.cmpi ne, %convert_element_type3A_155, %cond3A_156 : i32
      scf.if %cond3A_157 {
        %dma_wait3A_196 = arith.constant 0 : i32
        %dma_wait3A_197 = arith.constant 0 : i32
        %dma_wait3A_198 = arith.constant 0 : i32
        %dma_wait3A_199 = tpu.memref_slice %arg12[%dma_wait3A_196, %dma_wait3A_197, %dma_wait3A_198] : memref<3x128x128xf32, #tpu.memory_space<vmem>> -> memref<1x128x128xf32, #tpu.memory_space<vmem>>
        %dma_wait3A_200 = tpu.memref_squeeze %dma_wait3A_199 : memref<1x128x128xf32, #tpu.memory_space<vmem>> -> memref<128x128xf32, #tpu.memory_space<vmem>>
        %dma_wait3A_201 = arith.constant 0 : i32
        %dma_wait3A_202 = arith.constant 0 : i32
        %dma_wait3A_203 = tpu.memref_slice %arg13[%dma_wait3A_201, %dma_wait3A_202] : memref<10000x128xf32, #tpu.memory_space<vmem_shared>> -> memref<10000x128xf32, #tpu.memory_space<vmem_shared>>
        tpu.wait_indirect_dma semaphore(%arg17 : memref<!tpu.dma_semaphore, #tpu.memory_space<semaphore_mem>>) src(%dma_wait3A_200 : memref<128x128xf32, #tpu.memory_space<vmem>>) dst(%dma_wait3A_203 : memref<10000x128xf32, #tpu.memory_space<vmem_shared>>)
      } else {
      }
      %le3A_158 = arith.constant 75 : i32
      %le3A_159 = arith.cmpi sle, %add3A_133, %le3A_158 : i32
      %convert_element_type3A_160 = arith.extui %le3A_159 : i1 to i32
      %cond3A_161 = arith.constant 0 : i32
      %cond3A_162 = arith.cmpi ne, %convert_element_type3A_160, %cond3A_161 : i32
      scf.if %cond3A_162 {
        %add3A_196 = arith.addi %mul3A_24, %add3A_133 : i32
        %add3A_197 = arith.constant 2 : i32
        %add3A_198 = arith.addi %add3A_196, %add3A_197 : i32
        %mul3A_199 = arith.constant 128 : i32
        %mul3A_200 = arith.muli %add3A_198, %mul3A_199 : i32
        "tpu.region"() ({
          %run_scoped3A = tpu.sem_alloc : memref<!tpu.dma_semaphore, #tpu.memory_space<semaphore_mem>>
          %dma_start3A_209 = tpu.memref_slice %arg3[%mul3A_200] : memref<320000xi32, #tpu.memory_space<hbm>> -> memref<128xi32, #tpu.memory_space<hbm>>
          %dma_start3A_210 = tpu.memref_slice %arg3[%mul3A_200] : memref<320000xi32, #tpu.memory_space<hbm>> -> memref<128xi32, #tpu.memory_space<hbm>>
          tpu.enqueue_dma source(%dma_start3A_210 : memref<128xi32, #tpu.memory_space<hbm>>) target(%arg6 : memref<128xi32, #tpu.memory_space<vmem>>) target_semaphore(%run_scoped3A : memref<!tpu.dma_semaphore, #tpu.memory_space<semaphore_mem>>)
          %dma_wait3A_211 = tpu.memref_slice %arg3[%mul3A_200] : memref<320000xi32, #tpu.memory_space<hbm>> -> memref<128xi32, #tpu.memory_space<hbm>>
          %dma_wait3A_212 = tpu.memref_slice %arg3[%mul3A_200] : memref<320000xi32, #tpu.memory_space<hbm>> -> memref<128xi32, #tpu.memory_space<hbm>>
          tpu.wait_dma2 semaphore(%run_scoped3A : memref<!tpu.dma_semaphore, #tpu.memory_space<semaphore_mem>>) src(%dma_wait3A_212 : memref<128xi32, #tpu.memory_space<hbm>>) dst(%arg6 : memref<128xi32, #tpu.memory_space<vmem>>)
          tpu.yield
        }) : () -> ()
        "tpu.region"() ({
          %run_scoped3A = tpu.sem_alloc : memref<!tpu.dma_semaphore, #tpu.memory_space<semaphore_mem>>
          %dma_start3A_209 = tpu.memref_slice %arg4[%mul3A_200] : memref<320000xi32, #tpu.memory_space<hbm>> -> memref<128xi32, #tpu.memory_space<hbm>>
          %dma_start3A_210 = tpu.memref_slice %arg4[%mul3A_200] : memref<320000xi32, #tpu.memory_space<hbm>> -> memref<128xi32, #tpu.memory_space<hbm>>
          tpu.enqueue_dma source(%dma_start3A_210 : memref<128xi32, #tpu.memory_space<hbm>>) target(%arg9 : memref<128xi32, #tpu.memory_space<vmem>>) target_semaphore(%run_scoped3A : memref<!tpu.dma_semaphore, #tpu.memory_space<semaphore_mem>>)
          %dma_wait3A_211 = tpu.memref_slice %arg4[%mul3A_200] : memref<320000xi32, #tpu.memory_space<hbm>> -> memref<128xi32, #tpu.memory_space<hbm>>
          %dma_wait3A_212 = tpu.memref_slice %arg4[%mul3A_200] : memref<320000xi32, #tpu.memory_space<hbm>> -> memref<128xi32, #tpu.memory_space<hbm>>
          tpu.wait_dma2 semaphore(%run_scoped3A : memref<!tpu.dma_semaphore, #tpu.memory_space<semaphore_mem>>) src(%dma_wait3A_212 : memref<128xi32, #tpu.memory_space<hbm>>) dst(%arg9 : memref<128xi32, #tpu.memory_space<vmem>>)
          tpu.yield
        }) : () -> ()
        %dma_start3A_201 = arith.constant 0 : i32
        %dma_start3A_202 = arith.constant 0 : i32
        %dma_start3A_203 = arith.constant 0 : i32
        %dma_start3A_204 = tpu.memref_slice %arg12[%dma_start3A_201, %dma_start3A_202, %dma_start3A_203] : memref<3x128x128xf32, #tpu.memory_space<vmem>> -> memref<1x128x128xf32, #tpu.memory_space<vmem>>
        %dma_start3A_205 = tpu.memref_squeeze %dma_start3A_204 : memref<1x128x128xf32, #tpu.memory_space<vmem>> -> memref<128x128xf32, #tpu.memory_space<vmem>>
        %dma_start3A_206 = arith.constant 0 : i32
        %dma_start3A_207 = arith.constant 0 : i32
        %dma_start3A_208 = tpu.memref_slice %arg2[%dma_start3A_206, %dma_start3A_207] : memref<10000x128xf32, #tpu.memory_space<hbm>> -> memref<10000x128xf32, #tpu.memory_space<hbm>>
        tpu.enqueue_indirect_dma source(%dma_start3A_208 : memref<10000x128xf32, #tpu.memory_space<hbm>>) target(%dma_start3A_205 : memref<128x128xf32, #tpu.memory_space<vmem>>) offsets(%arg6 : memref<128xi32, #tpu.memory_space<vmem>>) semaphore(%arg14 : memref<!tpu.dma_semaphore, #tpu.memory_space<semaphore_mem>>)
      } else {
      }
      %mul3A_163 = arith.constant 3 : i32
      %mul3A_164 = arith.muli %mul3A_163, %scan3A_99 : i32
      %add3A_165 = arith.constant 2 : i32
      %add3A_166 = arith.addi %mul3A_164, %add3A_165 : i32
      %dma_wait3A_167 = arith.constant 2 : i32
      %dma_wait3A_168 = arith.constant 0 : i32
      %dma_wait3A_169 = arith.constant 0 : i32
      %dma_wait3A_170 = tpu.memref_slice %arg12[%dma_wait3A_167, %dma_wait3A_168, %dma_wait3A_169] : memref<3x128x128xf32, #tpu.memory_space<vmem>> -> memref<1x128x128xf32, #tpu.memory_space<vmem>>
      %dma_wait3A_171 = tpu.memref_squeeze %dma_wait3A_170 : memref<1x128x128xf32, #tpu.memory_space<vmem>> -> memref<128x128xf32, #tpu.memory_space<vmem>>
      %dma_wait3A_172 = arith.constant 0 : i32
      %dma_wait3A_173 = arith.constant 0 : i32
      %dma_wait3A_174 = tpu.memref_slice %arg2[%dma_wait3A_172, %dma_wait3A_173] : memref<10000x128xf32, #tpu.memory_space<hbm>> -> memref<10000x128xf32, #tpu.memory_space<hbm>>
      tpu.wait_indirect_dma semaphore(%arg16 : memref<!tpu.dma_semaphore, #tpu.memory_space<semaphore_mem>>) src(%dma_wait3A_174 : memref<10000x128xf32, #tpu.memory_space<hbm>>) dst(%dma_wait3A_171 : memref<128x128xf32, #tpu.memory_space<vmem>>)
      %dma_start3A_175 = arith.constant 2 : i32
      %dma_start3A_176 = arith.constant 0 : i32
      %dma_start3A_177 = arith.constant 0 : i32
      %dma_start3A_178 = tpu.memref_slice %arg12[%dma_start3A_175, %dma_start3A_176, %dma_start3A_177] : memref<3x128x128xf32, #tpu.memory_space<vmem>> -> memref<1x128x128xf32, #tpu.memory_space<vmem>>
      %dma_start3A_179 = tpu.memref_squeeze %dma_start3A_178 : memref<1x128x128xf32, #tpu.memory_space<vmem>> -> memref<128x128xf32, #tpu.memory_space<vmem>>
      %dma_start3A_180 = arith.constant 0 : i32
      %dma_start3A_181 = arith.constant 0 : i32
      %dma_start3A_182 = tpu.memref_slice %arg13[%dma_start3A_180, %dma_start3A_181] : memref<10000x128xf32, #tpu.memory_space<vmem_shared>> -> memref<10000x128xf32, #tpu.memory_space<vmem_shared>>
      tpu.enqueue_indirect_dma source(%dma_start3A_179 : memref<128x128xf32, #tpu.memory_space<vmem>>) target(%dma_start3A_182 : memref<10000x128xf32, #tpu.memory_space<vmem_shared>>) offsets(%arg11 : memref<128xi32, #tpu.memory_space<vmem>>) semaphore(%arg19 : memref<!tpu.dma_semaphore, #tpu.memory_space<semaphore_mem>>) {add = true}
      %ge3A_183 = arith.constant 1 : i32
      %ge3A_184 = arith.cmpi sge, %add3A_166, %ge3A_183 : i32
      %le3A_185 = arith.constant 75 : i32
      %le3A_186 = arith.cmpi sle, %add3A_166, %le3A_185 : i32
      %and3A_187 = arith.andi %ge3A_184, %le3A_186 : i1
      %convert_element_type3A_188 = arith.extui %and3A_187 : i1 to i32
      %cond3A_189 = arith.constant 0 : i32
      %cond3A_190 = arith.cmpi ne, %convert_element_type3A_188, %cond3A_189 : i32
      scf.if %cond3A_190 {
        %dma_wait3A_196 = arith.constant 1 : i32
        %dma_wait3A_197 = arith.constant 0 : i32
        %dma_wait3A_198 = arith.constant 0 : i32
        %dma_wait3A_199 = tpu.memref_slice %arg12[%dma_wait3A_196, %dma_wait3A_197, %dma_wait3A_198] : memref<3x128x128xf32, #tpu.memory_space<vmem>> -> memref<1x128x128xf32, #tpu.memory_space<vmem>>
        %dma_wait3A_200 = tpu.memref_squeeze %dma_wait3A_199 : memref<1x128x128xf32, #tpu.memory_space<vmem>> -> memref<128x128xf32, #tpu.memory_space<vmem>>
        %dma_wait3A_201 = arith.constant 0 : i32
        %dma_wait3A_202 = arith.constant 0 : i32
        %dma_wait3A_203 = tpu.memref_slice %arg13[%dma_wait3A_201, %dma_wait3A_202] : memref<10000x128xf32, #tpu.memory_space<vmem_shared>> -> memref<10000x128xf32, #tpu.memory_space<vmem_shared>>
        tpu.wait_indirect_dma semaphore(%arg18 : memref<!tpu.dma_semaphore, #tpu.memory_space<semaphore_mem>>) src(%dma_wait3A_200 : memref<128x128xf32, #tpu.memory_space<vmem>>) dst(%dma_wait3A_203 : memref<10000x128xf32, #tpu.memory_space<vmem_shared>>)
      } else {
      }
      %le3A_191 = arith.constant 75 : i32
      %le3A_192 = arith.cmpi sle, %add3A_166, %le3A_191 : i32
      %convert_element_type3A_193 = arith.extui %le3A_192 : i1 to i32
      %cond3A_194 = arith.constant 0 : i32
      %cond3A_195 = arith.cmpi ne, %convert_element_type3A_193, %cond3A_194 : i32
      scf.if %cond3A_195 {
        %add3A_196 = arith.addi %mul3A_24, %add3A_166 : i32
        %add3A_197 = arith.constant 2 : i32
        %add3A_198 = arith.addi %add3A_196, %add3A_197 : i32
        %mul3A_199 = arith.constant 128 : i32
        %mul3A_200 = arith.muli %add3A_198, %mul3A_199 : i32
        "tpu.region"() ({
          %run_scoped3A = tpu.sem_alloc : memref<!tpu.dma_semaphore, #tpu.memory_space<semaphore_mem>>
          %dma_start3A_209 = tpu.memref_slice %arg3[%mul3A_200] : memref<320000xi32, #tpu.memory_space<hbm>> -> memref<128xi32, #tpu.memory_space<hbm>>
          %dma_start3A_210 = tpu.memref_slice %arg3[%mul3A_200] : memref<320000xi32, #tpu.memory_space<hbm>> -> memref<128xi32, #tpu.memory_space<hbm>>
          tpu.enqueue_dma source(%dma_start3A_210 : memref<128xi32, #tpu.memory_space<hbm>>) target(%arg7 : memref<128xi32, #tpu.memory_space<vmem>>) target_semaphore(%run_scoped3A : memref<!tpu.dma_semaphore, #tpu.memory_space<semaphore_mem>>)
          %dma_wait3A_211 = tpu.memref_slice %arg3[%mul3A_200] : memref<320000xi32, #tpu.memory_space<hbm>> -> memref<128xi32, #tpu.memory_space<hbm>>
          %dma_wait3A_212 = tpu.memref_slice %arg3[%mul3A_200] : memref<320000xi32, #tpu.memory_space<hbm>> -> memref<128xi32, #tpu.memory_space<hbm>>
          tpu.wait_dma2 semaphore(%run_scoped3A : memref<!tpu.dma_semaphore, #tpu.memory_space<semaphore_mem>>) src(%dma_wait3A_212 : memref<128xi32, #tpu.memory_space<hbm>>) dst(%arg7 : memref<128xi32, #tpu.memory_space<vmem>>)
          tpu.yield
        }) : () -> ()
        "tpu.region"() ({
          %run_scoped3A = tpu.sem_alloc : memref<!tpu.dma_semaphore, #tpu.memory_space<semaphore_mem>>
          %dma_start3A_209 = tpu.memref_slice %arg4[%mul3A_200] : memref<320000xi32, #tpu.memory_space<hbm>> -> memref<128xi32, #tpu.memory_space<hbm>>
          %dma_start3A_210 = tpu.memref_slice %arg4[%mul3A_200] : memref<320000xi32, #tpu.memory_space<hbm>> -> memref<128xi32, #tpu.memory_space<hbm>>
          tpu.enqueue_dma source(%dma_start3A_210 : memref<128xi32, #tpu.memory_space<hbm>>) target(%arg10 : memref<128xi32, #tpu.memory_space<vmem>>) target_semaphore(%run_scoped3A : memref<!tpu.dma_semaphore, #tpu.memory_space<semaphore_mem>>)
          %dma_wait3A_211 = tpu.memref_slice %arg4[%mul3A_200] : memref<320000xi32, #tpu.memory_space<hbm>> -> memref<128xi32, #tpu.memory_space<hbm>>
          %dma_wait3A_212 = tpu.memref_slice %arg4[%mul3A_200] : memref<320000xi32, #tpu.memory_space<hbm>> -> memref<128xi32, #tpu.memory_space<hbm>>
          tpu.wait_dma2 semaphore(%run_scoped3A : memref<!tpu.dma_semaphore, #tpu.memory_space<semaphore_mem>>) src(%dma_wait3A_212 : memref<128xi32, #tpu.memory_space<hbm>>) dst(%arg10 : memref<128xi32, #tpu.memory_space<vmem>>)
          tpu.yield
        }) : () -> ()
        %dma_start3A_201 = arith.constant 1 : i32
        %dma_start3A_202 = arith.constant 0 : i32
        %dma_start3A_203 = arith.constant 0 : i32
        %dma_start3A_204 = tpu.memref_slice %arg12[%dma_start3A_201, %dma_start3A_202, %dma_start3A_203] : memref<3x128x128xf32, #tpu.memory_space<vmem>> -> memref<1x128x128xf32, #tpu.memory_space<vmem>>
        %dma_start3A_205 = tpu.memref_squeeze %dma_start3A_204 : memref<1x128x128xf32, #tpu.memory_space<vmem>> -> memref<128x128xf32, #tpu.memory_space<vmem>>
        %dma_start3A_206 = arith.constant 0 : i32
        %dma_start3A_207 = arith.constant 0 : i32
        %dma_start3A_208 = tpu.memref_slice %arg2[%dma_start3A_206, %dma_start3A_207] : memref<10000x128xf32, #tpu.memory_space<hbm>> -> memref<10000x128xf32, #tpu.memory_space<hbm>>
        tpu.enqueue_indirect_dma source(%dma_start3A_208 : memref<10000x128xf32, #tpu.memory_space<hbm>>) target(%dma_start3A_205 : memref<128x128xf32, #tpu.memory_space<vmem>>) offsets(%arg7 : memref<128xi32, #tpu.memory_space<vmem>>) semaphore(%arg15 : memref<!tpu.dma_semaphore, #tpu.memory_space<semaphore_mem>>)
      } else {
      }
    }
    %scan3A_61 = arith.constant 26 : i32
    %dma_wait3A = arith.constant 0 : i32
    %dma_wait3A_62 = arith.constant 0 : i32
    %dma_wait3A_63 = arith.constant 0 : i32
    %dma_wait3A_64 = tpu.memref_slice %arg12[%dma_wait3A, %dma_wait3A_62, %dma_wait3A_63] : memref<3x128x128xf32, #tpu.memory_space<vmem>> -> memref<1x128x128xf32, #tpu.memory_space<vmem>>
    %dma_wait3A_65 = tpu.memref_squeeze %dma_wait3A_64 : memref<1x128x128xf32, #tpu.memory_space<vmem>> -> memref<128x128xf32, #tpu.memory_space<vmem>>
    %dma_wait3A_66 = arith.constant 0 : i32
    %dma_wait3A_67 = arith.constant 0 : i32
    %dma_wait3A_68 = tpu.memref_slice %arg13[%dma_wait3A_66, %dma_wait3A_67] : memref<10000x128xf32, #tpu.memory_space<vmem_shared>> -> memref<10000x128xf32, #tpu.memory_space<vmem_shared>>
    tpu.wait_indirect_dma semaphore(%arg17 : memref<!tpu.dma_semaphore, #tpu.memory_space<semaphore_mem>>) src(%dma_wait3A_65 : memref<128x128xf32, #tpu.memory_space<vmem>>) dst(%dma_wait3A_68 : memref<10000x128xf32, #tpu.memory_space<vmem_shared>>)
    %dma_wait3A_69 = arith.constant 1 : i32
    %dma_wait3A_70 = arith.constant 0 : i32
    %dma_wait3A_71 = arith.constant 0 : i32
    %dma_wait3A_72 = tpu.memref_slice %arg12[%dma_wait3A_69, %dma_wait3A_70, %dma_wait3A_71] : memref<3x128x128xf32, #tpu.memory_space<vmem>> -> memref<1x128x128xf32, #tpu.memory_space<vmem>>
    %dma_wait3A_73 = tpu.memref_squeeze %dma_wait3A_72 : memref<1x128x128xf32, #tpu.memory_space<vmem>> -> memref<128x128xf32, #tpu.memory_space<vmem>>
    %dma_wait3A_74 = arith.constant 0 : i32
    %dma_wait3A_75 = arith.constant 0 : i32
    %dma_wait3A_76 = tpu.memref_slice %arg13[%dma_wait3A_74, %dma_wait3A_75] : memref<10000x128xf32, #tpu.memory_space<vmem_shared>> -> memref<10000x128xf32, #tpu.memory_space<vmem_shared>>
    tpu.wait_indirect_dma semaphore(%arg18 : memref<!tpu.dma_semaphore, #tpu.memory_space<semaphore_mem>>) src(%dma_wait3A_73 : memref<128x128xf32, #tpu.memory_space<vmem>>) dst(%dma_wait3A_76 : memref<10000x128xf32, #tpu.memory_space<vmem_shared>>)
    %dma_wait3A_77 = arith.constant 2 : i32
    %dma_wait3A_78 = arith.constant 0 : i32
    %dma_wait3A_79 = arith.constant 0 : i32
    %dma_wait3A_80 = tpu.memref_slice %arg12[%dma_wait3A_77, %dma_wait3A_78, %dma_wait3A_79] : memref<3x128x128xf32, #tpu.memory_space<vmem>> -> memref<1x128x128xf32, #tpu.memory_space<vmem>>
    %dma_wait3A_81 = tpu.memref_squeeze %dma_wait3A_80 : memref<1x128x128xf32, #tpu.memory_space<vmem>> -> memref<128x128xf32, #tpu.memory_space<vmem>>
    %dma_wait3A_82 = arith.constant 0 : i32
    %dma_wait3A_83 = arith.constant 0 : i32
    %dma_wait3A_84 = tpu.memref_slice %arg13[%dma_wait3A_82, %dma_wait3A_83] : memref<10000x128xf32, #tpu.memory_space<vmem_shared>> -> memref<10000x128xf32, #tpu.memory_space<vmem_shared>>
    tpu.wait_indirect_dma semaphore(%arg19 : memref<!tpu.dma_semaphore, #tpu.memory_space<semaphore_mem>>) src(%dma_wait3A_81 : memref<128x128xf32, #tpu.memory_space<vmem>>) dst(%dma_wait3A_84 : memref<10000x128xf32, #tpu.memory_space<vmem_shared>>)
    %lt3A_85 = arith.constant 4 : i32
    %lt3A_86 = arith.cmpi slt, %add3A, %lt3A_85 : i32
    %convert_element_type3A = arith.extui %lt3A_86 : i1 to i32
    %cond3A = arith.constant 0 : i32
    %cond3A_87 = arith.cmpi ne, %convert_element_type3A, %cond3A : i32
    scf.if %cond3A_87 {
      %add3A_99 = arith.constant 2496 : i32
      %add3A_100 = arith.addi %add3A_99, %add3A : i32
      %mul3A_101 = arith.constant 128 : i32
      %mul3A_102 = arith.muli %add3A_100, %mul3A_101 : i32
      "tpu.region"() ({
        %run_scoped3A_119 = tpu.sem_alloc : memref<!tpu.dma_semaphore, #tpu.memory_space<semaphore_mem>>
        %dma_start3A_120 = tpu.memref_slice %arg3[%mul3A_102] : memref<320000xi32, #tpu.memory_space<hbm>> -> memref<128xi32, #tpu.memory_space<hbm>>
        %dma_start3A_121 = tpu.memref_slice %arg3[%mul3A_102] : memref<320000xi32, #tpu.memory_space<hbm>> -> memref<128xi32, #tpu.memory_space<hbm>>
        tpu.enqueue_dma source(%dma_start3A_121 : memref<128xi32, #tpu.memory_space<hbm>>) target(%arg6 : memref<128xi32, #tpu.memory_space<vmem>>) target_semaphore(%run_scoped3A_119 : memref<!tpu.dma_semaphore, #tpu.memory_space<semaphore_mem>>)
        %dma_wait3A_122 = tpu.memref_slice %arg3[%mul3A_102] : memref<320000xi32, #tpu.memory_space<hbm>> -> memref<128xi32, #tpu.memory_space<hbm>>
        %dma_wait3A_123 = tpu.memref_slice %arg3[%mul3A_102] : memref<320000xi32, #tpu.memory_space<hbm>> -> memref<128xi32, #tpu.memory_space<hbm>>
        tpu.wait_dma2 semaphore(%run_scoped3A_119 : memref<!tpu.dma_semaphore, #tpu.memory_space<semaphore_mem>>) src(%dma_wait3A_123 : memref<128xi32, #tpu.memory_space<hbm>>) dst(%arg6 : memref<128xi32, #tpu.memory_space<vmem>>)
        tpu.yield
      }) : () -> ()
      "tpu.region"() ({
        %run_scoped3A_119 = tpu.sem_alloc : memref<!tpu.dma_semaphore, #tpu.memory_space<semaphore_mem>>
        %dma_start3A_120 = tpu.memref_slice %arg4[%mul3A_102] : memref<320000xi32, #tpu.memory_space<hbm>> -> memref<128xi32, #tpu.memory_space<hbm>>
        %dma_start3A_121 = tpu.memref_slice %arg4[%mul3A_102] : memref<320000xi32, #tpu.memory_space<hbm>> -> memref<128xi32, #tpu.memory_space<hbm>>
        tpu.enqueue_dma source(%dma_start3A_121 : memref<128xi32, #tpu.memory_space<hbm>>) target(%arg9 : memref<128xi32, #tpu.memory_space<vmem>>) target_semaphore(%run_scoped3A_119 : memref<!tpu.dma_semaphore, #tpu.memory_space<semaphore_mem>>)
        %dma_wait3A_122 = tpu.memref_slice %arg4[%mul3A_102] : memref<320000xi32, #tpu.memory_space<hbm>> -> memref<128xi32, #tpu.memory_space<hbm>>
        %dma_wait3A_123 = tpu.memref_slice %arg4[%mul3A_102] : memref<320000xi32, #tpu.memory_space<hbm>> -> memref<128xi32, #tpu.memory_space<hbm>>
        tpu.wait_dma2 semaphore(%run_scoped3A_119 : memref<!tpu.dma_semaphore, #tpu.memory_space<semaphore_mem>>) src(%dma_wait3A_123 : memref<128xi32, #tpu.memory_space<hbm>>) dst(%arg9 : memref<128xi32, #tpu.memory_space<vmem>>)
        tpu.yield
      }) : () -> ()
      %dma_start3A_103 = arith.constant 0 : i32
      %dma_start3A_104 = arith.constant 0 : i32
      %dma_start3A_105 = arith.constant 0 : i32
      %dma_start3A_106 = tpu.memref_slice %arg12[%dma_start3A_103, %dma_start3A_104, %dma_start3A_105] : memref<3x128x128xf32, #tpu.memory_space<vmem>> -> memref<1x128x128xf32, #tpu.memory_space<vmem>>
      %dma_start3A_107 = tpu.memref_squeeze %dma_start3A_106 : memref<1x128x128xf32, #tpu.memory_space<vmem>> -> memref<128x128xf32, #tpu.memory_space<vmem>>
      %dma_start3A_108 = arith.constant 0 : i32
      %dma_start3A_109 = arith.constant 0 : i32
      %dma_start3A_110 = tpu.memref_slice %arg2[%dma_start3A_108, %dma_start3A_109] : memref<10000x128xf32, #tpu.memory_space<hbm>> -> memref<10000x128xf32, #tpu.memory_space<hbm>>
      tpu.enqueue_indirect_dma source(%dma_start3A_110 : memref<10000x128xf32, #tpu.memory_space<hbm>>) target(%dma_start3A_107 : memref<128x128xf32, #tpu.memory_space<vmem>>) offsets(%arg6 : memref<128xi32, #tpu.memory_space<vmem>>) semaphore(%arg14 : memref<!tpu.dma_semaphore, #tpu.memory_space<semaphore_mem>>)
      %dma_wait3A_111 = arith.constant 0 : i32
      %dma_wait3A_112 = arith.constant 0 : i32
      %dma_wait3A_113 = arith.constant 0 : i32
      %dma_wait3A_114 = tpu.memref_slice %arg12[%dma_wait3A_111, %dma_wait3A_112, %dma_wait3A_113] : memref<3x128x128xf32, #tpu.memory_space<vmem>> -> memref<1x128x128xf32, #tpu.memory_space<vmem>>
      %dma_wait3A_115 = tpu.memref_squeeze %dma_wait3A_114 : memref<1x128x128xf32, #tpu.memory_space<vmem>> -> memref<128x128xf32, #tpu.memory_space<vmem>>
      %dma_wait3A_116 = arith.constant 0 : i32
      %dma_wait3A_117 = arith.constant 0 : i32
      %dma_wait3A_118 = tpu.memref_slice %arg2[%dma_wait3A_116, %dma_wait3A_117] : memref<10000x128xf32, #tpu.memory_space<hbm>> -> memref<10000x128xf32, #tpu.memory_space<hbm>>
      tpu.wait_indirect_dma semaphore(%arg14 : memref<!tpu.dma_semaphore, #tpu.memory_space<semaphore_mem>>) src(%dma_wait3A_118 : memref<10000x128xf32, #tpu.memory_space<hbm>>) dst(%dma_wait3A_115 : memref<128x128xf32, #tpu.memory_space<vmem>>)
      %run_scoped3A = arith.constant 0 : i32
      "tpu.region"() ({
        %run_scoped3A_119 = tpu.sem_alloc : memref<!tpu.dma_semaphore, #tpu.memory_space<semaphore_mem>>
        %dma_start3A_120 = arith.constant 0 : i32
        %dma_start3A_121 = arith.constant 0 : i32
        %dma_start3A_122 = tpu.memref_slice %arg12[%run_scoped3A, %dma_start3A_120, %dma_start3A_121] : memref<3x128x128xf32, #tpu.memory_space<vmem>> -> memref<1x128x128xf32, #tpu.memory_space<vmem>>
        %dma_start3A_123 = tpu.memref_squeeze %dma_start3A_122 : memref<1x128x128xf32, #tpu.memory_space<vmem>> -> memref<128x128xf32, #tpu.memory_space<vmem>>
        %dma_start3A_124 = arith.constant 0 : i32
        %dma_start3A_125 = arith.constant 0 : i32
        %dma_start3A_126 = tpu.memref_slice %arg13[%dma_start3A_124, %dma_start3A_125] : memref<10000x128xf32, #tpu.memory_space<vmem_shared>> -> memref<10000x128xf32, #tpu.memory_space<vmem_shared>>
        tpu.enqueue_indirect_dma source(%dma_start3A_123 : memref<128x128xf32, #tpu.memory_space<vmem>>) target(%dma_start3A_126 : memref<10000x128xf32, #tpu.memory_space<vmem_shared>>) offsets(%arg9 : memref<128xi32, #tpu.memory_space<vmem>>) semaphore(%run_scoped3A_119 : memref<!tpu.dma_semaphore, #tpu.memory_space<semaphore_mem>>) {add = true}
        %dma_wait3A_127 = arith.constant 0 : i32
        %dma_wait3A_128 = arith.constant 0 : i32
        %dma_wait3A_129 = tpu.memref_slice %arg12[%run_scoped3A, %dma_wait3A_127, %dma_wait3A_128] : memref<3x128x128xf32, #tpu.memory_space<vmem>> -> memref<1x128x128xf32, #tpu.memory_space<vmem>>
        %dma_wait3A_130 = tpu.memref_squeeze %dma_wait3A_129 : memref<1x128x128xf32, #tpu.memory_space<vmem>> -> memref<128x128xf32, #tpu.memory_space<vmem>>
        %dma_wait3A_131 = arith.constant 0 : i32
        %dma_wait3A_132 = arith.constant 0 : i32
        %dma_wait3A_133 = tpu.memref_slice %arg13[%dma_wait3A_131, %dma_wait3A_132] : memref<10000x128xf32, #tpu.memory_space<vmem_shared>> -> memref<10000x128xf32, #tpu.memory_space<vmem_shared>>
        tpu.wait_indirect_dma semaphore(%run_scoped3A_119 : memref<!tpu.dma_semaphore, #tpu.memory_space<semaphore_mem>>) src(%dma_wait3A_130 : memref<128x128xf32, #tpu.memory_space<vmem>>) dst(%dma_wait3A_133 : memref<10000x128xf32, #tpu.memory_space<vmem_shared>>)
        tpu.yield
      }) : () -> ()
    } else {
    }
    %barrier3A_88 = arith.constant 0 : index
    tpu.barrier barrier_id(%barrier3A_88)
    %while3A_89 = arith.constant 0 : i32
    %while3A_90 = arith.constant 0 : i32
    %while3A_91 = arith.subi %add3A_9, %while3A_90 : i32
    %while3A_92 = arith.addi %while3A_90, %while3A_91 : i32
    %while3A_93 = arith.constant 1 : i32
    %while3A_94 = arith.divsi %while3A_91, %while3A_93 : i32
    %while3A_95 = arith.muli %while3A_94, %while3A_93 : i32
    %while3A_96 = arith.addi %while3A_90, %while3A_95 : i32
    %while3A_97 = arith.constant 1 : i32
    scf.for %while3A_99 = %while3A_90 to %while3A_96 step %while3A_97  : i32 {
      %add3A_100 = arith.addi %add3A_13, %while3A_99 : i32
      %mul3A_101 = arith.constant 80 : i32
      %mul3A_102 = arith.muli %add3A_100, %mul3A_101 : i32
      %run_scoped3A = arith.constant 0 : i32
      "tpu.region"() ({
        %run_scoped3A_104 = tpu.sem_alloc : memref<!tpu.dma_semaphore, #tpu.memory_space<semaphore_mem>>
        %dma_start3A_105 = arith.constant 0 : i32
        %dma_start3A_106 = arith.constant 0 : i32
        %dma_start3A_107 = tpu.memref_slice %arg12[%run_scoped3A, %dma_start3A_105, %dma_start3A_106] : memref<3x128x128xf32, #tpu.memory_space<vmem>> -> memref<1x80x128xf32, #tpu.memory_space<vmem>>
        %dma_start3A_108 = tpu.memref_squeeze %dma_start3A_107 : memref<1x80x128xf32, #tpu.memory_space<vmem>> -> memref<80x128xf32, #tpu.memory_space<vmem>>
        %dma_start3A_109 = arith.constant 0 : i32
        %dma_start3A_110 = tpu.memref_slice %arg13[%mul3A_102, %dma_start3A_109] : memref<10000x128xf32, #tpu.memory_space<vmem_shared>> -> memref<80x128xf32, #tpu.memory_space<vmem_shared>>
        %dma_start3A_111 = arith.constant 0 : i32
        %dma_start3A_112 = arith.constant 0 : i32
        %dma_start3A_113 = tpu.memref_slice %arg12[%run_scoped3A, %dma_start3A_111, %dma_start3A_112] : memref<3x128x128xf32, #tpu.memory_space<vmem>> -> memref<1x80x128xf32, #tpu.memory_space<vmem>>
        %dma_start3A_114 = tpu.memref_squeeze %dma_start3A_113 : memref<1x80x128xf32, #tpu.memory_space<vmem>> -> memref<80x128xf32, #tpu.memory_space<vmem>>
        %dma_start3A_115 = arith.constant 0 : i32
        %dma_start3A_116 = tpu.memref_slice %arg13[%mul3A_102, %dma_start3A_115] : memref<10000x128xf32, #tpu.memory_space<vmem_shared>> -> memref<80x128xf32, #tpu.memory_space<vmem_shared>>
        tpu.enqueue_dma source(%dma_start3A_116 : memref<80x128xf32, #tpu.memory_space<vmem_shared>>) target(%dma_start3A_114 : memref<80x128xf32, #tpu.memory_space<vmem>>) target_semaphore(%run_scoped3A_104 : memref<!tpu.dma_semaphore, #tpu.memory_space<semaphore_mem>>)
        %dma_wait3A_117 = arith.constant 0 : i32
        %dma_wait3A_118 = arith.constant 0 : i32
        %dma_wait3A_119 = tpu.memref_slice %arg12[%run_scoped3A, %dma_wait3A_117, %dma_wait3A_118] : memref<3x128x128xf32, #tpu.memory_space<vmem>> -> memref<1x80x128xf32, #tpu.memory_space<vmem>>
        %dma_wait3A_120 = tpu.memref_squeeze %dma_wait3A_119 : memref<1x80x128xf32, #tpu.memory_space<vmem>> -> memref<80x128xf32, #tpu.memory_space<vmem>>
        %dma_wait3A_121 = arith.constant 0 : i32
        %dma_wait3A_122 = tpu.memref_slice %arg13[%mul3A_102, %dma_wait3A_121] : memref<10000x128xf32, #tpu.memory_space<vmem_shared>> -> memref<80x128xf32, #tpu.memory_space<vmem_shared>>
        %dma_wait3A_123 = arith.constant 0 : i32
        %dma_wait3A_124 = arith.constant 0 : i32
        %dma_wait3A_125 = tpu.memref_slice %arg12[%run_scoped3A, %dma_wait3A_123, %dma_wait3A_124] : memref<3x128x128xf32, #tpu.memory_space<vmem>> -> memref<1x80x128xf32, #tpu.memory_space<vmem>>
        %dma_wait3A_126 = tpu.memref_squeeze %dma_wait3A_125 : memref<1x80x128xf32, #tpu.memory_space<vmem>> -> memref<80x128xf32, #tpu.memory_space<vmem>>
        %dma_wait3A_127 = arith.constant 0 : i32
        %dma_wait3A_128 = tpu.memref_slice %arg13[%mul3A_102, %dma_wait3A_127] : memref<10000x128xf32, #tpu.memory_space<vmem_shared>> -> memref<80x128xf32, #tpu.memory_space<vmem_shared>>
        tpu.wait_dma2 semaphore(%run_scoped3A_104 : memref<!tpu.dma_semaphore, #tpu.memory_space<semaphore_mem>>) src(%dma_wait3A_128 : memref<80x128xf32, #tpu.memory_space<vmem_shared>>) dst(%dma_wait3A_126 : memref<80x128xf32, #tpu.memory_space<vmem>>)
        tpu.yield
      }) : () -> ()
      %run_scoped3A_103 = arith.constant 0 : i32
      "tpu.region"() ({
        %run_scoped3A_104 = tpu.sem_alloc : memref<!tpu.dma_semaphore, #tpu.memory_space<semaphore_mem>>
        %dma_start3A_105 = arith.constant 0 : i32
        %dma_start3A_106 = arith.constant 0 : i32
        %dma_start3A_107 = tpu.memref_slice %arg12[%run_scoped3A_103, %dma_start3A_105, %dma_start3A_106] : memref<3x128x128xf32, #tpu.memory_space<vmem>> -> memref<1x80x128xf32, #tpu.memory_space<vmem>>
        %dma_start3A_108 = tpu.memref_squeeze %dma_start3A_107 : memref<1x80x128xf32, #tpu.memory_space<vmem>> -> memref<80x128xf32, #tpu.memory_space<vmem>>
        %dma_start3A_109 = arith.constant 0 : i32
        %dma_start3A_110 = tpu.memref_slice %arg5[%arg0, %mul3A_102, %dma_start3A_109] : memref<2x10000x128xf32, #tpu.memory_space<hbm>> -> memref<1x80x128xf32, #tpu.memory_space<hbm>>
        %dma_start3A_111 = tpu.memref_squeeze %dma_start3A_110 : memref<1x80x128xf32, #tpu.memory_space<hbm>> -> memref<80x128xf32, #tpu.memory_space<hbm>>
        %dma_start3A_112 = arith.constant 0 : i32
        %dma_start3A_113 = tpu.memref_slice %arg5[%arg0, %mul3A_102, %dma_start3A_112] : memref<2x10000x128xf32, #tpu.memory_space<hbm>> -> memref<1x80x128xf32, #tpu.memory_space<hbm>>
        %dma_start3A_114 = tpu.memref_squeeze %dma_start3A_113 : memref<1x80x128xf32, #tpu.memory_space<hbm>> -> memref<80x128xf32, #tpu.memory_space<hbm>>
        %dma_start3A_115 = arith.constant 0 : i32
        %dma_start3A_116 = arith.constant 0 : i32
        %dma_start3A_117 = tpu.memref_slice %arg12[%run_scoped3A_103, %dma_start3A_115, %dma_start3A_116] : memref<3x128x128xf32, #tpu.memory_space<vmem>> -> memref<1x80x128xf32, #tpu.memory_space<vmem>>
        %dma_start3A_118 = tpu.memref_squeeze %dma_start3A_117 : memref<1x80x128xf32, #tpu.memory_space<vmem>> -> memref<80x128xf32, #tpu.memory_space<vmem>>
        tpu.enqueue_dma source(%dma_start3A_118 : memref<80x128xf32, #tpu.memory_space<vmem>>) target(%dma_start3A_114 : memref<80x128xf32, #tpu.memory_space<hbm>>) target_semaphore(%run_scoped3A_104 : memref<!tpu.dma_semaphore, #tpu.memory_space<semaphore_mem>>)
        %dma_wait3A_119 = arith.constant 0 : i32
        %dma_wait3A_120 = arith.constant 0 : i32
        %dma_wait3A_121 = tpu.memref_slice %arg12[%run_scoped3A_103, %dma_wait3A_119, %dma_wait3A_120] : memref<3x128x128xf32, #tpu.memory_space<vmem>> -> memref<1x80x128xf32, #tpu.memory_space<vmem>>
        %dma_wait3A_122 = tpu.memref_squeeze %dma_wait3A_121 : memref<1x80x128xf32, #tpu.memory_space<vmem>> -> memref<80x128xf32, #tpu.memory_space<vmem>>
        %dma_wait3A_123 = arith.constant 0 : i32
        %dma_wait3A_124 = tpu.memref_slice %arg5[%arg0, %mul3A_102, %dma_wait3A_123] : memref<2x10000x128xf32, #tpu.memory_space<hbm>> -> memref<1x80x128xf32, #tpu.memory_space<hbm>>
        %dma_wait3A_125 = tpu.memref_squeeze %dma_wait3A_124 : memref<1x80x128xf32, #tpu.memory_space<hbm>> -> memref<80x128xf32, #tpu.memory_space<hbm>>
        %dma_wait3A_126 = arith.constant 0 : i32
        %dma_wait3A_127 = tpu.memref_slice %arg5[%arg0, %mul3A_102, %dma_wait3A_126] : memref<2x10000x128xf32, #tpu.memory_space<hbm>> -> memref<1x80x128xf32, #tpu.memory_space<hbm>>
        %dma_wait3A_128 = tpu.memref_squeeze %dma_wait3A_127 : memref<1x80x128xf32, #tpu.memory_space<hbm>> -> memref<80x128xf32, #tpu.memory_space<hbm>>
        %dma_wait3A_129 = arith.constant 0 : i32
        %dma_wait3A_130 = arith.constant 0 : i32
        %dma_wait3A_131 = tpu.memref_slice %arg12[%run_scoped3A_103, %dma_wait3A_129, %dma_wait3A_130] : memref<3x128x128xf32, #tpu.memory_space<vmem>> -> memref<1x80x128xf32, #tpu.memory_space<vmem>>
        %dma_wait3A_132 = tpu.memref_squeeze %dma_wait3A_131 : memref<1x80x128xf32, #tpu.memory_space<vmem>> -> memref<80x128xf32, #tpu.memory_space<vmem>>
        tpu.wait_dma2 semaphore(%run_scoped3A_104 : memref<!tpu.dma_semaphore, #tpu.memory_space<semaphore_mem>>) src(%dma_wait3A_132 : memref<80x128xf32, #tpu.memory_space<vmem>>) dst(%dma_wait3A_128 : memref<80x128xf32, #tpu.memory_space<hbm>>)
        tpu.yield
      }) : () -> ()
    }
    %while3A_98 = arith.constant 1 : i32
    scf.for %while3A_99 = %while3A_96 to %while3A_92 step %while3A_98  : i32 {
      %add3A_100 = arith.addi %add3A_13, %while3A_99 : i32
      %mul3A_101 = arith.constant 80 : i32
      %mul3A_102 = arith.muli %add3A_100, %mul3A_101 : i32
      %run_scoped3A = arith.constant 0 : i32
      "tpu.region"() ({
        %run_scoped3A_104 = tpu.sem_alloc : memref<!tpu.dma_semaphore, #tpu.memory_space<semaphore_mem>>
        %dma_start3A_105 = arith.constant 0 : i32
        %dma_start3A_106 = arith.constant 0 : i32
        %dma_start3A_107 = tpu.memref_slice %arg12[%run_scoped3A, %dma_start3A_105, %dma_start3A_106] : memref<3x128x128xf32, #tpu.memory_space<vmem>> -> memref<1x80x128xf32, #tpu.memory_space<vmem>>
        %dma_start3A_108 = tpu.memref_squeeze %dma_start3A_107 : memref<1x80x128xf32, #tpu.memory_space<vmem>> -> memref<80x128xf32, #tpu.memory_space<vmem>>
        %dma_start3A_109 = arith.constant 0 : i32
        %dma_start3A_110 = tpu.memref_slice %arg13[%mul3A_102, %dma_start3A_109] : memref<10000x128xf32, #tpu.memory_space<vmem_shared>> -> memref<80x128xf32, #tpu.memory_space<vmem_shared>>
        %dma_start3A_111 = arith.constant 0 : i32
        %dma_start3A_112 = arith.constant 0 : i32
        %dma_start3A_113 = tpu.memref_slice %arg12[%run_scoped3A, %dma_start3A_111, %dma_start3A_112] : memref<3x128x128xf32, #tpu.memory_space<vmem>> -> memref<1x80x128xf32, #tpu.memory_space<vmem>>
        %dma_start3A_114 = tpu.memref_squeeze %dma_start3A_113 : memref<1x80x128xf32, #tpu.memory_space<vmem>> -> memref<80x128xf32, #tpu.memory_space<vmem>>
        %dma_start3A_115 = arith.constant 0 : i32
        %dma_start3A_116 = tpu.memref_slice %arg13[%mul3A_102, %dma_start3A_115] : memref<10000x128xf32, #tpu.memory_space<vmem_shared>> -> memref<80x128xf32, #tpu.memory_space<vmem_shared>>
        tpu.enqueue_dma source(%dma_start3A_116 : memref<80x128xf32, #tpu.memory_space<vmem_shared>>) target(%dma_start3A_114 : memref<80x128xf32, #tpu.memory_space<vmem>>) target_semaphore(%run_scoped3A_104 : memref<!tpu.dma_semaphore, #tpu.memory_space<semaphore_mem>>)
        %dma_wait3A_117 = arith.constant 0 : i32
        %dma_wait3A_118 = arith.constant 0 : i32
        %dma_wait3A_119 = tpu.memref_slice %arg12[%run_scoped3A, %dma_wait3A_117, %dma_wait3A_118] : memref<3x128x128xf32, #tpu.memory_space<vmem>> -> memref<1x80x128xf32, #tpu.memory_space<vmem>>
        %dma_wait3A_120 = tpu.memref_squeeze %dma_wait3A_119 : memref<1x80x128xf32, #tpu.memory_space<vmem>> -> memref<80x128xf32, #tpu.memory_space<vmem>>
        %dma_wait3A_121 = arith.constant 0 : i32
        %dma_wait3A_122 = tpu.memref_slice %arg13[%mul3A_102, %dma_wait3A_121] : memref<10000x128xf32, #tpu.memory_space<vmem_shared>> -> memref<80x128xf32, #tpu.memory_space<vmem_shared>>
        %dma_wait3A_123 = arith.constant 0 : i32
        %dma_wait3A_124 = arith.constant 0 : i32
        %dma_wait3A_125 = tpu.memref_slice %arg12[%run_scoped3A, %dma_wait3A_123, %dma_wait3A_124] : memref<3x128x128xf32, #tpu.memory_space<vmem>> -> memref<1x80x128xf32, #tpu.memory_space<vmem>>
        %dma_wait3A_126 = tpu.memref_squeeze %dma_wait3A_125 : memref<1x80x128xf32, #tpu.memory_space<vmem>> -> memref<80x128xf32, #tpu.memory_space<vmem>>
        %dma_wait3A_127 = arith.constant 0 : i32
        %dma_wait3A_128 = tpu.memref_slice %arg13[%mul3A_102, %dma_wait3A_127] : memref<10000x128xf32, #tpu.memory_space<vmem_shared>> -> memref<80x128xf32, #tpu.memory_space<vmem_shared>>
        tpu.wait_dma2 semaphore(%run_scoped3A_104 : memref<!tpu.dma_semaphore, #tpu.memory_space<semaphore_mem>>) src(%dma_wait3A_128 : memref<80x128xf32, #tpu.memory_space<vmem_shared>>) dst(%dma_wait3A_126 : memref<80x128xf32, #tpu.memory_space<vmem>>)
        tpu.yield
      }) : () -> ()
      %run_scoped3A_103 = arith.constant 0 : i32
      "tpu.region"() ({
        %run_scoped3A_104 = tpu.sem_alloc : memref<!tpu.dma_semaphore, #tpu.memory_space<semaphore_mem>>
        %dma_start3A_105 = arith.constant 0 : i32
        %dma_start3A_106 = arith.constant 0 : i32
        %dma_start3A_107 = tpu.memref_slice %arg12[%run_scoped3A_103, %dma_start3A_105, %dma_start3A_106] : memref<3x128x128xf32, #tpu.memory_space<vmem>> -> memref<1x80x128xf32, #tpu.memory_space<vmem>>
        %dma_start3A_108 = tpu.memref_squeeze %dma_start3A_107 : memref<1x80x128xf32, #tpu.memory_space<vmem>> -> memref<80x128xf32, #tpu.memory_space<vmem>>
        %dma_start3A_109 = arith.constant 0 : i32
        %dma_start3A_110 = tpu.memref_slice %arg5[%arg0, %mul3A_102, %dma_start3A_109] : memref<2x10000x128xf32, #tpu.memory_space<hbm>> -> memref<1x80x128xf32, #tpu.memory_space<hbm>>
        %dma_start3A_111 = tpu.memref_squeeze %dma_start3A_110 : memref<1x80x128xf32, #tpu.memory_space<hbm>> -> memref<80x128xf32, #tpu.memory_space<hbm>>
        %dma_start3A_112 = arith.constant 0 : i32
        %dma_start3A_113 = tpu.memref_slice %arg5[%arg0, %mul3A_102, %dma_start3A_112] : memref<2x10000x128xf32, #tpu.memory_space<hbm>> -> memref<1x80x128xf32, #tpu.memory_space<hbm>>
        %dma_start3A_114 = tpu.memref_squeeze %dma_start3A_113 : memref<1x80x128xf32, #tpu.memory_space<hbm>> -> memref<80x128xf32, #tpu.memory_space<hbm>>
        %dma_start3A_115 = arith.constant 0 : i32
        %dma_start3A_116 = arith.constant 0 : i32
        %dma_start3A_117 = tpu.memref_slice %arg12[%run_scoped3A_103, %dma_start3A_115, %dma_start3A_116] : memref<3x128x128xf32, #tpu.memory_space<vmem>> -> memref<1x80x128xf32, #tpu.memory_space<vmem>>
        %dma_start3A_118 = tpu.memref_squeeze %dma_start3A_117 : memref<1x80x128xf32, #tpu.memory_space<vmem>> -> memref<80x128xf32, #tpu.memory_space<vmem>>
        tpu.enqueue_dma source(%dma_start3A_118 : memref<80x128xf32, #tpu.memory_space<vmem>>) target(%dma_start3A_114 : memref<80x128xf32, #tpu.memory_space<hbm>>) target_semaphore(%run_scoped3A_104 : memref<!tpu.dma_semaphore, #tpu.memory_space<semaphore_mem>>)
        %dma_wait3A_119 = arith.constant 0 : i32
        %dma_wait3A_120 = arith.constant 0 : i32
        %dma_wait3A_121 = tpu.memref_slice %arg12[%run_scoped3A_103, %dma_wait3A_119, %dma_wait3A_120] : memref<3x128x128xf32, #tpu.memory_space<vmem>> -> memref<1x80x128xf32, #tpu.memory_space<vmem>>
        %dma_wait3A_122 = tpu.memref_squeeze %dma_wait3A_121 : memref<1x80x128xf32, #tpu.memory_space<vmem>> -> memref<80x128xf32, #tpu.memory_space<vmem>>
        %dma_wait3A_123 = arith.constant 0 : i32
        %dma_wait3A_124 = tpu.memref_slice %arg5[%arg0, %mul3A_102, %dma_wait3A_123] : memref<2x10000x128xf32, #tpu.memory_space<hbm>> -> memref<1x80x128xf32, #tpu.memory_space<hbm>>
        %dma_wait3A_125 = tpu.memref_squeeze %dma_wait3A_124 : memref<1x80x128xf32, #tpu.memory_space<hbm>> -> memref<80x128xf32, #tpu.memory_space<hbm>>
        %dma_wait3A_126 = arith.constant 0 : i32
        %dma_wait3A_127 = tpu.memref_slice %arg5[%arg0, %mul3A_102, %dma_wait3A_126] : memref<2x10000x128xf32, #tpu.memory_space<hbm>> -> memref<1x80x128xf32, #tpu.memory_space<hbm>>
        %dma_wait3A_128 = tpu.memref_squeeze %dma_wait3A_127 : memref<1x80x128xf32, #tpu.memory_space<hbm>> -> memref<80x128xf32, #tpu.memory_space<hbm>>
        %dma_wait3A_129 = arith.constant 0 : i32
        %dma_wait3A_130 = arith.constant 0 : i32
        %dma_wait3A_131 = tpu.memref_slice %arg12[%run_scoped3A_103, %dma_wait3A_129, %dma_wait3A_130] : memref<3x128x128xf32, #tpu.memory_space<vmem>> -> memref<1x80x128xf32, #tpu.memory_space<vmem>>
        %dma_wait3A_132 = tpu.memref_squeeze %dma_wait3A_131 : memref<1x80x128xf32, #tpu.memory_space<vmem>> -> memref<80x128xf32, #tpu.memory_space<vmem>>
        tpu.wait_dma2 semaphore(%run_scoped3A_104 : memref<!tpu.dma_semaphore, #tpu.memory_space<semaphore_mem>>) src(%dma_wait3A_132 : memref<80x128xf32, #tpu.memory_space<vmem>>) dst(%dma_wait3A_128 : memref<80x128xf32, #tpu.memory_space<hbm>>)
        tpu.yield
      }) : () -> ()
    }
    return
  }
}

#map = affine_map<(d0, d1) -> (0, 0)>
#map1 = affine_map<(d0, d1) -> (0)>
#map2 = affine_map<(d0, d1) -> (0, 0, 0)>
module attributes {stable_mosaic.version = 14 : i64} {
  func.func @_seg_sum_body(%arg0: i32, %arg1: i32, %arg2: memref<10000x128xf32, #tpu.memory_space<hbm>>, %arg3: memref<320000xi32, #tpu.memory_space<hbm>>, %arg4: memref<320000xi32, #tpu.memory_space<hbm>>, %arg5: memref<2x10000x128xf32, #tpu.memory_space<hbm>>, %arg6: memref<128xi32, #tpu.memory_space<vmem>>, %arg7: memref<128xi32, #tpu.memory_space<vmem>>, %arg8: memref<128xi32, #tpu.memory_space<vmem>>, %arg9: memref<128xi32, #tpu.memory_space<vmem>>, %arg10: memref<128xi32, #tpu.memory_space<vmem>>, %arg11: memref<128xi32, #tpu.memory_space<vmem>>, %arg12: memref<3x128x128xf32, #tpu.memory_space<vmem>>, %arg13: memref<10000x128xf32, #tpu.memory_space<vmem_shared>>, %arg14: memref<!tpu.dma_semaphore, #tpu.memory_space<semaphore_mem>>, %arg15: memref<!tpu.dma_semaphore, #tpu.memory_space<semaphore_mem>>, %arg16: memref<!tpu.dma_semaphore, #tpu.memory_space<semaphore_mem>>, %arg17: memref<!tpu.dma_semaphore, #tpu.memory_space<semaphore_mem>>, %arg18: memref<!tpu.dma_semaphore, #tpu.memory_space<semaphore_mem>>, %arg19: memref<!tpu.dma_semaphore, #tpu.memory_space<semaphore_mem>>) attributes {dimension_semantics = [#tpu.dimension_semantics<core_parallel>, #tpu.dimension_semantics<subcore_parallel>], iteration_bounds = array<i64: 2, 16>, scalar_prefetch = 0 : i64, scratch_operands = 14 : i64, tpu.core_type = #tpu.core_type<sc_vector_subcore>, window_params = [{transform_indices = #map}, {transform_indices = #map1}, {transform_indices = #map1}, {transform_indices = #map2}]} {
    %mul3A = arith.constant 2 : i32
    %mul3A_0 = arith.muli %arg1, %mul3A : i32
    %add3A = arith.addi %mul3A_0, %arg0 : i32
    %scan3A = arith.constant 0 : i32
    %scan3A_1 = arith.constant 0 : i32
    %scan3A_2 = arith.constant 80 : i32
    %scan3A_3 = arith.addi %scan3A_1, %scan3A_2 : i32
    %scan3A_4 = arith.constant 1 : i32
    scf.for %scan3A_99 = %scan3A_1 to %scan3A_3 step %scan3A_4  : i32 {
      %broadcast_in_dim3A = arith.constant 0.000000e+00 : f32
      %broadcast_in_dim3A_100 = vector.broadcast %broadcast_in_dim3A : f32 to vector<16xf32>
      %swap3A = arith.constant 0 : i32
      %swap3A_101 = arith.index_cast %swap3A : i32 to index
      %swap3A_102 = arith.index_cast %scan3A_99 : i32 to index
      %swap3A_103 = arith.constant 0 : index
      %swap3A_104 = tpu.vector_load %arg12[%swap3A_101, %swap3A_102, %swap3A_103] {strides = array<i32>} : memref<3x128x128xf32, #tpu.memory_space<vmem>>, vector<1x1x16xf32>,
      %swap3A_105 = vector.shape_cast %swap3A_104 : vector<1x1x16xf32> to vector<16xf32>
      %swap3A_106 = vector.shape_cast %broadcast_in_dim3A_100 : vector<16xf32> to vector<1x1x16xf32>
      tpu.vector_store %arg12[%swap3A_101, %swap3A_102, %swap3A_103], %swap3A_106 {strides = array<i32>} : memref<3x128x128xf32, #tpu.memory_space<vmem>>, vector<1x1x16xf32>,
      %broadcast_in_dim3A_107 = arith.constant 0.000000e+00 : f32
      %broadcast_in_dim3A_108 = vector.broadcast %broadcast_in_dim3A_107 : f32 to vector<16xf32>
      %swap3A_109 = arith.constant 0 : i32
      %swap3A_110 = arith.index_cast %swap3A_109 : i32 to index
      %swap3A_111 = arith.index_cast %scan3A_99 : i32 to index
      %swap3A_112 = arith.constant 16 : index
      %swap3A_113 = tpu.vector_load %arg12[%swap3A_110, %swap3A_111, %swap3A_112] {strides = array<i32>} : memref<3x128x128xf32, #tpu.memory_space<vmem>>, vector<1x1x16xf32>,
      %swap3A_114 = vector.shape_cast %swap3A_113 : vector<1x1x16xf32> to vector<16xf32>
      %swap3A_115 = vector.shape_cast %broadcast_in_dim3A_108 : vector<16xf32> to vector<1x1x16xf32>
      tpu.vector_store %arg12[%swap3A_110, %swap3A_111, %swap3A_112], %swap3A_115 {strides = array<i32>} : memref<3x128x128xf32, #tpu.memory_space<vmem>>, vector<1x1x16xf32>,
      %broadcast_in_dim3A_116 = arith.constant 0.000000e+00 : f32
      %broadcast_in_dim3A_117 = vector.broadcast %broadcast_in_dim3A_116 : f32 to vector<16xf32>
      %swap3A_118 = arith.constant 0 : i32
      %swap3A_119 = arith.index_cast %swap3A_118 : i32 to index
      %swap3A_120 = arith.index_cast %scan3A_99 : i32 to index
      %swap3A_121 = arith.constant 32 : index
      %swap3A_122 = tpu.vector_load %arg12[%swap3A_119, %swap3A_120, %swap3A_121] {strides = array<i32>} : memref<3x128x128xf32, #tpu.memory_space<vmem>>, vector<1x1x16xf32>,
      %swap3A_123 = vector.shape_cast %swap3A_122 : vector<1x1x16xf32> to vector<16xf32>
      %swap3A_124 = vector.shape_cast %broadcast_in_dim3A_117 : vector<16xf32> to vector<1x1x16xf32>
      tpu.vector_store %arg12[%swap3A_119, %swap3A_120, %swap3A_121], %swap3A_124 {strides = array<i32>} : memref<3x128x128xf32, #tpu.memory_space<vmem>>, vector<1x1x16xf32>,
      %broadcast_in_dim3A_125 = arith.constant 0.000000e+00 : f32
      %broadcast_in_dim3A_126 = vector.broadcast %broadcast_in_dim3A_125 : f32 to vector<16xf32>
      %swap3A_127 = arith.constant 0 : i32
      %swap3A_128 = arith.index_cast %swap3A_127 : i32 to index
      %swap3A_129 = arith.index_cast %scan3A_99 : i32 to index
      %swap3A_130 = arith.constant 48 : index
      %swap3A_131 = tpu.vector_load %arg12[%swap3A_128, %swap3A_129, %swap3A_130] {strides = array<i32>} : memref<3x128x128xf32, #tpu.memory_space<vmem>>, vector<1x1x16xf32>,
      %swap3A_132 = vector.shape_cast %swap3A_131 : vector<1x1x16xf32> to vector<16xf32>
      %swap3A_133 = vector.shape_cast %broadcast_in_dim3A_126 : vector<16xf32> to vector<1x1x16xf32>
      tpu.vector_store %arg12[%swap3A_128, %swap3A_129, %swap3A_130], %swap3A_133 {strides = array<i32>} : memref<3x128x128xf32, #tpu.memory_space<vmem>>, vector<1x1x16xf32>,
      %broadcast_in_dim3A_134 = arith.constant 0.000000e+00 : f32
      %broadcast_in_dim3A_135 = vector.broadcast %broadcast_in_dim3A_134 : f32 to vector<16xf32>
      %swap3A_136 = arith.constant 0 : i32
      %swap3A_137 = arith.index_cast %swap3A_136 : i32 to index
      %swap3A_138 = arith.index_cast %scan3A_99 : i32 to index
      %swap3A_139 = arith.constant 64 : index
      %swap3A_140 = tpu.vector_load %arg12[%swap3A_137, %swap3A_138, %swap3A_139] {strides = array<i32>} : memref<3x128x128xf32, #tpu.memory_space<vmem>>, vector<1x1x16xf32>,
      %swap3A_141 = vector.shape_cast %swap3A_140 : vector<1x1x16xf32> to vector<16xf32>
      %swap3A_142 = vector.shape_cast %broadcast_in_dim3A_135 : vector<16xf32> to vector<1x1x16xf32>
      tpu.vector_store %arg12[%swap3A_137, %swap3A_138, %swap3A_139], %swap3A_142 {strides = array<i32>} : memref<3x128x128xf32, #tpu.memory_space<vmem>>, vector<1x1x16xf32>,
      %broadcast_in_dim3A_143 = arith.constant 0.000000e+00 : f32
      %broadcast_in_dim3A_144 = vector.broadcast %broadcast_in_dim3A_143 : f32 to vector<16xf32>
      %swap3A_145 = arith.constant 0 : i32
      %swap3A_146 = arith.index_cast %swap3A_145 : i32 to index
      %swap3A_147 = arith.index_cast %scan3A_99 : i32 to index
      %swap3A_148 = arith.constant 80 : index
      %swap3A_149 = tpu.vector_load %arg12[%swap3A_146, %swap3A_147, %swap3A_148] {strides = array<i32>} : memref<3x128x128xf32, #tpu.memory_space<vmem>>, vector<1x1x16xf32>,
      %swap3A_150 = vector.shape_cast %swap3A_149 : vector<1x1x16xf32> to vector<16xf32>
      %swap3A_151 = vector.shape_cast %broadcast_in_dim3A_144 : vector<16xf32> to vector<1x1x16xf32>
      tpu.vector_store %arg12[%swap3A_146, %swap3A_147, %swap3A_148], %swap3A_151 {strides = array<i32>} : memref<3x128x128xf32, #tpu.memory_space<vmem>>, vector<1x1x16xf32>,
      %broadcast_in_dim3A_152 = arith.constant 0.000000e+00 : f32
      %broadcast_in_dim3A_153 = vector.broadcast %broadcast_in_dim3A_152 : f32 to vector<16xf32>
      %swap3A_154 = arith.constant 0 : i32
      %swap3A_155 = arith.index_cast %swap3A_154 : i32 to index
      %swap3A_156 = arith.index_cast %scan3A_99 : i32 to index
      %swap3A_157 = arith.constant 96 : index
      %swap3A_158 = tpu.vector_load %arg12[%swap3A_155, %swap3A_156, %swap3A_157] {strides = array<i32>} : memref<3x128x128xf32, #tpu.memory_space<vmem>>, vector<1x1x16xf32>,
      %swap3A_159 = vector.shape_cast %swap3A_158 : vector<1x1x16xf32> to vector<16xf32>
      %swap3A_160 = vector.shape_cast %broadcast_in_dim3A_153 : vector<16xf32> to vector<1x1x16xf32>
      tpu.vector_store %arg12[%swap3A_155, %swap3A_156, %swap3A_157], %swap3A_160 {strides = array<i32>} : memref<3x128x128xf32, #tpu.memory_space<vmem>>, vector<1x1x16xf32>,
      %broadcast_in_dim3A_161 = arith.constant 0.000000e+00 : f32
      %broadcast_in_dim3A_162 = vector.broadcast %broadcast_in_dim3A_161 : f32 to vector<16xf32>
      %swap3A_163 = arith.constant 0 : i32
      %swap3A_164 = arith.index_cast %swap3A_163 : i32 to index
      %swap3A_165 = arith.index_cast %scan3A_99 : i32 to index
      %swap3A_166 = arith.constant 112 : index
      %swap3A_167 = tpu.vector_load %arg12[%swap3A_164, %swap3A_165, %swap3A_166] {strides = array<i32>} : memref<3x128x128xf32, #tpu.memory_space<vmem>>, vector<1x1x16xf32>,
      %swap3A_168 = vector.shape_cast %swap3A_167 : vector<1x1x16xf32> to vector<16xf32>
      %swap3A_169 = vector.shape_cast %broadcast_in_dim3A_162 : vector<16xf32> to vector<1x1x16xf32>
      tpu.vector_store %arg12[%swap3A_164, %swap3A_165, %swap3A_166], %swap3A_169 {strides = array<i32>} : memref<3x128x128xf32, #tpu.memory_space<vmem>>, vector<1x1x16xf32>,
    }
    %scan3A_5 = arith.constant 80 : i32
    %lt3A = arith.constant 13 : i32
    %lt3A_6 = arith.cmpi slt, %arg1, %lt3A : i32
    %jit3A = arith.constant 1 : i32
    %jit3A_7 = arith.constant 0 : i32
    %select_n3A = arith.select %lt3A_6, %jit3A, %jit3A_7 : i32
    %add3A_8 = arith.constant 7 : i32
    %add3A_9 = arith.addi %add3A_8, %select_n3A : i32
    %mul3A_10 = arith.constant 7 : i32
    %mul3A_11 = arith.muli %mul3A_10, %arg1 : i32
    %min3A = arith.constant 13 : i32
    %min3A_12 = arith.minsi %arg1, %min3A : i32
    %add3A_13 = arith.addi %mul3A_11, %min3A_12 : i32
    %while3A = arith.constant 0 : i32
    %while3A_14 = arith.constant 0 : i32
    %while3A_15 = arith.subi %add3A_9, %while3A_14 : i32
    %while3A_16 = arith.addi %while3A_14, %while3A_15 : i32
    %while3A_17 = arith.constant 1 : i32
    %while3A_18 = arith.divsi %while3A_15, %while3A_17 : i32
    %while3A_19 = arith.muli %while3A_18, %while3A_17 : i32
    %while3A_20 = arith.addi %while3A_14, %while3A_19 : i32
    %while3A_21 = arith.constant 1 : i32
    scf.for %while3A_99 = %while3A_14 to %while3A_20 step %while3A_21  : i32 {
      %add3A_100 = arith.addi %add3A_13, %while3A_99 : i32
      %mul3A_101 = arith.constant 80 : i32
      %mul3A_102 = arith.muli %add3A_100, %mul3A_101 : i32
      %run_scoped3A = arith.constant 0 : i32
      "tpu.region"() ({
        %run_scoped3A_103 = tpu.sem_alloc : memref<!tpu.dma_semaphore, #tpu.memory_space<semaphore_mem>>
        %dma_start3A_104 = arith.constant 0 : i32
        %dma_start3A_105 = arith.constant 0 : i32
        %dma_start3A_106 = tpu.memref_slice %arg12[%run_scoped3A, %dma_start3A_104, %dma_start3A_105] : memref<3x128x128xf32, #tpu.memory_space<vmem>> -> memref<1x80x128xf32, #tpu.memory_space<vmem>>
        %dma_start3A_107 = tpu.memref_squeeze %dma_start3A_106 : memref<1x80x128xf32, #tpu.memory_space<vmem>> -> memref<80x128xf32, #tpu.memory_space<vmem>>
        %dma_start3A_108 = arith.constant 0 : i32
        %dma_start3A_109 = tpu.memref_slice %arg13[%mul3A_102, %dma_start3A_108] : memref<10000x128xf32, #tpu.memory_space<vmem_shared>> -> memref<80x128xf32, #tpu.memory_space<vmem_shared>>
        %dma_start3A_110 = arith.constant 0 : i32
        %dma_start3A_111 = tpu.memref_slice %arg13[%mul3A_102, %dma_start3A_110] : memref<10000x128xf32, #tpu.memory_space<vmem_shared>> -> memref<80x128xf32, #tpu.memory_space<vmem_shared>>
        %dma_start3A_112 = arith.constant 0 : i32
        %dma_start3A_113 = arith.constant 0 : i32
        %dma_start3A_114 = tpu.memref_slice %arg12[%run_scoped3A, %dma_start3A_112, %dma_start3A_113] : memref<3x128x128xf32, #tpu.memory_space<vmem>> -> memref<1x80x128xf32, #tpu.memory_space<vmem>>
        %dma_start3A_115 = tpu.memref_squeeze %dma_start3A_114 : memref<1x80x128xf32, #tpu.memory_space<vmem>> -> memref<80x128xf32, #tpu.memory_space<vmem>>
        tpu.enqueue_dma source(%dma_start3A_115 : memref<80x128xf32, #tpu.memory_space<vmem>>) target(%dma_start3A_111 : memref<80x128xf32, #tpu.memory_space<vmem_shared>>) target_semaphore(%run_scoped3A_103 : memref<!tpu.dma_semaphore, #tpu.memory_space<semaphore_mem>>)
        %dma_wait3A_116 = arith.constant 0 : i32
        %dma_wait3A_117 = arith.constant 0 : i32
        %dma_wait3A_118 = tpu.memref_slice %arg12[%run_scoped3A, %dma_wait3A_116, %dma_wait3A_117] : memref<3x128x128xf32, #tpu.memory_space<vmem>> -> memref<1x80x128xf32, #tpu.memory_space<vmem>>
        %dma_wait3A_119 = tpu.memref_squeeze %dma_wait3A_118 : memref<1x80x128xf32, #tpu.memory_space<vmem>> -> memref<80x128xf32, #tpu.memory_space<vmem>>
        %dma_wait3A_120 = arith.constant 0 : i32
        %dma_wait3A_121 = tpu.memref_slice %arg13[%mul3A_102, %dma_wait3A_120] : memref<10000x128xf32, #tpu.memory_space<vmem_shared>> -> memref<80x128xf32, #tpu.memory_space<vmem_shared>>
        %dma_wait3A_122 = arith.constant 0 : i32
        %dma_wait3A_123 = tpu.memref_slice %arg13[%mul3A_102, %dma_wait3A_122] : memref<10000x128xf32, #tpu.memory_space<vmem_shared>> -> memref<80x128xf32, #tpu.memory_space<vmem_shared>>
        %dma_wait3A_124 = arith.constant 0 : i32
        %dma_wait3A_125 = arith.constant 0 : i32
        %dma_wait3A_126 = tpu.memref_slice %arg12[%run_scoped3A, %dma_wait3A_124, %dma_wait3A_125] : memref<3x128x128xf32, #tpu.memory_space<vmem>> -> memref<1x80x128xf32, #tpu.memory_space<vmem>>
        %dma_wait3A_127 = tpu.memref_squeeze %dma_wait3A_126 : memref<1x80x128xf32, #tpu.memory_space<vmem>> -> memref<80x128xf32, #tpu.memory_space<vmem>>
        tpu.wait_dma2 semaphore(%run_scoped3A_103 : memref<!tpu.dma_semaphore, #tpu.memory_space<semaphore_mem>>) src(%dma_wait3A_127 : memref<80x128xf32, #tpu.memory_space<vmem>>) dst(%dma_wait3A_123 : memref<80x128xf32, #tpu.memory_space<vmem_shared>>)
        tpu.yield
      }) : () -> ()
    }
    %while3A_22 = arith.constant 1 : i32
    scf.for %while3A_99 = %while3A_20 to %while3A_16 step %while3A_22  : i32 {
      %add3A_100 = arith.addi %add3A_13, %while3A_99 : i32
      %mul3A_101 = arith.constant 80 : i32
      %mul3A_102 = arith.muli %add3A_100, %mul3A_101 : i32
      %run_scoped3A = arith.constant 0 : i32
      "tpu.region"() ({
        %run_scoped3A_103 = tpu.sem_alloc : memref<!tpu.dma_semaphore, #tpu.memory_space<semaphore_mem>>
        %dma_start3A_104 = arith.constant 0 : i32
        %dma_start3A_105 = arith.constant 0 : i32
        %dma_start3A_106 = tpu.memref_slice %arg12[%run_scoped3A, %dma_start3A_104, %dma_start3A_105] : memref<3x128x128xf32, #tpu.memory_space<vmem>> -> memref<1x80x128xf32, #tpu.memory_space<vmem>>
        %dma_start3A_107 = tpu.memref_squeeze %dma_start3A_106 : memref<1x80x128xf32, #tpu.memory_space<vmem>> -> memref<80x128xf32, #tpu.memory_space<vmem>>
        %dma_start3A_108 = arith.constant 0 : i32
        %dma_start3A_109 = tpu.memref_slice %arg13[%mul3A_102, %dma_start3A_108] : memref<10000x128xf32, #tpu.memory_space<vmem_shared>> -> memref<80x128xf32, #tpu.memory_space<vmem_shared>>
        %dma_start3A_110 = arith.constant 0 : i32
        %dma_start3A_111 = tpu.memref_slice %arg13[%mul3A_102, %dma_start3A_110] : memref<10000x128xf32, #tpu.memory_space<vmem_shared>> -> memref<80x128xf32, #tpu.memory_space<vmem_shared>>
        %dma_start3A_112 = arith.constant 0 : i32
        %dma_start3A_113 = arith.constant 0 : i32
        %dma_start3A_114 = tpu.memref_slice %arg12[%run_scoped3A, %dma_start3A_112, %dma_start3A_113] : memref<3x128x128xf32, #tpu.memory_space<vmem>> -> memref<1x80x128xf32, #tpu.memory_space<vmem>>
        %dma_start3A_115 = tpu.memref_squeeze %dma_start3A_114 : memref<1x80x128xf32, #tpu.memory_space<vmem>> -> memref<80x128xf32, #tpu.memory_space<vmem>>
        tpu.enqueue_dma source(%dma_start3A_115 : memref<80x128xf32, #tpu.memory_space<vmem>>) target(%dma_start3A_111 : memref<80x128xf32, #tpu.memory_space<vmem_shared>>) target_semaphore(%run_scoped3A_103 : memref<!tpu.dma_semaphore, #tpu.memory_space<semaphore_mem>>)
        %dma_wait3A_116 = arith.constant 0 : i32
        %dma_wait3A_117 = arith.constant 0 : i32
        %dma_wait3A_118 = tpu.memref_slice %arg12[%run_scoped3A, %dma_wait3A_116, %dma_wait3A_117] : memref<3x128x128xf32, #tpu.memory_space<vmem>> -> memref<1x80x128xf32, #tpu.memory_space<vmem>>
        %dma_wait3A_119 = tpu.memref_squeeze %dma_wait3A_118 : memref<1x80x128xf32, #tpu.memory_space<vmem>> -> memref<80x128xf32, #tpu.memory_space<vmem>>
        %dma_wait3A_120 = arith.constant 0 : i32
        %dma_wait3A_121 = tpu.memref_slice %arg13[%mul3A_102, %dma_wait3A_120] : memref<10000x128xf32, #tpu.memory_space<vmem_shared>> -> memref<80x128xf32, #tpu.memory_space<vmem_shared>>
        %dma_wait3A_122 = arith.constant 0 : i32
        %dma_wait3A_123 = tpu.memref_slice %arg13[%mul3A_102, %dma_wait3A_122] : memref<10000x128xf32, #tpu.memory_space<vmem_shared>> -> memref<80x128xf32, #tpu.memory_space<vmem_shared>>
        %dma_wait3A_124 = arith.constant 0 : i32
        %dma_wait3A_125 = arith.constant 0 : i32
        %dma_wait3A_126 = tpu.memref_slice %arg12[%run_scoped3A, %dma_wait3A_124, %dma_wait3A_125] : memref<3x128x128xf32, #tpu.memory_space<vmem>> -> memref<1x80x128xf32, #tpu.memory_space<vmem>>
        %dma_wait3A_127 = tpu.memref_squeeze %dma_wait3A_126 : memref<1x80x128xf32, #tpu.memory_space<vmem>> -> memref<80x128xf32, #tpu.memory_space<vmem>>
        tpu.wait_dma2 semaphore(%run_scoped3A_103 : memref<!tpu.dma_semaphore, #tpu.memory_space<semaphore_mem>>) src(%dma_wait3A_127 : memref<80x128xf32, #tpu.memory_space<vmem>>) dst(%dma_wait3A_123 : memref<80x128xf32, #tpu.memory_space<vmem_shared>>)
        tpu.yield
      }) : () -> ()
    }
    %barrier3A = arith.constant 0 : index
    tpu.barrier barrier_id(%barrier3A)
    %mul3A_23 = arith.constant 78 : i32
    %mul3A_24 = arith.muli %add3A, %mul3A_23 : i32
    %add3A_25 = arith.constant 0 : i32
    %add3A_26 = arith.addi %mul3A_24, %add3A_25 : i32
    %mul3A_27 = arith.constant 128 : i32
    %mul3A_28 = arith.muli %add3A_26, %mul3A_27 : i32
    "tpu.region"() ({
      %run_scoped3A = tpu.sem_alloc : memref<!tpu.dma_semaphore, #tpu.memory_space<semaphore_mem>>
      %dma_start3A_99 = tpu.memref_slice %arg3[%mul3A_28] : memref<320000xi32, #tpu.memory_space<hbm>> -> memref<128xi32, #tpu.memory_space<hbm>>
      %dma_start3A_100 = tpu.memref_slice %arg3[%mul3A_28] : memref<320000xi32, #tpu.memory_space<hbm>> -> memref<128xi32, #tpu.memory_space<hbm>>
      tpu.enqueue_dma source(%dma_start3A_100 : memref<128xi32, #tpu.memory_space<hbm>>) target(%arg6 : memref<128xi32, #tpu.memory_space<vmem>>) target_semaphore(%run_scoped3A : memref<!tpu.dma_semaphore, #tpu.memory_space<semaphore_mem>>)
      %dma_wait3A_101 = tpu.memref_slice %arg3[%mul3A_28] : memref<320000xi32, #tpu.memory_space<hbm>> -> memref<128xi32, #tpu.memory_space<hbm>>
      %dma_wait3A_102 = tpu.memref_slice %arg3[%mul3A_28] : memref<320000xi32, #tpu.memory_space<hbm>> -> memref<128xi32, #tpu.memory_space<hbm>>
      tpu.wait_dma2 semaphore(%run_scoped3A : memref<!tpu.dma_semaphore, #tpu.memory_space<semaphore_mem>>) src(%dma_wait3A_102 : memref<128xi32, #tpu.memory_space<hbm>>) dst(%arg6 : memref<128xi32, #tpu.memory_space<vmem>>)
      tpu.yield
    }) : () -> ()
    %add3A_29 = arith.constant 0 : i32
    %add3A_30 = arith.addi %mul3A_24, %add3A_29 : i32
    %mul3A_31 = arith.constant 128 : i32
    %mul3A_32 = arith.muli %add3A_30, %mul3A_31 : i32
    "tpu.region"() ({
      %run_scoped3A = tpu.sem_alloc : memref<!tpu.dma_semaphore, #tpu.memory_space<semaphore_mem>>
      %dma_start3A_99 = tpu.memref_slice %arg4[%mul3A_32] : memref<320000xi32, #tpu.memory_space<hbm>> -> memref<128xi32, #tpu.memory_space<hbm>>
      %dma_start3A_100 = tpu.memref_slice %arg4[%mul3A_32] : memref<320000xi32, #tpu.memory_space<hbm>> -> memref<128xi32, #tpu.memory_space<hbm>>
      tpu.enqueue_dma source(%dma_start3A_100 : memref<128xi32, #tpu.memory_space<hbm>>) target(%arg9 : memref<128xi32, #tpu.memory_space<vmem>>) target_semaphore(%run_scoped3A : memref<!tpu.dma_semaphore, #tpu.memory_space<semaphore_mem>>)
      %dma_wait3A_101 = tpu.memref_slice %arg4[%mul3A_32] : memref<320000xi32, #tpu.memory_space<hbm>> -> memref<128xi32, #tpu.memory_space<hbm>>
      %dma_wait3A_102 = tpu.memref_slice %arg4[%mul3A_32] : memref<320000xi32, #tpu.memory_space<hbm>> -> memref<128xi32, #tpu.memory_space<hbm>>
      tpu.wait_dma2 semaphore(%run_scoped3A : memref<!tpu.dma_semaphore, #tpu.memory_space<semaphore_mem>>) src(%dma_wait3A_102 : memref<128xi32, #tpu.memory_space<hbm>>) dst(%arg9 : memref<128xi32, #tpu.memory_space<vmem>>)
      tpu.yield
    }) : () -> ()
    %dma_start3A = arith.constant 0 : i32
    %dma_start3A_33 = arith.constant 0 : i32
    %dma_start3A_34 = arith.constant 0 : i32
    %dma_start3A_35 = tpu.memref_slice %arg12[%dma_start3A, %dma_start3A_33, %dma_start3A_34] : memref<3x128x128xf32, #tpu.memory_space<vmem>> -> memref<1x128x128xf32, #tpu.memory_space<vmem>>
    %dma_start3A_36 = tpu.memref_squeeze %dma_start3A_35 : memref<1x128x128xf32, #tpu.memory_space<vmem>> -> memref<128x128xf32, #tpu.memory_space<vmem>>
    %dma_start3A_37 = arith.constant 0 : i32
    %dma_start3A_38 = arith.constant 0 : i32
    %dma_start3A_39 = tpu.memref_slice %arg2[%dma_start3A_37, %dma_start3A_38] : memref<10000x128xf32, #tpu.memory_space<hbm>> -> memref<10000x128xf32, #tpu.memory_space<hbm>>
    tpu.enqueue_indirect_dma source(%dma_start3A_39 : memref<10000x128xf32, #tpu.memory_space<hbm>>) target(%dma_start3A_36 : memref<128x128xf32, #tpu.memory_space<vmem>>) offsets(%arg6 : memref<128xi32, #tpu.memory_space<vmem>>) semaphore(%arg14 : memref<!tpu.dma_semaphore, #tpu.memory_space<semaphore_mem>>)
    %add3A_40 = arith.constant 1 : i32
    %add3A_41 = arith.addi %mul3A_24, %add3A_40 : i32
    %mul3A_42 = arith.constant 128 : i32
    %mul3A_43 = arith.muli %add3A_41, %mul3A_42 : i32
    "tpu.region"() ({
      %run_scoped3A = tpu.sem_alloc : memref<!tpu.dma_semaphore, #tpu.memory_space<semaphore_mem>>
      %dma_start3A_99 = tpu.memref_slice %arg3[%mul3A_43] : memref<320000xi32, #tpu.memory_space<hbm>> -> memref<128xi32, #tpu.memory_space<hbm>>
      %dma_start3A_100 = tpu.memref_slice %arg3[%mul3A_43] : memref<320000xi32, #tpu.memory_space<hbm>> -> memref<128xi32, #tpu.memory_space<hbm>>
      tpu.enqueue_dma source(%dma_start3A_100 : memref<128xi32, #tpu.memory_space<hbm>>) target(%arg7 : memref<128xi32, #tpu.memory_space<vmem>>) target_semaphore(%run_scoped3A : memref<!tpu.dma_semaphore, #tpu.memory_space<semaphore_mem>>)
      %dma_wait3A_101 = tpu.memref_slice %arg3[%mul3A_43] : memref<320000xi32, #tpu.memory_space<hbm>> -> memref<128xi32, #tpu.memory_space<hbm>>
      %dma_wait3A_102 = tpu.memref_slice %arg3[%mul3A_43] : memref<320000xi32, #tpu.memory_space<hbm>> -> memref<128xi32, #tpu.memory_space<hbm>>
      tpu.wait_dma2 semaphore(%run_scoped3A : memref<!tpu.dma_semaphore, #tpu.memory_space<semaphore_mem>>) src(%dma_wait3A_102 : memref<128xi32, #tpu.memory_space<hbm>>) dst(%arg7 : memref<128xi32, #tpu.memory_space<vmem>>)
      tpu.yield
    }) : () -> ()
    %add3A_44 = arith.constant 1 : i32
    %add3A_45 = arith.addi %mul3A_24, %add3A_44 : i32
    %mul3A_46 = arith.constant 128 : i32
    %mul3A_47 = arith.muli %add3A_45, %mul3A_46 : i32
    "tpu.region"() ({
      %run_scoped3A = tpu.sem_alloc : memref<!tpu.dma_semaphore, #tpu.memory_space<semaphore_mem>>
      %dma_start3A_99 = tpu.memref_slice %arg4[%mul3A_47] : memref<320000xi32, #tpu.memory_space<hbm>> -> memref<128xi32, #tpu.memory_space<hbm>>
      %dma_start3A_100 = tpu.memref_slice %arg4[%mul3A_47] : memref<320000xi32, #tpu.memory_space<hbm>> -> memref<128xi32, #tpu.memory_space<hbm>>
      tpu.enqueue_dma source(%dma_start3A_100 : memref<128xi32, #tpu.memory_space<hbm>>) target(%arg10 : memref<128xi32, #tpu.memory_space<vmem>>) target_semaphore(%run_scoped3A : memref<!tpu.dma_semaphore, #tpu.memory_space<semaphore_mem>>)
      %dma_wait3A_101 = tpu.memref_slice %arg4[%mul3A_47] : memref<320000xi32, #tpu.memory_space<hbm>> -> memref<128xi32, #tpu.memory_space<hbm>>
      %dma_wait3A_102 = tpu.memref_slice %arg4[%mul3A_47] : memref<320000xi32, #tpu.memory_space<hbm>> -> memref<128xi32, #tpu.memory_space<hbm>>
      tpu.wait_dma2 semaphore(%run_scoped3A : memref<!tpu.dma_semaphore, #tpu.memory_space<semaphore_mem>>) src(%dma_wait3A_102 : memref<128xi32, #tpu.memory_space<hbm>>) dst(%arg10 : memref<128xi32, #tpu.memory_space<vmem>>)
      tpu.yield
    }) : () -> ()
    %dma_start3A_48 = arith.constant 1 : i32
    %dma_start3A_49 = arith.constant 0 : i32
    %dma_start3A_50 = arith.constant 0 : i32
    %dma_start3A_51 = tpu.memref_slice %arg12[%dma_start3A_48, %dma_start3A_49, %dma_start3A_50] : memref<3x128x128xf32, #tpu.memory_space<vmem>> -> memref<1x128x128xf32, #tpu.memory_space<vmem>>
    %dma_start3A_52 = tpu.memref_squeeze %dma_start3A_51 : memref<1x128x128xf32, #tpu.memory_space<vmem>> -> memref<128x128xf32, #tpu.memory_space<vmem>>
    %dma_start3A_53 = arith.constant 0 : i32
    %dma_start3A_54 = arith.constant 0 : i32
    %dma_start3A_55 = tpu.memref_slice %arg2[%dma_start3A_53, %dma_start3A_54] : memref<10000x128xf32, #tpu.memory_space<hbm>> -> memref<10000x128xf32, #tpu.memory_space<hbm>>
    tpu.enqueue_indirect_dma source(%dma_start3A_55 : memref<10000x128xf32, #tpu.memory_space<hbm>>) target(%dma_start3A_52 : memref<128x128xf32, #tpu.memory_space<vmem>>) offsets(%arg7 : memref<128xi32, #tpu.memory_space<vmem>>) semaphore(%arg15 : memref<!tpu.dma_semaphore, #tpu.memory_space<semaphore_mem>>)
    %scan3A_56 = arith.constant 0 : i32
    %scan3A_57 = arith.constant 0 : i32
    %scan3A_58 = arith.constant 26 : i32
    %scan3A_59 = arith.addi %scan3A_57, %scan3A_58 : i32
    %scan3A_60 = arith.constant 1 : i32
    scf.for %scan3A_99 = %scan3A_57 to %scan3A_59 step %scan3A_60  : i32 {
      %mul3A_100 = arith.constant 3 : i32
      %mul3A_101 = arith.muli %mul3A_100, %scan3A_99 : i32
      %add3A_102 = arith.constant 0 : i32
      %add3A_103 = arith.addi %mul3A_101, %add3A_102 : i32
      %dma_wait3A_104 = arith.constant 0 : i32
      %dma_wait3A_105 = arith.constant 0 : i32
      %dma_wait3A_106 = arith.constant 0 : i32
      %dma_wait3A_107 = tpu.memref_slice %arg12[%dma_wait3A_104, %dma_wait3A_105, %dma_wait3A_106] : memref<3x128x128xf32, #tpu.memory_space<vmem>> -> memref<1x128x128xf32, #tpu.memory_space<vmem>>
      %dma_wait3A_108 = tpu.memref_squeeze %dma_wait3A_107 : memref<1x128x128xf32, #tpu.memory_space<vmem>> -> memref<128x128xf32, #tpu.memory_space<vmem>>
      %dma_wait3A_109 = arith.constant 0 : i32
      %dma_wait3A_110 = arith.constant 0 : i32
      %dma_wait3A_111 = tpu.memref_slice %arg2[%dma_wait3A_109, %dma_wait3A_110] : memref<10000x128xf32, #tpu.memory_space<hbm>> -> memref<10000x128xf32, #tpu.memory_space<hbm>>
      tpu.wait_indirect_dma semaphore(%arg14 : memref<!tpu.dma_semaphore, #tpu.memory_space<semaphore_mem>>) src(%dma_wait3A_111 : memref<10000x128xf32, #tpu.memory_space<hbm>>) dst(%dma_wait3A_108 : memref<128x128xf32, #tpu.memory_space<vmem>>)
      %dma_start3A_112 = arith.constant 0 : i32
      %dma_start3A_113 = arith.constant 0 : i32
      %dma_start3A_114 = arith.constant 0 : i32
      %dma_start3A_115 = tpu.memref_slice %arg12[%dma_start3A_112, %dma_start3A_113, %dma_start3A_114] : memref<3x128x128xf32, #tpu.memory_space<vmem>> -> memref<1x128x128xf32, #tpu.memory_space<vmem>>
      %dma_start3A_116 = tpu.memref_squeeze %dma_start3A_115 : memref<1x128x128xf32, #tpu.memory_space<vmem>> -> memref<128x128xf32, #tpu.memory_space<vmem>>
      %dma_start3A_117 = arith.constant 0 : i32
      %dma_start3A_118 = arith.constant 0 : i32
      %dma_start3A_119 = tpu.memref_slice %arg13[%dma_start3A_117, %dma_start3A_118] : memref<10000x128xf32, #tpu.memory_space<vmem_shared>> -> memref<10000x128xf32, #tpu.memory_space<vmem_shared>>
      tpu.enqueue_indirect_dma source(%dma_start3A_116 : memref<128x128xf32, #tpu.memory_space<vmem>>) target(%dma_start3A_119 : memref<10000x128xf32, #tpu.memory_space<vmem_shared>>) offsets(%arg9 : memref<128xi32, #tpu.memory_space<vmem>>) semaphore(%arg17 : memref<!tpu.dma_semaphore, #tpu.memory_space<semaphore_mem>>) {add = true}
      %ge3A = arith.constant 1 : i32
      %ge3A_120 = arith.cmpi sge, %add3A_103, %ge3A : i32
      %le3A = arith.constant 75 : i32
      %le3A_121 = arith.cmpi sle, %add3A_103, %le3A : i32
      %and3A = arith.andi %ge3A_120, %le3A_121 : i1
      %convert_element_type3A_122 = arith.extui %and3A : i1 to i32
      %cond3A_123 = arith.constant 0 : i32
      %cond3A_124 = arith.cmpi ne, %convert_element_type3A_122, %cond3A_123 : i32
      scf.if %cond3A_124 {
        %dma_wait3A_196 = arith.constant 2 : i32
        %dma_wait3A_197 = arith.constant 0 : i32
        %dma_wait3A_198 = arith.constant 0 : i32
        %dma_wait3A_199 = tpu.memref_slice %arg12[%dma_wait3A_196, %dma_wait3A_197, %dma_wait3A_198] : memref<3x128x128xf32, #tpu.memory_space<vmem>> -> memref<1x128x128xf32, #tpu.memory_space<vmem>>
        %dma_wait3A_200 = tpu.memref_squeeze %dma_wait3A_199 : memref<1x128x128xf32, #tpu.memory_space<vmem>> -> memref<128x128xf32, #tpu.memory_space<vmem>>
        %dma_wait3A_201 = arith.constant 0 : i32
        %dma_wait3A_202 = arith.constant 0 : i32
        %dma_wait3A_203 = tpu.memref_slice %arg13[%dma_wait3A_201, %dma_wait3A_202] : memref<10000x128xf32, #tpu.memory_space<vmem_shared>> -> memref<10000x128xf32, #tpu.memory_space<vmem_shared>>
        tpu.wait_indirect_dma semaphore(%arg19 : memref<!tpu.dma_semaphore, #tpu.memory_space<semaphore_mem>>) src(%dma_wait3A_200 : memref<128x128xf32, #tpu.memory_space<vmem>>) dst(%dma_wait3A_203 : memref<10000x128xf32, #tpu.memory_space<vmem_shared>>)
      } else {
      }
      %le3A_125 = arith.constant 75 : i32
      %le3A_126 = arith.cmpi sle, %add3A_103, %le3A_125 : i32
      %convert_element_type3A_127 = arith.extui %le3A_126 : i1 to i32
      %cond3A_128 = arith.constant 0 : i32
      %cond3A_129 = arith.cmpi ne, %convert_element_type3A_127, %cond3A_128 : i32
      scf.if %cond3A_129 {
        %add3A_196 = arith.addi %mul3A_24, %add3A_103 : i32
        %add3A_197 = arith.constant 2 : i32
        %add3A_198 = arith.addi %add3A_196, %add3A_197 : i32
        %mul3A_199 = arith.constant 128 : i32
        %mul3A_200 = arith.muli %add3A_198, %mul3A_199 : i32
        "tpu.region"() ({
          %run_scoped3A = tpu.sem_alloc : memref<!tpu.dma_semaphore, #tpu.memory_space<semaphore_mem>>
          %dma_start3A_209 = tpu.memref_slice %arg3[%mul3A_200] : memref<320000xi32, #tpu.memory_space<hbm>> -> memref<128xi32, #tpu.memory_space<hbm>>
          %dma_start3A_210 = tpu.memref_slice %arg3[%mul3A_200] : memref<320000xi32, #tpu.memory_space<hbm>> -> memref<128xi32, #tpu.memory_space<hbm>>
          tpu.enqueue_dma source(%dma_start3A_210 : memref<128xi32, #tpu.memory_space<hbm>>) target(%arg8 : memref<128xi32, #tpu.memory_space<vmem>>) target_semaphore(%run_scoped3A : memref<!tpu.dma_semaphore, #tpu.memory_space<semaphore_mem>>)
          %dma_wait3A_211 = tpu.memref_slice %arg3[%mul3A_200] : memref<320000xi32, #tpu.memory_space<hbm>> -> memref<128xi32, #tpu.memory_space<hbm>>
          %dma_wait3A_212 = tpu.memref_slice %arg3[%mul3A_200] : memref<320000xi32, #tpu.memory_space<hbm>> -> memref<128xi32, #tpu.memory_space<hbm>>
          tpu.wait_dma2 semaphore(%run_scoped3A : memref<!tpu.dma_semaphore, #tpu.memory_space<semaphore_mem>>) src(%dma_wait3A_212 : memref<128xi32, #tpu.memory_space<hbm>>) dst(%arg8 : memref<128xi32, #tpu.memory_space<vmem>>)
          tpu.yield
        }) : () -> ()
        "tpu.region"() ({
          %run_scoped3A = tpu.sem_alloc : memref<!tpu.dma_semaphore, #tpu.memory_space<semaphore_mem>>
          %dma_start3A_209 = tpu.memref_slice %arg4[%mul3A_200] : memref<320000xi32, #tpu.memory_space<hbm>> -> memref<128xi32, #tpu.memory_space<hbm>>
          %dma_start3A_210 = tpu.memref_slice %arg4[%mul3A_200] : memref<320000xi32, #tpu.memory_space<hbm>> -> memref<128xi32, #tpu.memory_space<hbm>>
          tpu.enqueue_dma source(%dma_start3A_210 : memref<128xi32, #tpu.memory_space<hbm>>) target(%arg11 : memref<128xi32, #tpu.memory_space<vmem>>) target_semaphore(%run_scoped3A : memref<!tpu.dma_semaphore, #tpu.memory_space<semaphore_mem>>)
          %dma_wait3A_211 = tpu.memref_slice %arg4[%mul3A_200] : memref<320000xi32, #tpu.memory_space<hbm>> -> memref<128xi32, #tpu.memory_space<hbm>>
          %dma_wait3A_212 = tpu.memref_slice %arg4[%mul3A_200] : memref<320000xi32, #tpu.memory_space<hbm>> -> memref<128xi32, #tpu.memory_space<hbm>>
          tpu.wait_dma2 semaphore(%run_scoped3A : memref<!tpu.dma_semaphore, #tpu.memory_space<semaphore_mem>>) src(%dma_wait3A_212 : memref<128xi32, #tpu.memory_space<hbm>>) dst(%arg11 : memref<128xi32, #tpu.memory_space<vmem>>)
          tpu.yield
        }) : () -> ()
        %dma_start3A_201 = arith.constant 2 : i32
        %dma_start3A_202 = arith.constant 0 : i32
        %dma_start3A_203 = arith.constant 0 : i32
        %dma_start3A_204 = tpu.memref_slice %arg12[%dma_start3A_201, %dma_start3A_202, %dma_start3A_203] : memref<3x128x128xf32, #tpu.memory_space<vmem>> -> memref<1x128x128xf32, #tpu.memory_space<vmem>>
        %dma_start3A_205 = tpu.memref_squeeze %dma_start3A_204 : memref<1x128x128xf32, #tpu.memory_space<vmem>> -> memref<128x128xf32, #tpu.memory_space<vmem>>
        %dma_start3A_206 = arith.constant 0 : i32
        %dma_start3A_207 = arith.constant 0 : i32
        %dma_start3A_208 = tpu.memref_slice %arg2[%dma_start3A_206, %dma_start3A_207] : memref<10000x128xf32, #tpu.memory_space<hbm>> -> memref<10000x128xf32, #tpu.memory_space<hbm>>
        tpu.enqueue_indirect_dma source(%dma_start3A_208 : memref<10000x128xf32, #tpu.memory_space<hbm>>) target(%dma_start3A_205 : memref<128x128xf32, #tpu.memory_space<vmem>>) offsets(%arg8 : memref<128xi32, #tpu.memory_space<vmem>>) semaphore(%arg16 : memref<!tpu.dma_semaphore, #tpu.memory_space<semaphore_mem>>)
      } else {
      }
      %mul3A_130 = arith.constant 3 : i32
      %mul3A_131 = arith.muli %mul3A_130, %scan3A_99 : i32
      %add3A_132 = arith.constant 1 : i32
      %add3A_133 = arith.addi %mul3A_131, %add3A_132 : i32
      %dma_wait3A_134 = arith.constant 1 : i32
      %dma_wait3A_135 = arith.constant 0 : i32
      %dma_wait3A_136 = arith.constant 0 : i32
      %dma_wait3A_137 = tpu.memref_slice %arg12[%dma_wait3A_134, %dma_wait3A_135, %dma_wait3A_136] : memref<3x128x128xf32, #tpu.memory_space<vmem>> -> memref<1x128x128xf32, #tpu.memory_space<vmem>>
      %dma_wait3A_138 = tpu.memref_squeeze %dma_wait3A_137 : memref<1x128x128xf32, #tpu.memory_space<vmem>> -> memref<128x128xf32, #tpu.memory_space<vmem>>
      %dma_wait3A_139 = arith.constant 0 : i32
      %dma_wait3A_140 = arith.constant 0 : i32
      %dma_wait3A_141 = tpu.memref_slice %arg2[%dma_wait3A_139, %dma_wait3A_140] : memref<10000x128xf32, #tpu.memory_space<hbm>> -> memref<10000x128xf32, #tpu.memory_space<hbm>>
      tpu.wait_indirect_dma semaphore(%arg15 : memref<!tpu.dma_semaphore, #tpu.memory_space<semaphore_mem>>) src(%dma_wait3A_141 : memref<10000x128xf32, #tpu.memory_space<hbm>>) dst(%dma_wait3A_138 : memref<128x128xf32, #tpu.memory_space<vmem>>)
      %dma_start3A_142 = arith.constant 1 : i32
      %dma_start3A_143 = arith.constant 0 : i32
      %dma_start3A_144 = arith.constant 0 : i32
      %dma_start3A_145 = tpu.memref_slice %arg12[%dma_start3A_142, %dma_start3A_143, %dma_start3A_144] : memref<3x128x128xf32, #tpu.memory_space<vmem>> -> memref<1x128x128xf32, #tpu.memory_space<vmem>>
      %dma_start3A_146 = tpu.memref_squeeze %dma_start3A_145 : memref<1x128x128xf32, #tpu.memory_space<vmem>> -> memref<128x128xf32, #tpu.memory_space<vmem>>
      %dma_start3A_147 = arith.constant 0 : i32
      %dma_start3A_148 = arith.constant 0 : i32
      %dma_start3A_149 = tpu.memref_slice %arg13[%dma_start3A_147, %dma_start3A_148] : memref<10000x128xf32, #tpu.memory_space<vmem_shared>> -> memref<10000x128xf32, #tpu.memory_space<vmem_shared>>
      tpu.enqueue_indirect_dma source(%dma_start3A_146 : memref<128x128xf32, #tpu.memory_space<vmem>>) target(%dma_start3A_149 : memref<10000x128xf32, #tpu.memory_space<vmem_shared>>) offsets(%arg10 : memref<128xi32, #tpu.memory_space<vmem>>) semaphore(%arg18 : memref<!tpu.dma_semaphore, #tpu.memory_space<semaphore_mem>>) {add = true}
      %ge3A_150 = arith.constant 1 : i32
      %ge3A_151 = arith.cmpi sge, %add3A_133, %ge3A_150 : i32
      %le3A_152 = arith.constant 75 : i32
      %le3A_153 = arith.cmpi sle, %add3A_133, %le3A_152 : i32
      %and3A_154 = arith.andi %ge3A_151, %le3A_153 : i1
      %convert_element_type3A_155 = arith.extui %and3A_154 : i1 to i32
      %cond3A_156 = arith.constant 0 : i32
      %cond3A_157 = arith.cmpi ne, %convert_element_type3A_155, %cond3A_156 : i32
      scf.if %cond3A_157 {
        %dma_wait3A_196 = arith.constant 0 : i32
        %dma_wait3A_197 = arith.constant 0 : i32
        %dma_wait3A_198 = arith.constant 0 : i32
        %dma_wait3A_199 = tpu.memref_slice %arg12[%dma_wait3A_196, %dma_wait3A_197, %dma_wait3A_198] : memref<3x128x128xf32, #tpu.memory_space<vmem>> -> memref<1x128x128xf32, #tpu.memory_space<vmem>>
        %dma_wait3A_200 = tpu.memref_squeeze %dma_wait3A_199 : memref<1x128x128xf32, #tpu.memory_space<vmem>> -> memref<128x128xf32, #tpu.memory_space<vmem>>
        %dma_wait3A_201 = arith.constant 0 : i32
        %dma_wait3A_202 = arith.constant 0 : i32
        %dma_wait3A_203 = tpu.memref_slice %arg13[%dma_wait3A_201, %dma_wait3A_202] : memref<10000x128xf32, #tpu.memory_space<vmem_shared>> -> memref<10000x128xf32, #tpu.memory_space<vmem_shared>>
        tpu.wait_indirect_dma semaphore(%arg17 : memref<!tpu.dma_semaphore, #tpu.memory_space<semaphore_mem>>) src(%dma_wait3A_200 : memref<128x128xf32, #tpu.memory_space<vmem>>) dst(%dma_wait3A_203 : memref<10000x128xf32, #tpu.memory_space<vmem_shared>>)
      } else {
      }
      %le3A_158 = arith.constant 75 : i32
      %le3A_159 = arith.cmpi sle, %add3A_133, %le3A_158 : i32
      %convert_element_type3A_160 = arith.extui %le3A_159 : i1 to i32
      %cond3A_161 = arith.constant 0 : i32
      %cond3A_162 = arith.cmpi ne, %convert_element_type3A_160, %cond3A_161 : i32
      scf.if %cond3A_162 {
        %add3A_196 = arith.addi %mul3A_24, %add3A_133 : i32
        %add3A_197 = arith.constant 2 : i32
        %add3A_198 = arith.addi %add3A_196, %add3A_197 : i32
        %mul3A_199 = arith.constant 128 : i32
        %mul3A_200 = arith.muli %add3A_198, %mul3A_199 : i32
        "tpu.region"() ({
          %run_scoped3A = tpu.sem_alloc : memref<!tpu.dma_semaphore, #tpu.memory_space<semaphore_mem>>
          %dma_start3A_209 = tpu.memref_slice %arg3[%mul3A_200] : memref<320000xi32, #tpu.memory_space<hbm>> -> memref<128xi32, #tpu.memory_space<hbm>>
          %dma_start3A_210 = tpu.memref_slice %arg3[%mul3A_200] : memref<320000xi32, #tpu.memory_space<hbm>> -> memref<128xi32, #tpu.memory_space<hbm>>
          tpu.enqueue_dma source(%dma_start3A_210 : memref<128xi32, #tpu.memory_space<hbm>>) target(%arg6 : memref<128xi32, #tpu.memory_space<vmem>>) target_semaphore(%run_scoped3A : memref<!tpu.dma_semaphore, #tpu.memory_space<semaphore_mem>>)
          %dma_wait3A_211 = tpu.memref_slice %arg3[%mul3A_200] : memref<320000xi32, #tpu.memory_space<hbm>> -> memref<128xi32, #tpu.memory_space<hbm>>
          %dma_wait3A_212 = tpu.memref_slice %arg3[%mul3A_200] : memref<320000xi32, #tpu.memory_space<hbm>> -> memref<128xi32, #tpu.memory_space<hbm>>
          tpu.wait_dma2 semaphore(%run_scoped3A : memref<!tpu.dma_semaphore, #tpu.memory_space<semaphore_mem>>) src(%dma_wait3A_212 : memref<128xi32, #tpu.memory_space<hbm>>) dst(%arg6 : memref<128xi32, #tpu.memory_space<vmem>>)
          tpu.yield
        }) : () -> ()
        "tpu.region"() ({
          %run_scoped3A = tpu.sem_alloc : memref<!tpu.dma_semaphore, #tpu.memory_space<semaphore_mem>>
          %dma_start3A_209 = tpu.memref_slice %arg4[%mul3A_200] : memref<320000xi32, #tpu.memory_space<hbm>> -> memref<128xi32, #tpu.memory_space<hbm>>
          %dma_start3A_210 = tpu.memref_slice %arg4[%mul3A_200] : memref<320000xi32, #tpu.memory_space<hbm>> -> memref<128xi32, #tpu.memory_space<hbm>>
          tpu.enqueue_dma source(%dma_start3A_210 : memref<128xi32, #tpu.memory_space<hbm>>) target(%arg9 : memref<128xi32, #tpu.memory_space<vmem>>) target_semaphore(%run_scoped3A : memref<!tpu.dma_semaphore, #tpu.memory_space<semaphore_mem>>)
          %dma_wait3A_211 = tpu.memref_slice %arg4[%mul3A_200] : memref<320000xi32, #tpu.memory_space<hbm>> -> memref<128xi32, #tpu.memory_space<hbm>>
          %dma_wait3A_212 = tpu.memref_slice %arg4[%mul3A_200] : memref<320000xi32, #tpu.memory_space<hbm>> -> memref<128xi32, #tpu.memory_space<hbm>>
          tpu.wait_dma2 semaphore(%run_scoped3A : memref<!tpu.dma_semaphore, #tpu.memory_space<semaphore_mem>>) src(%dma_wait3A_212 : memref<128xi32, #tpu.memory_space<hbm>>) dst(%arg9 : memref<128xi32, #tpu.memory_space<vmem>>)
          tpu.yield
        }) : () -> ()
        %dma_start3A_201 = arith.constant 0 : i32
        %dma_start3A_202 = arith.constant 0 : i32
        %dma_start3A_203 = arith.constant 0 : i32
        %dma_start3A_204 = tpu.memref_slice %arg12[%dma_start3A_201, %dma_start3A_202, %dma_start3A_203] : memref<3x128x128xf32, #tpu.memory_space<vmem>> -> memref<1x128x128xf32, #tpu.memory_space<vmem>>
        %dma_start3A_205 = tpu.memref_squeeze %dma_start3A_204 : memref<1x128x128xf32, #tpu.memory_space<vmem>> -> memref<128x128xf32, #tpu.memory_space<vmem>>
        %dma_start3A_206 = arith.constant 0 : i32
        %dma_start3A_207 = arith.constant 0 : i32
        %dma_start3A_208 = tpu.memref_slice %arg2[%dma_start3A_206, %dma_start3A_207] : memref<10000x128xf32, #tpu.memory_space<hbm>> -> memref<10000x128xf32, #tpu.memory_space<hbm>>
        tpu.enqueue_indirect_dma source(%dma_start3A_208 : memref<10000x128xf32, #tpu.memory_space<hbm>>) target(%dma_start3A_205 : memref<128x128xf32, #tpu.memory_space<vmem>>) offsets(%arg6 : memref<128xi32, #tpu.memory_space<vmem>>) semaphore(%arg14 : memref<!tpu.dma_semaphore, #tpu.memory_space<semaphore_mem>>)
      } else {
      }
      %mul3A_163 = arith.constant 3 : i32
      %mul3A_164 = arith.muli %mul3A_163, %scan3A_99 : i32
      %add3A_165 = arith.constant 2 : i32
      %add3A_166 = arith.addi %mul3A_164, %add3A_165 : i32
      %dma_wait3A_167 = arith.constant 2 : i32
      %dma_wait3A_168 = arith.constant 0 : i32
      %dma_wait3A_169 = arith.constant 0 : i32
      %dma_wait3A_170 = tpu.memref_slice %arg12[%dma_wait3A_167, %dma_wait3A_168, %dma_wait3A_169] : memref<3x128x128xf32, #tpu.memory_space<vmem>> -> memref<1x128x128xf32, #tpu.memory_space<vmem>>
      %dma_wait3A_171 = tpu.memref_squeeze %dma_wait3A_170 : memref<1x128x128xf32, #tpu.memory_space<vmem>> -> memref<128x128xf32, #tpu.memory_space<vmem>>
      %dma_wait3A_172 = arith.constant 0 : i32
      %dma_wait3A_173 = arith.constant 0 : i32
      %dma_wait3A_174 = tpu.memref_slice %arg2[%dma_wait3A_172, %dma_wait3A_173] : memref<10000x128xf32, #tpu.memory_space<hbm>> -> memref<10000x128xf32, #tpu.memory_space<hbm>>
      tpu.wait_indirect_dma semaphore(%arg16 : memref<!tpu.dma_semaphore, #tpu.memory_space<semaphore_mem>>) src(%dma_wait3A_174 : memref<10000x128xf32, #tpu.memory_space<hbm>>) dst(%dma_wait3A_171 : memref<128x128xf32, #tpu.memory_space<vmem>>)
      %dma_start3A_175 = arith.constant 2 : i32
      %dma_start3A_176 = arith.constant 0 : i32
      %dma_start3A_177 = arith.constant 0 : i32
      %dma_start3A_178 = tpu.memref_slice %arg12[%dma_start3A_175, %dma_start3A_176, %dma_start3A_177] : memref<3x128x128xf32, #tpu.memory_space<vmem>> -> memref<1x128x128xf32, #tpu.memory_space<vmem>>
      %dma_start3A_179 = tpu.memref_squeeze %dma_start3A_178 : memref<1x128x128xf32, #tpu.memory_space<vmem>> -> memref<128x128xf32, #tpu.memory_space<vmem>>
      %dma_start3A_180 = arith.constant 0 : i32
      %dma_start3A_181 = arith.constant 0 : i32
      %dma_start3A_182 = tpu.memref_slice %arg13[%dma_start3A_180, %dma_start3A_181] : memref<10000x128xf32, #tpu.memory_space<vmem_shared>> -> memref<10000x128xf32, #tpu.memory_space<vmem_shared>>
      tpu.enqueue_indirect_dma source(%dma_start3A_179 : memref<128x128xf32, #tpu.memory_space<vmem>>) target(%dma_start3A_182 : memref<10000x128xf32, #tpu.memory_space<vmem_shared>>) offsets(%arg11 : memref<128xi32, #tpu.memory_space<vmem>>) semaphore(%arg19 : memref<!tpu.dma_semaphore, #tpu.memory_space<semaphore_mem>>) {add = true}
      %ge3A_183 = arith.constant 1 : i32
      %ge3A_184 = arith.cmpi sge, %add3A_166, %ge3A_183 : i32
      %le3A_185 = arith.constant 75 : i32
      %le3A_186 = arith.cmpi sle, %add3A_166, %le3A_185 : i32
      %and3A_187 = arith.andi %ge3A_184, %le3A_186 : i1
      %convert_element_type3A_188 = arith.extui %and3A_187 : i1 to i32
      %cond3A_189 = arith.constant 0 : i32
      %cond3A_190 = arith.cmpi ne, %convert_element_type3A_188, %cond3A_189 : i32
      scf.if %cond3A_190 {
        %dma_wait3A_196 = arith.constant 1 : i32
        %dma_wait3A_197 = arith.constant 0 : i32
        %dma_wait3A_198 = arith.constant 0 : i32
        %dma_wait3A_199 = tpu.memref_slice %arg12[%dma_wait3A_196, %dma_wait3A_197, %dma_wait3A_198] : memref<3x128x128xf32, #tpu.memory_space<vmem>> -> memref<1x128x128xf32, #tpu.memory_space<vmem>>
        %dma_wait3A_200 = tpu.memref_squeeze %dma_wait3A_199 : memref<1x128x128xf32, #tpu.memory_space<vmem>> -> memref<128x128xf32, #tpu.memory_space<vmem>>
        %dma_wait3A_201 = arith.constant 0 : i32
        %dma_wait3A_202 = arith.constant 0 : i32
        %dma_wait3A_203 = tpu.memref_slice %arg13[%dma_wait3A_201, %dma_wait3A_202] : memref<10000x128xf32, #tpu.memory_space<vmem_shared>> -> memref<10000x128xf32, #tpu.memory_space<vmem_shared>>
        tpu.wait_indirect_dma semaphore(%arg18 : memref<!tpu.dma_semaphore, #tpu.memory_space<semaphore_mem>>) src(%dma_wait3A_200 : memref<128x128xf32, #tpu.memory_space<vmem>>) dst(%dma_wait3A_203 : memref<10000x128xf32, #tpu.memory_space<vmem_shared>>)
      } else {
      }
      %le3A_191 = arith.constant 75 : i32
      %le3A_192 = arith.cmpi sle, %add3A_166, %le3A_191 : i32
      %convert_element_type3A_193 = arith.extui %le3A_192 : i1 to i32
      %cond3A_194 = arith.constant 0 : i32
      %cond3A_195 = arith.cmpi ne, %convert_element_type3A_193, %cond3A_194 : i32
      scf.if %cond3A_195 {
        %add3A_196 = arith.addi %mul3A_24, %add3A_166 : i32
        %add3A_197 = arith.constant 2 : i32
        %add3A_198 = arith.addi %add3A_196, %add3A_197 : i32
        %mul3A_199 = arith.constant 128 : i32
        %mul3A_200 = arith.muli %add3A_198, %mul3A_199 : i32
        "tpu.region"() ({
          %run_scoped3A = tpu.sem_alloc : memref<!tpu.dma_semaphore, #tpu.memory_space<semaphore_mem>>
          %dma_start3A_209 = tpu.memref_slice %arg3[%mul3A_200] : memref<320000xi32, #tpu.memory_space<hbm>> -> memref<128xi32, #tpu.memory_space<hbm>>
          %dma_start3A_210 = tpu.memref_slice %arg3[%mul3A_200] : memref<320000xi32, #tpu.memory_space<hbm>> -> memref<128xi32, #tpu.memory_space<hbm>>
          tpu.enqueue_dma source(%dma_start3A_210 : memref<128xi32, #tpu.memory_space<hbm>>) target(%arg7 : memref<128xi32, #tpu.memory_space<vmem>>) target_semaphore(%run_scoped3A : memref<!tpu.dma_semaphore, #tpu.memory_space<semaphore_mem>>)
          %dma_wait3A_211 = tpu.memref_slice %arg3[%mul3A_200] : memref<320000xi32, #tpu.memory_space<hbm>> -> memref<128xi32, #tpu.memory_space<hbm>>
          %dma_wait3A_212 = tpu.memref_slice %arg3[%mul3A_200] : memref<320000xi32, #tpu.memory_space<hbm>> -> memref<128xi32, #tpu.memory_space<hbm>>
          tpu.wait_dma2 semaphore(%run_scoped3A : memref<!tpu.dma_semaphore, #tpu.memory_space<semaphore_mem>>) src(%dma_wait3A_212 : memref<128xi32, #tpu.memory_space<hbm>>) dst(%arg7 : memref<128xi32, #tpu.memory_space<vmem>>)
          tpu.yield
        }) : () -> ()
        "tpu.region"() ({
          %run_scoped3A = tpu.sem_alloc : memref<!tpu.dma_semaphore, #tpu.memory_space<semaphore_mem>>
          %dma_start3A_209 = tpu.memref_slice %arg4[%mul3A_200] : memref<320000xi32, #tpu.memory_space<hbm>> -> memref<128xi32, #tpu.memory_space<hbm>>
          %dma_start3A_210 = tpu.memref_slice %arg4[%mul3A_200] : memref<320000xi32, #tpu.memory_space<hbm>> -> memref<128xi32, #tpu.memory_space<hbm>>
          tpu.enqueue_dma source(%dma_start3A_210 : memref<128xi32, #tpu.memory_space<hbm>>) target(%arg10 : memref<128xi32, #tpu.memory_space<vmem>>) target_semaphore(%run_scoped3A : memref<!tpu.dma_semaphore, #tpu.memory_space<semaphore_mem>>)
          %dma_wait3A_211 = tpu.memref_slice %arg4[%mul3A_200] : memref<320000xi32, #tpu.memory_space<hbm>> -> memref<128xi32, #tpu.memory_space<hbm>>
          %dma_wait3A_212 = tpu.memref_slice %arg4[%mul3A_200] : memref<320000xi32, #tpu.memory_space<hbm>> -> memref<128xi32, #tpu.memory_space<hbm>>
          tpu.wait_dma2 semaphore(%run_scoped3A : memref<!tpu.dma_semaphore, #tpu.memory_space<semaphore_mem>>) src(%dma_wait3A_212 : memref<128xi32, #tpu.memory_space<hbm>>) dst(%arg10 : memref<128xi32, #tpu.memory_space<vmem>>)
          tpu.yield
        }) : () -> ()
        %dma_start3A_201 = arith.constant 1 : i32
        %dma_start3A_202 = arith.constant 0 : i32
        %dma_start3A_203 = arith.constant 0 : i32
        %dma_start3A_204 = tpu.memref_slice %arg12[%dma_start3A_201, %dma_start3A_202, %dma_start3A_203] : memref<3x128x128xf32, #tpu.memory_space<vmem>> -> memref<1x128x128xf32, #tpu.memory_space<vmem>>
        %dma_start3A_205 = tpu.memref_squeeze %dma_start3A_204 : memref<1x128x128xf32, #tpu.memory_space<vmem>> -> memref<128x128xf32, #tpu.memory_space<vmem>>
        %dma_start3A_206 = arith.constant 0 : i32
        %dma_start3A_207 = arith.constant 0 : i32
        %dma_start3A_208 = tpu.memref_slice %arg2[%dma_start3A_206, %dma_start3A_207] : memref<10000x128xf32, #tpu.memory_space<hbm>> -> memref<10000x128xf32, #tpu.memory_space<hbm>>
        tpu.enqueue_indirect_dma source(%dma_start3A_208 : memref<10000x128xf32, #tpu.memory_space<hbm>>) target(%dma_start3A_205 : memref<128x128xf32, #tpu.memory_space<vmem>>) offsets(%arg7 : memref<128xi32, #tpu.memory_space<vmem>>) semaphore(%arg15 : memref<!tpu.dma_semaphore, #tpu.memory_space<semaphore_mem>>)
      } else {
      }
    }
    %scan3A_61 = arith.constant 26 : i32
    %dma_wait3A = arith.constant 0 : i32
    %dma_wait3A_62 = arith.constant 0 : i32
    %dma_wait3A_63 = arith.constant 0 : i32
    %dma_wait3A_64 = tpu.memref_slice %arg12[%dma_wait3A, %dma_wait3A_62, %dma_wait3A_63] : memref<3x128x128xf32, #tpu.memory_space<vmem>> -> memref<1x128x128xf32, #tpu.memory_space<vmem>>
    %dma_wait3A_65 = tpu.memref_squeeze %dma_wait3A_64 : memref<1x128x128xf32, #tpu.memory_space<vmem>> -> memref<128x128xf32, #tpu.memory_space<vmem>>
    %dma_wait3A_66 = arith.constant 0 : i32
    %dma_wait3A_67 = arith.constant 0 : i32
    %dma_wait3A_68 = tpu.memref_slice %arg13[%dma_wait3A_66, %dma_wait3A_67] : memref<10000x128xf32, #tpu.memory_space<vmem_shared>> -> memref<10000x128xf32, #tpu.memory_space<vmem_shared>>
    tpu.wait_indirect_dma semaphore(%arg17 : memref<!tpu.dma_semaphore, #tpu.memory_space<semaphore_mem>>) src(%dma_wait3A_65 : memref<128x128xf32, #tpu.memory_space<vmem>>) dst(%dma_wait3A_68 : memref<10000x128xf32, #tpu.memory_space<vmem_shared>>)
    %dma_wait3A_69 = arith.constant 1 : i32
    %dma_wait3A_70 = arith.constant 0 : i32
    %dma_wait3A_71 = arith.constant 0 : i32
    %dma_wait3A_72 = tpu.memref_slice %arg12[%dma_wait3A_69, %dma_wait3A_70, %dma_wait3A_71] : memref<3x128x128xf32, #tpu.memory_space<vmem>> -> memref<1x128x128xf32, #tpu.memory_space<vmem>>
    %dma_wait3A_73 = tpu.memref_squeeze %dma_wait3A_72 : memref<1x128x128xf32, #tpu.memory_space<vmem>> -> memref<128x128xf32, #tpu.memory_space<vmem>>
    %dma_wait3A_74 = arith.constant 0 : i32
    %dma_wait3A_75 = arith.constant 0 : i32
    %dma_wait3A_76 = tpu.memref_slice %arg13[%dma_wait3A_74, %dma_wait3A_75] : memref<10000x128xf32, #tpu.memory_space<vmem_shared>> -> memref<10000x128xf32, #tpu.memory_space<vmem_shared>>
    tpu.wait_indirect_dma semaphore(%arg18 : memref<!tpu.dma_semaphore, #tpu.memory_space<semaphore_mem>>) src(%dma_wait3A_73 : memref<128x128xf32, #tpu.memory_space<vmem>>) dst(%dma_wait3A_76 : memref<10000x128xf32, #tpu.memory_space<vmem_shared>>)
    %dma_wait3A_77 = arith.constant 2 : i32
    %dma_wait3A_78 = arith.constant 0 : i32
    %dma_wait3A_79 = arith.constant 0 : i32
    %dma_wait3A_80 = tpu.memref_slice %arg12[%dma_wait3A_77, %dma_wait3A_78, %dma_wait3A_79] : memref<3x128x128xf32, #tpu.memory_space<vmem>> -> memref<1x128x128xf32, #tpu.memory_space<vmem>>
    %dma_wait3A_81 = tpu.memref_squeeze %dma_wait3A_80 : memref<1x128x128xf32, #tpu.memory_space<vmem>> -> memref<128x128xf32, #tpu.memory_space<vmem>>
    %dma_wait3A_82 = arith.constant 0 : i32
    %dma_wait3A_83 = arith.constant 0 : i32
    %dma_wait3A_84 = tpu.memref_slice %arg13[%dma_wait3A_82, %dma_wait3A_83] : memref<10000x128xf32, #tpu.memory_space<vmem_shared>> -> memref<10000x128xf32, #tpu.memory_space<vmem_shared>>
    tpu.wait_indirect_dma semaphore(%arg19 : memref<!tpu.dma_semaphore, #tpu.memory_space<semaphore_mem>>) src(%dma_wait3A_81 : memref<128x128xf32, #tpu.memory_space<vmem>>) dst(%dma_wait3A_84 : memref<10000x128xf32, #tpu.memory_space<vmem_shared>>)
    %lt3A_85 = arith.constant 4 : i32
    %lt3A_86 = arith.cmpi slt, %add3A, %lt3A_85 : i32
    %convert_element_type3A = arith.extui %lt3A_86 : i1 to i32
    %cond3A = arith.constant 0 : i32
    %cond3A_87 = arith.cmpi ne, %convert_element_type3A, %cond3A : i32
    scf.if %cond3A_87 {
      %add3A_99 = arith.constant 2496 : i32
      %add3A_100 = arith.addi %add3A_99, %add3A : i32
      %mul3A_101 = arith.constant 128 : i32
      %mul3A_102 = arith.muli %add3A_100, %mul3A_101 : i32
      "tpu.region"() ({
        %run_scoped3A_119 = tpu.sem_alloc : memref<!tpu.dma_semaphore, #tpu.memory_space<semaphore_mem>>
        %dma_start3A_120 = tpu.memref_slice %arg3[%mul3A_102] : memref<320000xi32, #tpu.memory_space<hbm>> -> memref<128xi32, #tpu.memory_space<hbm>>
        %dma_start3A_121 = tpu.memref_slice %arg3[%mul3A_102] : memref<320000xi32, #tpu.memory_space<hbm>> -> memref<128xi32, #tpu.memory_space<hbm>>
        tpu.enqueue_dma source(%dma_start3A_121 : memref<128xi32, #tpu.memory_space<hbm>>) target(%arg6 : memref<128xi32, #tpu.memory_space<vmem>>) target_semaphore(%run_scoped3A_119 : memref<!tpu.dma_semaphore, #tpu.memory_space<semaphore_mem>>)
        %dma_wait3A_122 = tpu.memref_slice %arg3[%mul3A_102] : memref<320000xi32, #tpu.memory_space<hbm>> -> memref<128xi32, #tpu.memory_space<hbm>>
        %dma_wait3A_123 = tpu.memref_slice %arg3[%mul3A_102] : memref<320000xi32, #tpu.memory_space<hbm>> -> memref<128xi32, #tpu.memory_space<hbm>>
        tpu.wait_dma2 semaphore(%run_scoped3A_119 : memref<!tpu.dma_semaphore, #tpu.memory_space<semaphore_mem>>) src(%dma_wait3A_123 : memref<128xi32, #tpu.memory_space<hbm>>) dst(%arg6 : memref<128xi32, #tpu.memory_space<vmem>>)
        tpu.yield
      }) : () -> ()
      "tpu.region"() ({
        %run_scoped3A_119 = tpu.sem_alloc : memref<!tpu.dma_semaphore, #tpu.memory_space<semaphore_mem>>
        %dma_start3A_120 = tpu.memref_slice %arg4[%mul3A_102] : memref<320000xi32, #tpu.memory_space<hbm>> -> memref<128xi32, #tpu.memory_space<hbm>>
        %dma_start3A_121 = tpu.memref_slice %arg4[%mul3A_102] : memref<320000xi32, #tpu.memory_space<hbm>> -> memref<128xi32, #tpu.memory_space<hbm>>
        tpu.enqueue_dma source(%dma_start3A_121 : memref<128xi32, #tpu.memory_space<hbm>>) target(%arg9 : memref<128xi32, #tpu.memory_space<vmem>>) target_semaphore(%run_scoped3A_119 : memref<!tpu.dma_semaphore, #tpu.memory_space<semaphore_mem>>)
        %dma_wait3A_122 = tpu.memref_slice %arg4[%mul3A_102] : memref<320000xi32, #tpu.memory_space<hbm>> -> memref<128xi32, #tpu.memory_space<hbm>>
        %dma_wait3A_123 = tpu.memref_slice %arg4[%mul3A_102] : memref<320000xi32, #tpu.memory_space<hbm>> -> memref<128xi32, #tpu.memory_space<hbm>>
        tpu.wait_dma2 semaphore(%run_scoped3A_119 : memref<!tpu.dma_semaphore, #tpu.memory_space<semaphore_mem>>) src(%dma_wait3A_123 : memref<128xi32, #tpu.memory_space<hbm>>) dst(%arg9 : memref<128xi32, #tpu.memory_space<vmem>>)
        tpu.yield
      }) : () -> ()
      %dma_start3A_103 = arith.constant 0 : i32
      %dma_start3A_104 = arith.constant 0 : i32
      %dma_start3A_105 = arith.constant 0 : i32
      %dma_start3A_106 = tpu.memref_slice %arg12[%dma_start3A_103, %dma_start3A_104, %dma_start3A_105] : memref<3x128x128xf32, #tpu.memory_space<vmem>> -> memref<1x128x128xf32, #tpu.memory_space<vmem>>
      %dma_start3A_107 = tpu.memref_squeeze %dma_start3A_106 : memref<1x128x128xf32, #tpu.memory_space<vmem>> -> memref<128x128xf32, #tpu.memory_space<vmem>>
      %dma_start3A_108 = arith.constant 0 : i32
      %dma_start3A_109 = arith.constant 0 : i32
      %dma_start3A_110 = tpu.memref_slice %arg2[%dma_start3A_108, %dma_start3A_109] : memref<10000x128xf32, #tpu.memory_space<hbm>> -> memref<10000x128xf32, #tpu.memory_space<hbm>>
      tpu.enqueue_indirect_dma source(%dma_start3A_110 : memref<10000x128xf32, #tpu.memory_space<hbm>>) target(%dma_start3A_107 : memref<128x128xf32, #tpu.memory_space<vmem>>) offsets(%arg6 : memref<128xi32, #tpu.memory_space<vmem>>) semaphore(%arg14 : memref<!tpu.dma_semaphore, #tpu.memory_space<semaphore_mem>>)
      %dma_wait3A_111 = arith.constant 0 : i32
      %dma_wait3A_112 = arith.constant 0 : i32
      %dma_wait3A_113 = arith.constant 0 : i32
      %dma_wait3A_114 = tpu.memref_slice %arg12[%dma_wait3A_111, %dma_wait3A_112, %dma_wait3A_113] : memref<3x128x128xf32, #tpu.memory_space<vmem>> -> memref<1x128x128xf32, #tpu.memory_space<vmem>>
      %dma_wait3A_115 = tpu.memref_squeeze %dma_wait3A_114 : memref<1x128x128xf32, #tpu.memory_space<vmem>> -> memref<128x128xf32, #tpu.memory_space<vmem>>
      %dma_wait3A_116 = arith.constant 0 : i32
      %dma_wait3A_117 = arith.constant 0 : i32
      %dma_wait3A_118 = tpu.memref_slice %arg2[%dma_wait3A_116, %dma_wait3A_117] : memref<10000x128xf32, #tpu.memory_space<hbm>> -> memref<10000x128xf32, #tpu.memory_space<hbm>>
      tpu.wait_indirect_dma semaphore(%arg14 : memref<!tpu.dma_semaphore, #tpu.memory_space<semaphore_mem>>) src(%dma_wait3A_118 : memref<10000x128xf32, #tpu.memory_space<hbm>>) dst(%dma_wait3A_115 : memref<128x128xf32, #tpu.memory_space<vmem>>)
      %run_scoped3A = arith.constant 0 : i32
      "tpu.region"() ({
        %run_scoped3A_119 = tpu.sem_alloc : memref<!tpu.dma_semaphore, #tpu.memory_space<semaphore_mem>>
        %dma_start3A_120 = arith.constant 0 : i32
        %dma_start3A_121 = arith.constant 0 : i32
        %dma_start3A_122 = tpu.memref_slice %arg12[%run_scoped3A, %dma_start3A_120, %dma_start3A_121] : memref<3x128x128xf32, #tpu.memory_space<vmem>> -> memref<1x128x128xf32, #tpu.memory_space<vmem>>
        %dma_start3A_123 = tpu.memref_squeeze %dma_start3A_122 : memref<1x128x128xf32, #tpu.memory_space<vmem>> -> memref<128x128xf32, #tpu.memory_space<vmem>>
        %dma_start3A_124 = arith.constant 0 : i32
        %dma_start3A_125 = arith.constant 0 : i32
        %dma_start3A_126 = tpu.memref_slice %arg13[%dma_start3A_124, %dma_start3A_125] : memref<10000x128xf32, #tpu.memory_space<vmem_shared>> -> memref<10000x128xf32, #tpu.memory_space<vmem_shared>>
        tpu.enqueue_indirect_dma source(%dma_start3A_123 : memref<128x128xf32, #tpu.memory_space<vmem>>) target(%dma_start3A_126 : memref<10000x128xf32, #tpu.memory_space<vmem_shared>>) offsets(%arg9 : memref<128xi32, #tpu.memory_space<vmem>>) semaphore(%run_scoped3A_119 : memref<!tpu.dma_semaphore, #tpu.memory_space<semaphore_mem>>) {add = true}
        %dma_wait3A_127 = arith.constant 0 : i32
        %dma_wait3A_128 = arith.constant 0 : i32
        %dma_wait3A_129 = tpu.memref_slice %arg12[%run_scoped3A, %dma_wait3A_127, %dma_wait3A_128] : memref<3x128x128xf32, #tpu.memory_space<vmem>> -> memref<1x128x128xf32, #tpu.memory_space<vmem>>
        %dma_wait3A_130 = tpu.memref_squeeze %dma_wait3A_129 : memref<1x128x128xf32, #tpu.memory_space<vmem>> -> memref<128x128xf32, #tpu.memory_space<vmem>>
        %dma_wait3A_131 = arith.constant 0 : i32
        %dma_wait3A_132 = arith.constant 0 : i32
        %dma_wait3A_133 = tpu.memref_slice %arg13[%dma_wait3A_131, %dma_wait3A_132] : memref<10000x128xf32, #tpu.memory_space<vmem_shared>> -> memref<10000x128xf32, #tpu.memory_space<vmem_shared>>
        tpu.wait_indirect_dma semaphore(%run_scoped3A_119 : memref<!tpu.dma_semaphore, #tpu.memory_space<semaphore_mem>>) src(%dma_wait3A_130 : memref<128x128xf32, #tpu.memory_space<vmem>>) dst(%dma_wait3A_133 : memref<10000x128xf32, #tpu.memory_space<vmem_shared>>)
        tpu.yield
      }) : () -> ()
    } else {
    }
    %barrier3A_88 = arith.constant 0 : index
    tpu.barrier barrier_id(%barrier3A_88)
    %while3A_89 = arith.constant 0 : i32
    %while3A_90 = arith.constant 0 : i32
    %while3A_91 = arith.subi %add3A_9, %while3A_90 : i32
    %while3A_92 = arith.addi %while3A_90, %while3A_91 : i32
    %while3A_93 = arith.constant 1 : i32
    %while3A_94 = arith.divsi %while3A_91, %while3A_93 : i32
    %while3A_95 = arith.muli %while3A_94, %while3A_93 : i32
    %while3A_96 = arith.addi %while3A_90, %while3A_95 : i32
    %while3A_97 = arith.constant 1 : i32
    scf.for %while3A_99 = %while3A_90 to %while3A_96 step %while3A_97  : i32 {
      %add3A_100 = arith.addi %add3A_13, %while3A_99 : i32
      %mul3A_101 = arith.constant 80 : i32
      %mul3A_102 = arith.muli %add3A_100, %mul3A_101 : i32
      %run_scoped3A = arith.constant 0 : i32
      "tpu.region"() ({
        %run_scoped3A_104 = tpu.sem_alloc : memref<!tpu.dma_semaphore, #tpu.memory_space<semaphore_mem>>
        %dma_start3A_105 = arith.constant 0 : i32
        %dma_start3A_106 = arith.constant 0 : i32
        %dma_start3A_107 = tpu.memref_slice %arg12[%run_scoped3A, %dma_start3A_105, %dma_start3A_106] : memref<3x128x128xf32, #tpu.memory_space<vmem>> -> memref<1x80x128xf32, #tpu.memory_space<vmem>>
        %dma_start3A_108 = tpu.memref_squeeze %dma_start3A_107 : memref<1x80x128xf32, #tpu.memory_space<vmem>> -> memref<80x128xf32, #tpu.memory_space<vmem>>
        %dma_start3A_109 = arith.constant 0 : i32
        %dma_start3A_110 = tpu.memref_slice %arg13[%mul3A_102, %dma_start3A_109] : memref<10000x128xf32, #tpu.memory_space<vmem_shared>> -> memref<80x128xf32, #tpu.memory_space<vmem_shared>>
        %dma_start3A_111 = arith.constant 0 : i32
        %dma_start3A_112 = arith.constant 0 : i32
        %dma_start3A_113 = tpu.memref_slice %arg12[%run_scoped3A, %dma_start3A_111, %dma_start3A_112] : memref<3x128x128xf32, #tpu.memory_space<vmem>> -> memref<1x80x128xf32, #tpu.memory_space<vmem>>
        %dma_start3A_114 = tpu.memref_squeeze %dma_start3A_113 : memref<1x80x128xf32, #tpu.memory_space<vmem>> -> memref<80x128xf32, #tpu.memory_space<vmem>>
        %dma_start3A_115 = arith.constant 0 : i32
        %dma_start3A_116 = tpu.memref_slice %arg13[%mul3A_102, %dma_start3A_115] : memref<10000x128xf32, #tpu.memory_space<vmem_shared>> -> memref<80x128xf32, #tpu.memory_space<vmem_shared>>
        tpu.enqueue_dma source(%dma_start3A_116 : memref<80x128xf32, #tpu.memory_space<vmem_shared>>) target(%dma_start3A_114 : memref<80x128xf32, #tpu.memory_space<vmem>>) target_semaphore(%run_scoped3A_104 : memref<!tpu.dma_semaphore, #tpu.memory_space<semaphore_mem>>)
        %dma_wait3A_117 = arith.constant 0 : i32
        %dma_wait3A_118 = arith.constant 0 : i32
        %dma_wait3A_119 = tpu.memref_slice %arg12[%run_scoped3A, %dma_wait3A_117, %dma_wait3A_118] : memref<3x128x128xf32, #tpu.memory_space<vmem>> -> memref<1x80x128xf32, #tpu.memory_space<vmem>>
        %dma_wait3A_120 = tpu.memref_squeeze %dma_wait3A_119 : memref<1x80x128xf32, #tpu.memory_space<vmem>> -> memref<80x128xf32, #tpu.memory_space<vmem>>
        %dma_wait3A_121 = arith.constant 0 : i32
        %dma_wait3A_122 = tpu.memref_slice %arg13[%mul3A_102, %dma_wait3A_121] : memref<10000x128xf32, #tpu.memory_space<vmem_shared>> -> memref<80x128xf32, #tpu.memory_space<vmem_shared>>
        %dma_wait3A_123 = arith.constant 0 : i32
        %dma_wait3A_124 = arith.constant 0 : i32
        %dma_wait3A_125 = tpu.memref_slice %arg12[%run_scoped3A, %dma_wait3A_123, %dma_wait3A_124] : memref<3x128x128xf32, #tpu.memory_space<vmem>> -> memref<1x80x128xf32, #tpu.memory_space<vmem>>
        %dma_wait3A_126 = tpu.memref_squeeze %dma_wait3A_125 : memref<1x80x128xf32, #tpu.memory_space<vmem>> -> memref<80x128xf32, #tpu.memory_space<vmem>>
        %dma_wait3A_127 = arith.constant 0 : i32
        %dma_wait3A_128 = tpu.memref_slice %arg13[%mul3A_102, %dma_wait3A_127] : memref<10000x128xf32, #tpu.memory_space<vmem_shared>> -> memref<80x128xf32, #tpu.memory_space<vmem_shared>>
        tpu.wait_dma2 semaphore(%run_scoped3A_104 : memref<!tpu.dma_semaphore, #tpu.memory_space<semaphore_mem>>) src(%dma_wait3A_128 : memref<80x128xf32, #tpu.memory_space<vmem_shared>>) dst(%dma_wait3A_126 : memref<80x128xf32, #tpu.memory_space<vmem>>)
        tpu.yield
      }) : () -> ()
      %run_scoped3A_103 = arith.constant 0 : i32
      "tpu.region"() ({
        %run_scoped3A_104 = tpu.sem_alloc : memref<!tpu.dma_semaphore, #tpu.memory_space<semaphore_mem>>
        %dma_start3A_105 = arith.constant 0 : i32
        %dma_start3A_106 = arith.constant 0 : i32
        %dma_start3A_107 = tpu.memref_slice %arg12[%run_scoped3A_103, %dma_start3A_105, %dma_start3A_106] : memref<3x128x128xf32, #tpu.memory_space<vmem>> -> memref<1x80x128xf32, #tpu.memory_space<vmem>>
        %dma_start3A_108 = tpu.memref_squeeze %dma_start3A_107 : memref<1x80x128xf32, #tpu.memory_space<vmem>> -> memref<80x128xf32, #tpu.memory_space<vmem>>
        %dma_start3A_109 = arith.constant 0 : i32
        %dma_start3A_110 = tpu.memref_slice %arg5[%arg0, %mul3A_102, %dma_start3A_109] : memref<2x10000x128xf32, #tpu.memory_space<hbm>> -> memref<1x80x128xf32, #tpu.memory_space<hbm>>
        %dma_start3A_111 = tpu.memref_squeeze %dma_start3A_110 : memref<1x80x128xf32, #tpu.memory_space<hbm>> -> memref<80x128xf32, #tpu.memory_space<hbm>>
        %dma_start3A_112 = arith.constant 0 : i32
        %dma_start3A_113 = tpu.memref_slice %arg5[%arg0, %mul3A_102, %dma_start3A_112] : memref<2x10000x128xf32, #tpu.memory_space<hbm>> -> memref<1x80x128xf32, #tpu.memory_space<hbm>>
        %dma_start3A_114 = tpu.memref_squeeze %dma_start3A_113 : memref<1x80x128xf32, #tpu.memory_space<hbm>> -> memref<80x128xf32, #tpu.memory_space<hbm>>
        %dma_start3A_115 = arith.constant 0 : i32
        %dma_start3A_116 = arith.constant 0 : i32
        %dma_start3A_117 = tpu.memref_slice %arg12[%run_scoped3A_103, %dma_start3A_115, %dma_start3A_116] : memref<3x128x128xf32, #tpu.memory_space<vmem>> -> memref<1x80x128xf32, #tpu.memory_space<vmem>>
        %dma_start3A_118 = tpu.memref_squeeze %dma_start3A_117 : memref<1x80x128xf32, #tpu.memory_space<vmem>> -> memref<80x128xf32, #tpu.memory_space<vmem>>
        tpu.enqueue_dma source(%dma_start3A_118 : memref<80x128xf32, #tpu.memory_space<vmem>>) target(%dma_start3A_114 : memref<80x128xf32, #tpu.memory_space<hbm>>) target_semaphore(%run_scoped3A_104 : memref<!tpu.dma_semaphore, #tpu.memory_space<semaphore_mem>>)
        %dma_wait3A_119 = arith.constant 0 : i32
        %dma_wait3A_120 = arith.constant 0 : i32
        %dma_wait3A_121 = tpu.memref_slice %arg12[%run_scoped3A_103, %dma_wait3A_119, %dma_wait3A_120] : memref<3x128x128xf32, #tpu.memory_space<vmem>> -> memref<1x80x128xf32, #tpu.memory_space<vmem>>
        %dma_wait3A_122 = tpu.memref_squeeze %dma_wait3A_121 : memref<1x80x128xf32, #tpu.memory_space<vmem>> -> memref<80x128xf32, #tpu.memory_space<vmem>>
        %dma_wait3A_123 = arith.constant 0 : i32
        %dma_wait3A_124 = tpu.memref_slice %arg5[%arg0, %mul3A_102, %dma_wait3A_123] : memref<2x10000x128xf32, #tpu.memory_space<hbm>> -> memref<1x80x128xf32, #tpu.memory_space<hbm>>
        %dma_wait3A_125 = tpu.memref_squeeze %dma_wait3A_124 : memref<1x80x128xf32, #tpu.memory_space<hbm>> -> memref<80x128xf32, #tpu.memory_space<hbm>>
        %dma_wait3A_126 = arith.constant 0 : i32
        %dma_wait3A_127 = tpu.memref_slice %arg5[%arg0, %mul3A_102, %dma_wait3A_126] : memref<2x10000x128xf32, #tpu.memory_space<hbm>> -> memref<1x80x128xf32, #tpu.memory_space<hbm>>
        %dma_wait3A_128 = tpu.memref_squeeze %dma_wait3A_127 : memref<1x80x128xf32, #tpu.memory_space<hbm>> -> memref<80x128xf32, #tpu.memory_space<hbm>>
        %dma_wait3A_129 = arith.constant 0 : i32
        %dma_wait3A_130 = arith.constant 0 : i32
        %dma_wait3A_131 = tpu.memref_slice %arg12[%run_scoped3A_103, %dma_wait3A_129, %dma_wait3A_130] : memref<3x128x128xf32, #tpu.memory_space<vmem>> -> memref<1x80x128xf32, #tpu.memory_space<vmem>>
        %dma_wait3A_132 = tpu.memref_squeeze %dma_wait3A_131 : memref<1x80x128xf32, #tpu.memory_space<vmem>> -> memref<80x128xf32, #tpu.memory_space<vmem>>
        tpu.wait_dma2 semaphore(%run_scoped3A_104 : memref<!tpu.dma_semaphore, #tpu.memory_space<semaphore_mem>>) src(%dma_wait3A_132 : memref<80x128xf32, #tpu.memory_space<vmem>>) dst(%dma_wait3A_128 : memref<80x128xf32, #tpu.memory_space<hbm>>)
        tpu.yield
      }) : () -> ()
    }
    %while3A_98 = arith.constant 1 : i32
    scf.for %while3A_99 = %while3A_96 to %while3A_92 step %while3A_98  : i32 {
      %add3A_100 = arith.addi %add3A_13, %while3A_99 : i32
      %mul3A_101 = arith.constant 80 : i32
      %mul3A_102 = arith.muli %add3A_100, %mul3A_101 : i32
      %run_scoped3A = arith.constant 0 : i32
      "tpu.region"() ({
        %run_scoped3A_104 = tpu.sem_alloc : memref<!tpu.dma_semaphore, #tpu.memory_space<semaphore_mem>>
        %dma_start3A_105 = arith.constant 0 : i32
        %dma_start3A_106 = arith.constant 0 : i32
        %dma_start3A_107 = tpu.memref_slice %arg12[%run_scoped3A, %dma_start3A_105, %dma_start3A_106] : memref<3x128x128xf32, #tpu.memory_space<vmem>> -> memref<1x80x128xf32, #tpu.memory_space<vmem>>
        %dma_start3A_108 = tpu.memref_squeeze %dma_start3A_107 : memref<1x80x128xf32, #tpu.memory_space<vmem>> -> memref<80x128xf32, #tpu.memory_space<vmem>>
        %dma_start3A_109 = arith.constant 0 : i32
        %dma_start3A_110 = tpu.memref_slice %arg13[%mul3A_102, %dma_start3A_109] : memref<10000x128xf32, #tpu.memory_space<vmem_shared>> -> memref<80x128xf32, #tpu.memory_space<vmem_shared>>
        %dma_start3A_111 = arith.constant 0 : i32
        %dma_start3A_112 = arith.constant 0 : i32
        %dma_start3A_113 = tpu.memref_slice %arg12[%run_scoped3A, %dma_start3A_111, %dma_start3A_112] : memref<3x128x128xf32, #tpu.memory_space<vmem>> -> memref<1x80x128xf32, #tpu.memory_space<vmem>>
        %dma_start3A_114 = tpu.memref_squeeze %dma_start3A_113 : memref<1x80x128xf32, #tpu.memory_space<vmem>> -> memref<80x128xf32, #tpu.memory_space<vmem>>
        %dma_start3A_115 = arith.constant 0 : i32
        %dma_start3A_116 = tpu.memref_slice %arg13[%mul3A_102, %dma_start3A_115] : memref<10000x128xf32, #tpu.memory_space<vmem_shared>> -> memref<80x128xf32, #tpu.memory_space<vmem_shared>>
        tpu.enqueue_dma source(%dma_start3A_116 : memref<80x128xf32, #tpu.memory_space<vmem_shared>>) target(%dma_start3A_114 : memref<80x128xf32, #tpu.memory_space<vmem>>) target_semaphore(%run_scoped3A_104 : memref<!tpu.dma_semaphore, #tpu.memory_space<semaphore_mem>>)
        %dma_wait3A_117 = arith.constant 0 : i32
        %dma_wait3A_118 = arith.constant 0 : i32
        %dma_wait3A_119 = tpu.memref_slice %arg12[%run_scoped3A, %dma_wait3A_117, %dma_wait3A_118] : memref<3x128x128xf32, #tpu.memory_space<vmem>> -> memref<1x80x128xf32, #tpu.memory_space<vmem>>
        %dma_wait3A_120 = tpu.memref_squeeze %dma_wait3A_119 : memref<1x80x128xf32, #tpu.memory_space<vmem>> -> memref<80x128xf32, #tpu.memory_space<vmem>>
        %dma_wait3A_121 = arith.constant 0 : i32
        %dma_wait3A_122 = tpu.memref_slice %arg13[%mul3A_102, %dma_wait3A_121] : memref<10000x128xf32, #tpu.memory_space<vmem_shared>> -> memref<80x128xf32, #tpu.memory_space<vmem_shared>>
        %dma_wait3A_123 = arith.constant 0 : i32
        %dma_wait3A_124 = arith.constant 0 : i32
        %dma_wait3A_125 = tpu.memref_slice %arg12[%run_scoped3A, %dma_wait3A_123, %dma_wait3A_124] : memref<3x128x128xf32, #tpu.memory_space<vmem>> -> memref<1x80x128xf32, #tpu.memory_space<vmem>>
        %dma_wait3A_126 = tpu.memref_squeeze %dma_wait3A_125 : memref<1x80x128xf32, #tpu.memory_space<vmem>> -> memref<80x128xf32, #tpu.memory_space<vmem>>
        %dma_wait3A_127 = arith.constant 0 : i32
        %dma_wait3A_128 = tpu.memref_slice %arg13[%mul3A_102, %dma_wait3A_127] : memref<10000x128xf32, #tpu.memory_space<vmem_shared>> -> memref<80x128xf32, #tpu.memory_space<vmem_shared>>
        tpu.wait_dma2 semaphore(%run_scoped3A_104 : memref<!tpu.dma_semaphore, #tpu.memory_space<semaphore_mem>>) src(%dma_wait3A_128 : memref<80x128xf32, #tpu.memory_space<vmem_shared>>) dst(%dma_wait3A_126 : memref<80x128xf32, #tpu.memory_space<vmem>>)
        tpu.yield
      }) : () -> ()
      %run_scoped3A_103 = arith.constant 0 : i32
      "tpu.region"() ({
        %run_scoped3A_104 = tpu.sem_alloc : memref<!tpu.dma_semaphore, #tpu.memory_space<semaphore_mem>>
        %dma_start3A_105 = arith.constant 0 : i32
        %dma_start3A_106 = arith.constant 0 : i32
        %dma_start3A_107 = tpu.memref_slice %arg12[%run_scoped3A_103, %dma_start3A_105, %dma_start3A_106] : memref<3x128x128xf32, #tpu.memory_space<vmem>> -> memref<1x80x128xf32, #tpu.memory_space<vmem>>
        %dma_start3A_108 = tpu.memref_squeeze %dma_start3A_107 : memref<1x80x128xf32, #tpu.memory_space<vmem>> -> memref<80x128xf32, #tpu.memory_space<vmem>>
        %dma_start3A_109 = arith.constant 0 : i32
        %dma_start3A_110 = tpu.memref_slice %arg5[%arg0, %mul3A_102, %dma_start3A_109] : memref<2x10000x128xf32, #tpu.memory_space<hbm>> -> memref<1x80x128xf32, #tpu.memory_space<hbm>>
        %dma_start3A_111 = tpu.memref_squeeze %dma_start3A_110 : memref<1x80x128xf32, #tpu.memory_space<hbm>> -> memref<80x128xf32, #tpu.memory_space<hbm>>
        %dma_start3A_112 = arith.constant 0 : i32
        %dma_start3A_113 = tpu.memref_slice %arg5[%arg0, %mul3A_102, %dma_start3A_112] : memref<2x10000x128xf32, #tpu.memory_space<hbm>> -> memref<1x80x128xf32, #tpu.memory_space<hbm>>
        %dma_start3A_114 = tpu.memref_squeeze %dma_start3A_113 : memref<1x80x128xf32, #tpu.memory_space<hbm>> -> memref<80x128xf32, #tpu.memory_space<hbm>>
        %dma_start3A_115 = arith.constant 0 : i32
        %dma_start3A_116 = arith.constant 0 : i32
        %dma_start3A_117 = tpu.memref_slice %arg12[%run_scoped3A_103, %dma_start3A_115, %dma_start3A_116] : memref<3x128x128xf32, #tpu.memory_space<vmem>> -> memref<1x80x128xf32, #tpu.memory_space<vmem>>
        %dma_start3A_118 = tpu.memref_squeeze %dma_start3A_117 : memref<1x80x128xf32, #tpu.memory_space<vmem>> -> memref<80x128xf32, #tpu.memory_space<vmem>>
        tpu.enqueue_dma source(%dma_start3A_118 : memref<80x128xf32, #tpu.memory_space<vmem>>) target(%dma_start3A_114 : memref<80x128xf32, #tpu.memory_space<hbm>>) target_semaphore(%run_scoped3A_104 : memref<!tpu.dma_semaphore, #tpu.memory_space<semaphore_mem>>)
        %dma_wait3A_119 = arith.constant 0 : i32
        %dma_wait3A_120 = arith.constant 0 : i32
        %dma_wait3A_121 = tpu.memref_slice %arg12[%run_scoped3A_103, %dma_wait3A_119, %dma_wait3A_120] : memref<3x128x128xf32, #tpu.memory_space<vmem>> -> memref<1x80x128xf32, #tpu.memory_space<vmem>>
        %dma_wait3A_122 = tpu.memref_squeeze %dma_wait3A_121 : memref<1x80x128xf32, #tpu.memory_space<vmem>> -> memref<80x128xf32, #tpu.memory_space<vmem>>
        %dma_wait3A_123 = arith.constant 0 : i32
        %dma_wait3A_124 = tpu.memref_slice %arg5[%arg0, %mul3A_102, %dma_wait3A_123] : memref<2x10000x128xf32, #tpu.memory_space<hbm>> -> memref<1x80x128xf32, #tpu.memory_space<hbm>>
        %dma_wait3A_125 = tpu.memref_squeeze %dma_wait3A_124 : memref<1x80x128xf32, #tpu.memory_space<hbm>> -> memref<80x128xf32, #tpu.memory_space<hbm>>
        %dma_wait3A_126 = arith.constant 0 : i32
        %dma_wait3A_127 = tpu.memref_slice %arg5[%arg0, %mul3A_102, %dma_wait3A_126] : memref<2x10000x128xf32, #tpu.memory_space<hbm>> -> memref<1x80x128xf32, #tpu.memory_space<hbm>>
        %dma_wait3A_128 = tpu.memref_squeeze %dma_wait3A_127 : memref<1x80x128xf32, #tpu.memory_space<hbm>> -> memref<80x128xf32, #tpu.memory_space<hbm>>
        %dma_wait3A_129 = arith.constant 0 : i32
        %dma_wait3A_130 = arith.constant 0 : i32
        %dma_wait3A_131 = tpu.memref_slice %arg12[%run_scoped3A_103, %dma_wait3A_129, %dma_wait3A_130] : memref<3x128x128xf32, #tpu.memory_space<vmem>> -> memref<1x80x128xf32, #tpu.memory_space<vmem>>
        %dma_wait3A_132 = tpu.memref_squeeze %dma_wait3A_131 : memref<1x80x128xf32, #tpu.memory_space<vmem>> -> memref<80x128xf32, #tpu.memory_space<vmem>>
        tpu.wait_dma2 semaphore(%run_scoped3A_104 : memref<!tpu.dma_semaphore, #tpu.memory_space<semaphore_mem>>) src(%dma_wait3A_132 : memref<80x128xf32, #tpu.memory_space<vmem>>) dst(%dma_wait3A_128 : memref<80x128xf32, #tpu.memory_space<hbm>>)
        tpu.yield
      }) : () -> ()
    }
    return
  }
}

module attributes {stable_mosaic.version = 14 : i64} {
  func.func @_conv_post_body(%arg0: i32, %arg1: memref<2x400x128xf32, #tpu.memory_space<vmem>>, %arg2: memref<400x128xf32, #tpu.memory_space<vmem>>, %arg3: memref<128x128xf32, #tpu.memory_space<vmem>>, %arg4: memref<128x128xf32, #tpu.memory_space<vmem>>, %arg5: memref<1x128xf32, #tpu.memory_space<vmem>>, %arg6: memref<400x128xf32, #tpu.memory_space<vmem>>) attributes {dimension_semantics = [#tpu.dimension_semantics<arbitrary>], iteration_bounds = array<i64: 25>, scalar_prefetch = 0 : i64, scratch_operands = 0 : i64, tpu.core_type = #tpu.core_type<tc>, window_params = [{transform_indices = @transform_0, window_bounds = array<i64: 2, 400, 128>}, {transform_indices = @transform_1, window_bounds = array<i64: 400, 128>}, {pipeline_mode = #tpu.pipeline_mode<synchronous>, transform_indices = @transform_2, window_bounds = array<i64: 128, 128>}, {pipeline_mode = #tpu.pipeline_mode<synchronous>, transform_indices = @transform_3, window_bounds = array<i64: 128, 128>}, {pipeline_mode = #tpu.pipeline_mode<synchronous>, transform_indices = @transform_4, window_bounds = array<i64: 1, 128>}, {transform_indices = @transform_5, window_bounds = array<i64: 400, 128>}]} {
    %get3A = arith.constant 0 : index
    %get3A_0 = arith.constant 0 : index
    %get3A_1 = arith.constant 0 : index
    %get3A_2 = vector.load %arg1[%get3A, %get3A_0, %get3A_1] : memref<2x400x128xf32, #tpu.memory_space<vmem>>, vector<1x400x128xf32>
    %get3A_3 = vector.shape_cast %get3A_2 : vector<1x400x128xf32> to vector<400x128xf32>
    %get3A_4 = arith.constant 1 : index
    %get3A_5 = arith.constant 0 : index
    %get3A_6 = arith.constant 0 : index
    %get3A_7 = vector.load %arg1[%get3A_4, %get3A_5, %get3A_6] : memref<2x400x128xf32, #tpu.memory_space<vmem>>, vector<1x400x128xf32>
    %get3A_8 = vector.shape_cast %get3A_7 : vector<1x400x128xf32> to vector<400x128xf32>
    %add3A = arith.addf %get3A_3, %get3A_8 : vector<400x128xf32>
    %get3A_9 = arith.constant 0 : index
    %get3A_10 = arith.constant 0 : index
    %get3A_11 = vector.load %arg3[%get3A_9, %get3A_10] : memref<128x128xf32, #tpu.memory_space<vmem>>, vector<128x128xf32>
    %dot_general3A = arith.constant dense<0.000000e+00> : vector<400x128xf32>
    %dot_general3A_12 = tpu.matmul %add3A, %get3A_11, %dot_general3A {dimension_numbers = #tpu.dot_dimension_numbers<[1], [0], [0], [1], [0, 0, 1, 1], [], []>, transpose_lhs_hint = false} : vector<400x128xf32>, vector<128x128xf32>, vector<400x128xf32> -> vector<400x128xf32>
    %get3A_13 = arith.constant 0 : index
    %get3A_14 = arith.constant 0 : index
    %get3A_15 = vector.load %arg2[%get3A_13, %get3A_14] : memref<400x128xf32, #tpu.memory_space<vmem>>, vector<400x128xf32>
    %get3A_16 = arith.constant 0 : index
    %get3A_17 = arith.constant 0 : index
    %get3A_18 = vector.load %arg4[%get3A_16, %get3A_17] : memref<128x128xf32, #tpu.memory_space<vmem>>, vector<128x128xf32>
    %dot_general3A_19 = arith.constant dense<0.000000e+00> : vector<400x128xf32>
    %dot_general3A_20 = tpu.matmul %get3A_15, %get3A_18, %dot_general3A_19 {dimension_numbers = #tpu.dot_dimension_numbers<[1], [0], [0], [1], [0, 0, 1, 1], [], []>, transpose_lhs_hint = false} : vector<400x128xf32>, vector<128x128xf32>, vector<400x128xf32> -> vector<400x128xf32>
    %add3A_21 = arith.addf %dot_general3A_12, %dot_general3A_20 : vector<400x128xf32>
    %get3A_22 = arith.constant 0 : index
    %get3A_23 = arith.constant 0 : index
    %get3A_24 = vector.load %arg5[%get3A_22, %get3A_23] : memref<1x128xf32, #tpu.memory_space<vmem>>, vector<1x128xf32>
    %add3A_25 = vector.broadcast %get3A_24 : vector<1x128xf32> to vector<400x128xf32>
    %add3A_26 = arith.addf %add3A_21, %add3A_25 : vector<400x128xf32>
    %max3A = arith.constant 0.000000e+00 : f32
    %max3A_27 = vector.broadcast %max3A : f32 to vector<400x128xf32>
    %max3A_28 = arith.maximumf %add3A_26, %max3A_27 : vector<400x128xf32>
    %swap3A = arith.constant 0 : index
    %swap3A_29 = arith.constant 0 : index
    %swap3A_30 = vector.load %arg6[%swap3A, %swap3A_29] : memref<400x128xf32, #tpu.memory_space<vmem>>, vector<400x128xf32>
    tpu.vector_store %arg6[%swap3A, %swap3A_29], %max3A_28 {strides = array<i32>} : memref<400x128xf32, #tpu.memory_space<vmem>>, vector<400x128xf32>,
    return
  }
  func.func @transform_0(%arg0: i32) -> (i32, i32, i32) {
    %c0_i32 = arith.constant 0 : i32
    %c0_i32_0 = arith.constant 0 : i32
    %c0_i32_1 = arith.constant 0 : i32
    return %c0_i32, %arg0, %c0_i32_0 : i32, i32, i32
  }
  func.func @transform_1(%arg0: i32) -> (i32, i32) {
    %c0_i32 = arith.constant 0 : i32
    %c0_i32_0 = arith.constant 0 : i32
    return %arg0, %c0_i32 : i32, i32
  }
  func.func @transform_2(%arg0: i32) -> (i32, i32) {
    %c0_i32 = arith.constant 0 : i32
    %c0_i32_0 = arith.constant 0 : i32
    %c0_i32_1 = arith.constant 0 : i32
    return %c0_i32, %c0_i32_0 : i32, i32
  }
  func.func @transform_3(%arg0: i32) -> (i32, i32) {
    %c0_i32 = arith.constant 0 : i32
    %c0_i32_0 = arith.constant 0 : i32
    %c0_i32_1 = arith.constant 0 : i32
    return %c0_i32, %c0_i32_0 : i32, i32
  }
  func.func @transform_4(%arg0: i32) -> (i32, i32) {
    %c0_i32 = arith.constant 0 : i32
    %c0_i32_0 = arith.constant 0 : i32
    %c0_i32_1 = arith.constant 0 : i32
    return %c0_i32, %c0_i32_0 : i32, i32
  }
  func.func @transform_5(%arg0: i32) -> (i32, i32) {
    %c0_i32 = arith.constant 0 : i32
    %c0_i32_0 = arith.constant 0 : i32
    return %arg0, %c0_i32 : i32, i32
  }
}

module attributes {stable_mosaic.version = 14 : i64} {
  func.func @_tail_body(%arg0: memref<10000x128xf32, #tpu.memory_space<vmem>>, %arg1: memref<5x2000xi32, #tpu.memory_space<vmem>>, %arg2: memref<128x128xf32, #tpu.memory_space<vmem>>, %arg3: memref<1x128xf32, #tpu.memory_space<vmem>>, %arg4: memref<128x64xf32, #tpu.memory_space<vmem>>, %arg5: memref<1x64xf32, #tpu.memory_space<vmem>>, %arg6: memref<1x1xf32, #tpu.memory_space<vmem>>, %arg7: memref<1x1xf32, #tpu.memory_space<vmem>>, %arg8: memref<128x128xf32, #tpu.memory_space<vmem>>, %arg9: memref<1x128xf32, #tpu.memory_space<vmem>>, %arg10: memref<128x128xf32, #tpu.memory_space<vmem>>, %arg11: memref<128x128xf32, #tpu.memory_space<vmem>>, %arg12: memref<1x128xf32, #tpu.memory_space<vmem>>, %arg13: memref<128x128xf32, #tpu.memory_space<vmem>>, %arg14: memref<128x64xf32, #tpu.memory_space<vmem>>, %arg15: memref<1x64xf32, #tpu.memory_space<vmem>>, %arg16: memref<64x128xf32, #tpu.memory_space<vmem>>, %arg17: memref<1x1xf32, #tpu.memory_space<vmem>>, %arg18: memref<512x128xf32, #tpu.memory_space<vmem>>) attributes {dimension_semantics = [], scalar_prefetch = 0 : i64, scratch_operands = 0 : i64, tpu.core_type = #tpu.core_type<tc>} {
    %iota3A = tpu.iota {dimensions = array<i32: 0>} : vector<512x1xi32>
    %broadcast_in_dim3A = arith.constant 0.000000e+00 : f32
    %broadcast_in_dim3A_0 = vector.broadcast %broadcast_in_dim3A : f32 to vector<512x128xf32>
    %broadcast_in_dim3A_1 = arith.constant 0.000000e+00 : f32
    %broadcast_in_dim3A_2 = vector.broadcast %broadcast_in_dim3A_1 : f32 to vector<512x1xf32>
    %get3A = arith.constant 0 : index
    %get3A_3 = arith.constant 0 : index
    %get3A_4 = vector.load %arg1[%get3A, %get3A_3] : memref<5x2000xi32, #tpu.memory_space<vmem>>, vector<1x2000xi32>
    %get3A_5 = vector.shape_cast %get3A_4 : vector<1x2000xi32> to vector<2000xi32>
    %broadcast_in_dim3A_6 = vector.shape_cast %get3A_5 : vector<2000xi32> to vector<1x2000xi32>
    %eq3A = vector.broadcast %broadcast_in_dim3A_6 : vector<1x2000xi32> to vector<512x2000xi32>
    %eq3A_7 = vector.broadcast %iota3A : vector<512x1xi32> to vector<512x2000xi32>
    %eq3A_8 = arith.cmpi eq, %eq3A, %eq3A_7 : vector<512x2000xi32>
    %convert_element_type3A = arith.extui %eq3A_8 : vector<512x2000xi1> to vector<512x2000xi32>
    %convert_element_type3A_9 = arith.sitofp %convert_element_type3A : vector<512x2000xi32> to vector<512x2000xf32>
    %get3A_10 = arith.constant 0 : index
    %get3A_11 = arith.constant 0 : index
    %get3A_12 = vector.load %arg0[%get3A_10, %get3A_11] : memref<10000x128xf32, #tpu.memory_space<vmem>>, vector<2000x128xf32>
    %dot_general3A = arith.constant dense<0.000000e+00> : vector<512x128xf32>
    %dot_general3A_13 = tpu.matmul %convert_element_type3A_9, %get3A_12, %dot_general3A {dimension_numbers = #tpu.dot_dimension_numbers<[1], [0], [0], [1], [0, 0, 1, 1], [], []>, precision = #tpu.contract_precision<fp32>, transpose_lhs_hint = false} : vector<512x2000xf32>, vector<2000x128xf32>, vector<512x128xf32> -> vector<512x128xf32>
    %add3A = arith.addf %broadcast_in_dim3A_0, %dot_general3A_13 : vector<512x128xf32>
    %reduce_sum3A = arith.constant dense<0.000000e+00> : vector<512xf32>
    %reduce_sum3A_14 = vector.multi_reduction <add>, %convert_element_type3A_9, %reduce_sum3A [1] : vector<512x2000xf32> to vector<512xf32>
    %broadcast_in_dim3A_15 = vector.shape_cast %reduce_sum3A_14 : vector<512xf32> to vector<512x1xf32>
    %add3A_16 = arith.addf %broadcast_in_dim3A_2, %broadcast_in_dim3A_15 : vector<512x1xf32>
    %get3A_17 = arith.constant 1 : index
    %get3A_18 = arith.constant 0 : index
    %get3A_19 = vector.load %arg1[%get3A_17, %get3A_18] : memref<5x2000xi32, #tpu.memory_space<vmem>>, vector<1x2000xi32>
    %get3A_20 = vector.shape_cast %get3A_19 : vector<1x2000xi32> to vector<2000xi32>
    %broadcast_in_dim3A_21 = vector.shape_cast %get3A_20 : vector<2000xi32> to vector<1x2000xi32>
    %eq3A_22 = vector.broadcast %broadcast_in_dim3A_21 : vector<1x2000xi32> to vector<512x2000xi32>
    %eq3A_23 = vector.broadcast %iota3A : vector<512x1xi32> to vector<512x2000xi32>
    %eq3A_24 = arith.cmpi eq, %eq3A_22, %eq3A_23 : vector<512x2000xi32>
    %convert_element_type3A_25 = arith.extui %eq3A_24 : vector<512x2000xi1> to vector<512x2000xi32>
    %convert_element_type3A_26 = arith.sitofp %convert_element_type3A_25 : vector<512x2000xi32> to vector<512x2000xf32>
    %get3A_27 = arith.constant 2000 : index
    %get3A_28 = arith.constant 0 : index
    %get3A_29 = vector.load %arg0[%get3A_27, %get3A_28] : memref<10000x128xf32, #tpu.memory_space<vmem>>, vector<2000x128xf32>
    %dot_general3A_30 = arith.constant dense<0.000000e+00> : vector<512x128xf32>
    %dot_general3A_31 = tpu.matmul %convert_element_type3A_26, %get3A_29, %dot_general3A_30 {dimension_numbers = #tpu.dot_dimension_numbers<[1], [0], [0], [1], [0, 0, 1, 1], [], []>, precision = #tpu.contract_precision<fp32>, transpose_lhs_hint = false} : vector<512x2000xf32>, vector<2000x128xf32>, vector<512x128xf32> -> vector<512x128xf32>
    %add3A_32 = arith.addf %add3A, %dot_general3A_31 : vector<512x128xf32>
    %reduce_sum3A_33 = arith.constant dense<0.000000e+00> : vector<512xf32>
    %reduce_sum3A_34 = vector.multi_reduction <add>, %convert_element_type3A_26, %reduce_sum3A_33 [1] : vector<512x2000xf32> to vector<512xf32>
    %broadcast_in_dim3A_35 = vector.shape_cast %reduce_sum3A_34 : vector<512xf32> to vector<512x1xf32>
    %add3A_36 = arith.addf %add3A_16, %broadcast_in_dim3A_35 : vector<512x1xf32>
    %get3A_37 = arith.constant 2 : index
    %get3A_38 = arith.constant 0 : index
    %get3A_39 = vector.load %arg1[%get3A_37, %get3A_38] : memref<5x2000xi32, #tpu.memory_space<vmem>>, vector<1x2000xi32>
    %get3A_40 = vector.shape_cast %get3A_39 : vector<1x2000xi32> to vector<2000xi32>
    %broadcast_in_dim3A_41 = vector.shape_cast %get3A_40 : vector<2000xi32> to vector<1x2000xi32>
    %eq3A_42 = vector.broadcast %broadcast_in_dim3A_41 : vector<1x2000xi32> to vector<512x2000xi32>
    %eq3A_43 = vector.broadcast %iota3A : vector<512x1xi32> to vector<512x2000xi32>
    %eq3A_44 = arith.cmpi eq, %eq3A_42, %eq3A_43 : vector<512x2000xi32>
    %convert_element_type3A_45 = arith.extui %eq3A_44 : vector<512x2000xi1> to vector<512x2000xi32>
    %convert_element_type3A_46 = arith.sitofp %convert_element_type3A_45 : vector<512x2000xi32> to vector<512x2000xf32>
    %get3A_47 = arith.constant 4000 : index
    %get3A_48 = arith.constant 0 : index
    %get3A_49 = vector.load %arg0[%get3A_47, %get3A_48] : memref<10000x128xf32, #tpu.memory_space<vmem>>, vector<2000x128xf32>
    %dot_general3A_50 = arith.constant dense<0.000000e+00> : vector<512x128xf32>
    %dot_general3A_51 = tpu.matmul %convert_element_type3A_46, %get3A_49, %dot_general3A_50 {dimension_numbers = #tpu.dot_dimension_numbers<[1], [0], [0], [1], [0, 0, 1, 1], [], []>, precision = #tpu.contract_precision<fp32>, transpose_lhs_hint = false} : vector<512x2000xf32>, vector<2000x128xf32>, vector<512x128xf32> -> vector<512x128xf32>
    %add3A_52 = arith.addf %add3A_32, %dot_general3A_51 : vector<512x128xf32>
    %reduce_sum3A_53 = arith.constant dense<0.000000e+00> : vector<512xf32>
    %reduce_sum3A_54 = vector.multi_reduction <add>, %convert_element_type3A_46, %reduce_sum3A_53 [1] : vector<512x2000xf32> to vector<512xf32>
    %broadcast_in_dim3A_55 = vector.shape_cast %reduce_sum3A_54 : vector<512xf32> to vector<512x1xf32>
    %add3A_56 = arith.addf %add3A_36, %broadcast_in_dim3A_55 : vector<512x1xf32>
    %get3A_57 = arith.constant 3 : index
    %get3A_58 = arith.constant 0 : index
    %get3A_59 = vector.load %arg1[%get3A_57, %get3A_58] : memref<5x2000xi32, #tpu.memory_space<vmem>>, vector<1x2000xi32>
    %get3A_60 = vector.shape_cast %get3A_59 : vector<1x2000xi32> to vector<2000xi32>
    %broadcast_in_dim3A_61 = vector.shape_cast %get3A_60 : vector<2000xi32> to vector<1x2000xi32>
    %eq3A_62 = vector.broadcast %broadcast_in_dim3A_61 : vector<1x2000xi32> to vector<512x2000xi32>
    %eq3A_63 = vector.broadcast %iota3A : vector<512x1xi32> to vector<512x2000xi32>
    %eq3A_64 = arith.cmpi eq, %eq3A_62, %eq3A_63 : vector<512x2000xi32>
    %convert_element_type3A_65 = arith.extui %eq3A_64 : vector<512x2000xi1> to vector<512x2000xi32>
    %convert_element_type3A_66 = arith.sitofp %convert_element_type3A_65 : vector<512x2000xi32> to vector<512x2000xf32>
    %get3A_67 = arith.constant 6000 : index
    %get3A_68 = arith.constant 0 : index
    %get3A_69 = vector.load %arg0[%get3A_67, %get3A_68] : memref<10000x128xf32, #tpu.memory_space<vmem>>, vector<2000x128xf32>
    %dot_general3A_70 = arith.constant dense<0.000000e+00> : vector<512x128xf32>
    %dot_general3A_71 = tpu.matmul %convert_element_type3A_66, %get3A_69, %dot_general3A_70 {dimension_numbers = #tpu.dot_dimension_numbers<[1], [0], [0], [1], [0, 0, 1, 1], [], []>, precision = #tpu.contract_precision<fp32>, transpose_lhs_hint = false} : vector<512x2000xf32>, vector<2000x128xf32>, vector<512x128xf32> -> vector<512x128xf32>
    %add3A_72 = arith.addf %add3A_52, %dot_general3A_71 : vector<512x128xf32>
    %reduce_sum3A_73 = arith.constant dense<0.000000e+00> : vector<512xf32>
    %reduce_sum3A_74 = vector.multi_reduction <add>, %convert_element_type3A_66, %reduce_sum3A_73 [1] : vector<512x2000xf32> to vector<512xf32>
    %broadcast_in_dim3A_75 = vector.shape_cast %reduce_sum3A_74 : vector<512xf32> to vector<512x1xf32>
    %add3A_76 = arith.addf %add3A_56, %broadcast_in_dim3A_75 : vector<512x1xf32>
    %get3A_77 = arith.constant 4 : index
    %get3A_78 = arith.constant 0 : index
    %get3A_79 = vector.load %arg1[%get3A_77, %get3A_78] : memref<5x2000xi32, #tpu.memory_space<vmem>>, vector<1x2000xi32>
    %get3A_80 = vector.shape_cast %get3A_79 : vector<1x2000xi32> to vector<2000xi32>
    %broadcast_in_dim3A_81 = vector.shape_cast %get3A_80 : vector<2000xi32> to vector<1x2000xi32>
    %eq3A_82 = vector.broadcast %broadcast_in_dim3A_81 : vector<1x2000xi32> to vector<512x2000xi32>
    %eq3A_83 = vector.broadcast %iota3A : vector<512x1xi32> to vector<512x2000xi32>
    %eq3A_84 = arith.cmpi eq, %eq3A_82, %eq3A_83 : vector<512x2000xi32>
    %convert_element_type3A_85 = arith.extui %eq3A_84 : vector<512x2000xi1> to vector<512x2000xi32>
    %convert_element_type3A_86 = arith.sitofp %convert_element_type3A_85 : vector<512x2000xi32> to vector<512x2000xf32>
    %get3A_87 = arith.constant 8000 : index
    %get3A_88 = arith.constant 0 : index
    %get3A_89 = vector.load %arg0[%get3A_87, %get3A_88] : memref<10000x128xf32, #tpu.memory_space<vmem>>, vector<2000x128xf32>
    %dot_general3A_90 = arith.constant dense<0.000000e+00> : vector<512x128xf32>
    %dot_general3A_91 = tpu.matmul %convert_element_type3A_86, %get3A_89, %dot_general3A_90 {dimension_numbers = #tpu.dot_dimension_numbers<[1], [0], [0], [1], [0, 0, 1, 1], [], []>, precision = #tpu.contract_precision<fp32>, transpose_lhs_hint = false} : vector<512x2000xf32>, vector<2000x128xf32>, vector<512x128xf32> -> vector<512x128xf32>
    %add3A_92 = arith.addf %add3A_72, %dot_general3A_91 : vector<512x128xf32>
    %reduce_sum3A_93 = arith.constant dense<0.000000e+00> : vector<512xf32>
    %reduce_sum3A_94 = vector.multi_reduction <add>, %convert_element_type3A_86, %reduce_sum3A_93 [1] : vector<512x2000xf32> to vector<512xf32>
    %broadcast_in_dim3A_95 = vector.shape_cast %reduce_sum3A_94 : vector<512xf32> to vector<512x1xf32>
    %add3A_96 = arith.addf %add3A_76, %broadcast_in_dim3A_95 : vector<512x1xf32>
    %max3A = arith.constant 1.000000e+00 : f32
    %max3A_97 = vector.broadcast %max3A : f32 to vector<512x1xf32>
    %max3A_98 = arith.maximumf %add3A_96, %max3A_97 : vector<512x1xf32>
    %div3A = vector.broadcast %max3A_98 : vector<512x1xf32> to vector<512x128xf32>
    %div3A_99 = arith.divf %add3A_92, %div3A : vector<512x128xf32>
    %get3A_100 = arith.constant 0 : index
    %get3A_101 = arith.constant 0 : index
    %get3A_102 = vector.load %arg2[%get3A_100, %get3A_101] : memref<128x128xf32, #tpu.memory_space<vmem>>, vector<128x128xf32>
    %dot_general3A_103 = arith.constant dense<0.000000e+00> : vector<512x128xf32>
    %dot_general3A_104 = tpu.matmul %div3A_99, %get3A_102, %dot_general3A_103 {dimension_numbers = #tpu.dot_dimension_numbers<[1], [0], [0], [1], [0, 0, 1, 1], [], []>, transpose_lhs_hint = false} : vector<512x128xf32>, vector<128x128xf32>, vector<512x128xf32> -> vector<512x128xf32>
    %get3A_105 = arith.constant 0 : index
    %get3A_106 = arith.constant 0 : index
    %get3A_107 = vector.load %arg3[%get3A_105, %get3A_106] : memref<1x128xf32, #tpu.memory_space<vmem>>, vector<1x128xf32>
    %add3A_108 = vector.broadcast %get3A_107 : vector<1x128xf32> to vector<512x128xf32>
    %add3A_109 = arith.addf %dot_general3A_104, %add3A_108 : vector<512x128xf32>
    %max3A_110 = arith.constant 0.000000e+00 : f32
    %max3A_111 = vector.broadcast %max3A_110 : f32 to vector<512x128xf32>
    %max3A_112 = arith.maximumf %add3A_109, %max3A_111 : vector<512x128xf32>
    %get3A_113 = arith.constant 0 : index
    %get3A_114 = arith.constant 0 : index
    %get3A_115 = vector.load %arg4[%get3A_113, %get3A_114] : memref<128x64xf32, #tpu.memory_space<vmem>>, vector<128x64xf32>
    %dot_general3A_116 = arith.constant dense<0.000000e+00> : vector<512x64xf32>
    %dot_general3A_117 = tpu.matmul %max3A_112, %get3A_115, %dot_general3A_116 {dimension_numbers = #tpu.dot_dimension_numbers<[1], [0], [0], [1], [0, 0, 1, 1], [], []>, transpose_lhs_hint = false} : vector<512x128xf32>, vector<128x64xf32>, vector<512x64xf32> -> vector<512x64xf32>
    %get3A_118 = arith.constant 0 : index
    %get3A_119 = arith.constant 0 : index
    %get3A_120 = vector.load %arg5[%get3A_118, %get3A_119] : memref<1x64xf32, #tpu.memory_space<vmem>>, vector<1x64xf32>
    %add3A_121 = vector.broadcast %get3A_120 : vector<1x64xf32> to vector<512x64xf32>
    %add3A_122 = arith.addf %dot_general3A_117, %add3A_121 : vector<512x64xf32>
    %max3A_123 = arith.constant 0.000000e+00 : f32
    %max3A_124 = vector.broadcast %max3A_123 : f32 to vector<512x64xf32>
    %max3A_125 = arith.maximumf %add3A_122, %max3A_124 : vector<512x64xf32>
    %dot_general3A_126 = arith.constant dense<0.000000e+00> : vector<512x512xf32>
    %dot_general3A_127 = tpu.matmul %max3A_125, %max3A_125, %dot_general3A_126 {dimension_numbers = #tpu.dot_dimension_numbers<[1], [1], [0], [0], [0, 0, 1, 0], [], []>, precision = #tpu.contract_precision<fp32>, transpose_lhs_hint = false} : vector<512x64xf32>, vector<512x64xf32>, vector<512x512xf32> -> vector<512x512xf32>
    %iota3A_128 = tpu.iota {dimensions = array<i32: 0>} : vector<512x512xi32>
    %iota3A_129 = tpu.iota {dimensions = array<i32: 1>} : vector<512x512xi32>
    %eq3A_130 = arith.cmpi eq, %iota3A_128, %iota3A_129 : vector<512x512xi32>
    %convert_element_type3A_131 = arith.extui %eq3A_130 : vector<512x512xi1> to vector<512x512xi32>
    %convert_element_type3A_132 = arith.sitofp %convert_element_type3A_131 : vector<512x512xi32> to vector<512x512xf32>
    %mul3A = arith.mulf %dot_general3A_127, %convert_element_type3A_132 : vector<512x512xf32>
    %reduce_sum3A_133 = arith.constant dense<0.000000e+00> : vector<512xf32>
    %reduce_sum3A_134 = vector.multi_reduction <add>, %mul3A, %reduce_sum3A_133 [1] : vector<512x512xf32> to vector<512xf32>
    %broadcast_in_dim3A_135 = vector.shape_cast %reduce_sum3A_134 : vector<512xf32> to vector<512x1xf32>
    %mul3A_136 = arith.mulf %dot_general3A_127, %convert_element_type3A_132 : vector<512x512xf32>
    %reduce_sum3A_137 = arith.constant dense<0.000000e+00> : vector<512xf32>
    %reduce_sum3A_138 = vector.multi_reduction <add>, %mul3A_136, %reduce_sum3A_137 [0] : vector<512x512xf32> to vector<512xf32>
    %broadcast_in_dim3A_139 = vector.shape_cast %reduce_sum3A_138 : vector<512xf32> to vector<1x512xf32>
    %add3A_140 = vector.broadcast %broadcast_in_dim3A_135 : vector<512x1xf32> to vector<512x512xf32>
    %add3A_141 = vector.broadcast %broadcast_in_dim3A_139 : vector<1x512xf32> to vector<512x512xf32>
    %add3A_142 = arith.addf %add3A_140, %add3A_141 : vector<512x512xf32>
    %mul3A_143 = arith.constant 2.000000e+00 : f32
    %mul3A_144 = vector.broadcast %mul3A_143 : f32 to vector<512x512xf32>
    %mul3A_145 = arith.mulf %mul3A_144, %dot_general3A_127 : vector<512x512xf32>
    %sub3A = arith.subf %add3A_142, %mul3A_145 : vector<512x512xf32>
    %max3A_146 = arith.constant 0.000000e+00 : f32
    %max3A_147 = vector.broadcast %max3A_146 : f32 to vector<512x512xf32>
    %max3A_148 = arith.maximumf %sub3A, %max3A_147 : vector<512x512xf32>
    %ne3A = arith.constant 0.000000e+00 : f32
    %ne3A_149 = vector.broadcast %ne3A : f32 to vector<512x512xf32>
    %ne3A_150 = arith.cmpf one, %max3A_148, %ne3A_149 : vector<512x512xf32>
    %convert_element_type3A_151 = arith.extui %ne3A_150 : vector<512x512xi1> to vector<512x512xi32>
    %convert_element_type3A_152 = arith.sitofp %convert_element_type3A_151 : vector<512x512xi32> to vector<512x512xf32>
    %add3A_153 = arith.constant 1.1920929E-7 : f32
    %add3A_154 = vector.broadcast %add3A_153 : f32 to vector<512x512xf32>
    %add3A_155 = arith.addf %max3A_148, %add3A_154 : vector<512x512xf32>
    %sqrt3A = math.sqrt %add3A_155 : vector<512x512xf32>
    %neg3A = arith.constant 0.000000e+00 : f32
    %neg3A_156 = vector.broadcast %neg3A : f32 to vector<512x512xf32>
    %neg3A_157 = arith.subf %neg3A_156, %sqrt3A : vector<512x512xf32>
    %mul3A_158 = arith.mulf %neg3A_157, %convert_element_type3A_152 : vector<512x512xf32>
    %get3A_159 = arith.constant 0 : index
    %get3A_160 = arith.constant 0 : index
    %get3A_161 = vector.load %arg6[%get3A_159, %get3A_160] : memref<1x1xf32, #tpu.memory_space<vmem>>, vector<1x1xf32>
    %get3A_162 = vector.extract %get3A_161[0, 0] : f32 from vector<1x1xf32>
    %mul3A_163 = vector.broadcast %get3A_162 : f32 to vector<512x512xf32>
    %mul3A_164 = arith.mulf %mul3A_163, %mul3A_158 : vector<512x512xf32>
    %get3A_165 = arith.constant 0 : index
    %get3A_166 = arith.constant 0 : index
    %get3A_167 = vector.load %arg7[%get3A_165, %get3A_166] : memref<1x1xf32, #tpu.memory_space<vmem>>, vector<1x1xf32>
    %get3A_168 = vector.extract %get3A_167[0, 0] : f32 from vector<1x1xf32>
    %add3A_169 = vector.broadcast %get3A_168 : f32 to vector<512x512xf32>
    %add3A_170 = arith.addf %mul3A_164, %add3A_169 : vector<512x512xf32>
    %add3A_171 = arith.addf %add3A_170, %convert_element_type3A_132 : vector<512x512xf32>
    %logistic3A = arith.negf %add3A_171 : vector<512x512xf32>
    %logistic3A_172 = math.exp %logistic3A : vector<512x512xf32>
    %logistic3A_173 = arith.constant 1.000000e+00 : f32
    %logistic3A_174 = vector.broadcast %logistic3A_173 : f32 to vector<512x512xf32>
    %logistic3A_175 = arith.addf %logistic3A_174, %logistic3A_172 : vector<512x512xf32>
    %logistic3A_176 = arith.divf %logistic3A_174, %logistic3A_175 : vector<512x512xf32>
    %dot_general3A_177 = arith.constant dense<0.000000e+00> : vector<512x128xf32>
    %dot_general3A_178 = tpu.matmul %logistic3A_176, %div3A_99, %dot_general3A_177 {dimension_numbers = #tpu.dot_dimension_numbers<[0], [0], [1], [1], [0, 1, 1, 1], [], []>, precision = #tpu.contract_precision<fp32>, transpose_lhs_hint = false} : vector<512x512xf32>, vector<512x128xf32>, vector<512x128xf32> -> vector<512x128xf32>
    %get3A_179 = arith.constant 0 : index
    %get3A_180 = arith.constant 0 : index
    %get3A_181 = vector.load %arg8[%get3A_179, %get3A_180] : memref<128x128xf32, #tpu.memory_space<vmem>>, vector<128x128xf32>
    %dot_general3A_182 = arith.constant dense<0.000000e+00> : vector<512x128xf32>
    %dot_general3A_183 = tpu.matmul %dot_general3A_178, %get3A_181, %dot_general3A_182 {dimension_numbers = #tpu.dot_dimension_numbers<[1], [0], [0], [1], [0, 0, 1, 1], [], []>, transpose_lhs_hint = false} : vector<512x128xf32>, vector<128x128xf32>, vector<512x128xf32> -> vector<512x128xf32>
    %get3A_184 = arith.constant 0 : index
    %get3A_185 = arith.constant 0 : index
    %get3A_186 = vector.load %arg9[%get3A_184, %get3A_185] : memref<1x128xf32, #tpu.memory_space<vmem>>, vector<1x128xf32>
    %add3A_187 = vector.broadcast %get3A_186 : vector<1x128xf32> to vector<512x128xf32>
    %add3A_188 = arith.addf %dot_general3A_183, %add3A_187 : vector<512x128xf32>
    %get3A_189 = arith.constant 0 : index
    %get3A_190 = arith.constant 0 : index
    %get3A_191 = vector.load %arg10[%get3A_189, %get3A_190] : memref<128x128xf32, #tpu.memory_space<vmem>>, vector<128x128xf32>
    %dot_general3A_192 = arith.constant dense<0.000000e+00> : vector<512x128xf32>
    %dot_general3A_193 = tpu.matmul %div3A_99, %get3A_191, %dot_general3A_192 {dimension_numbers = #tpu.dot_dimension_numbers<[1], [0], [0], [1], [0, 0, 1, 1], [], []>, transpose_lhs_hint = false} : vector<512x128xf32>, vector<128x128xf32>, vector<512x128xf32> -> vector<512x128xf32>
    %add3A_194 = arith.addf %add3A_188, %dot_general3A_193 : vector<512x128xf32>
    %max3A_195 = arith.constant 0.000000e+00 : f32
    %max3A_196 = vector.broadcast %max3A_195 : f32 to vector<512x128xf32>
    %max3A_197 = arith.maximumf %add3A_194, %max3A_196 : vector<512x128xf32>
    %reduce_sum3A_198 = arith.constant dense<0.000000e+00> : vector<128xf32>
    %reduce_sum3A_199 = vector.multi_reduction <add>, %max3A_197, %reduce_sum3A_198 [0] : vector<512x128xf32> to vector<128xf32>
    %broadcast_in_dim3A_200 = vector.shape_cast %reduce_sum3A_199 : vector<128xf32> to vector<1x128xf32>
    %get3A_201 = arith.constant 0 : index
    %get3A_202 = arith.constant 0 : index
    %get3A_203 = vector.load %arg11[%get3A_201, %get3A_202] : memref<128x128xf32, #tpu.memory_space<vmem>>, vector<128x128xf32>
    %dot_general3A_204 = arith.constant dense<0.000000e+00> : vector<1x128xf32>
    %dot_general3A_205 = tpu.matmul %broadcast_in_dim3A_200, %get3A_203, %dot_general3A_204 {dimension_numbers = #tpu.dot_dimension_numbers<[1], [0], [0], [1], [0, 0, 1, 1], [], []>, transpose_lhs_hint = false} : vector<1x128xf32>, vector<128x128xf32>, vector<1x128xf32> -> vector<1x128xf32>
    %get3A_206 = arith.constant 0 : index
    %get3A_207 = arith.constant 0 : index
    %get3A_208 = vector.load %arg12[%get3A_206, %get3A_207] : memref<1x128xf32, #tpu.memory_space<vmem>>, vector<1x128xf32>
    %add3A_209 = arith.addf %dot_general3A_205, %get3A_208 : vector<1x128xf32>
    %get3A_210 = arith.constant 0 : index
    %get3A_211 = arith.constant 0 : index
    %get3A_212 = vector.load %arg13[%get3A_210, %get3A_211] : memref<128x128xf32, #tpu.memory_space<vmem>>, vector<128x128xf32>
    %dot_general3A_213 = arith.constant dense<0.000000e+00> : vector<512x128xf32>
    %dot_general3A_214 = tpu.matmul %max3A_197, %get3A_212, %dot_general3A_213 {dimension_numbers = #tpu.dot_dimension_numbers<[1], [0], [0], [1], [0, 0, 1, 1], [], []>, transpose_lhs_hint = false} : vector<512x128xf32>, vector<128x128xf32>, vector<512x128xf32> -> vector<512x128xf32>
    %add3A_215 = vector.broadcast %add3A_209 : vector<1x128xf32> to vector<512x128xf32>
    %add3A_216 = arith.addf %dot_general3A_214, %add3A_215 : vector<512x128xf32>
    %max3A_217 = arith.constant 0.000000e+00 : f32
    %max3A_218 = vector.broadcast %max3A_217 : f32 to vector<512x128xf32>
    %max3A_219 = arith.maximumf %add3A_216, %max3A_218 : vector<512x128xf32>
    %get3A_220 = arith.constant 0 : index
    %get3A_221 = arith.constant 0 : index
    %get3A_222 = vector.load %arg14[%get3A_220, %get3A_221] : memref<128x64xf32, #tpu.memory_space<vmem>>, vector<128x64xf32>
    %dot_general3A_223 = arith.constant dense<0.000000e+00> : vector<512x64xf32>
    %dot_general3A_224 = tpu.matmul %max3A_219, %get3A_222, %dot_general3A_223 {dimension_numbers = #tpu.dot_dimension_numbers<[1], [0], [0], [1], [0, 0, 1, 1], [], []>, transpose_lhs_hint = false} : vector<512x128xf32>, vector<128x64xf32>, vector<512x64xf32> -> vector<512x64xf32>
    %get3A_225 = arith.constant 0 : index
    %get3A_226 = arith.constant 0 : index
    %get3A_227 = vector.load %arg15[%get3A_225, %get3A_226] : memref<1x64xf32, #tpu.memory_space<vmem>>, vector<1x64xf32>
    %add3A_228 = vector.broadcast %get3A_227 : vector<1x64xf32> to vector<512x64xf32>
    %add3A_229 = arith.addf %dot_general3A_224, %add3A_228 : vector<512x64xf32>
    %max3A_230 = arith.constant 0.000000e+00 : f32
    %max3A_231 = vector.broadcast %max3A_230 : f32 to vector<512x64xf32>
    %max3A_232 = arith.maximumf %add3A_229, %max3A_231 : vector<512x64xf32>
    %get3A_233 = arith.constant 0 : index
    %get3A_234 = arith.constant 0 : index
    %get3A_235 = vector.load %arg16[%get3A_233, %get3A_234] : memref<64x128xf32, #tpu.memory_space<vmem>>, vector<64x128xf32>
    %dot_general3A_236 = arith.constant dense<0.000000e+00> : vector<512x128xf32>
    %dot_general3A_237 = tpu.matmul %max3A_232, %get3A_235, %dot_general3A_236 {dimension_numbers = #tpu.dot_dimension_numbers<[1], [0], [0], [1], [0, 0, 1, 1], [], []>, transpose_lhs_hint = false} : vector<512x64xf32>, vector<64x128xf32>, vector<512x128xf32> -> vector<512x128xf32>
    %get3A_238 = arith.constant 0 : index
    %get3A_239 = arith.constant 0 : index
    %get3A_240 = vector.load %arg17[%get3A_238, %get3A_239] : memref<1x1xf32, #tpu.memory_space<vmem>>, vector<1x1xf32>
    %get3A_241 = vector.extract %get3A_240[0, 0] : f32 from vector<1x1xf32>
    %add3A_242 = vector.broadcast %get3A_241 : f32 to vector<512x128xf32>
    %add3A_243 = arith.addf %dot_general3A_237, %add3A_242 : vector<512x128xf32>
    %swap3A = arith.constant 0 : index
    %swap3A_244 = arith.constant 0 : index
    %swap3A_245 = vector.load %arg18[%swap3A, %swap3A_244] : memref<512x128xf32, #tpu.memory_space<vmem>>, vector<512x128xf32>
    tpu.vector_store %arg18[%swap3A, %swap3A_244], %add3A_243 {strides = array<i32>} : memref<512x128xf32, #tpu.memory_space<vmem>>, vector<512x128xf32>,
    return
  }
}

</mosaic_0001>

<sc_bundles>
// kernel: kernel.10.cloned.1.call-start
scs
__scs_entry_jumppad:
0x0: {  	(pc) =	sbr.rel $0x88, $3  }
0x1: {  	(tag) =	ssettag $0x0;
	lr =	simm.s32 $0x1  }
0x2: {  	[smem:$0x3F88] =	sst lr;
	_ =	strace $0xD0000000  }
0x3: {  	_ = 	snop  }
0x4: {  	_ = 	snop  }
0x5: {  	_ = 	snop  }
0x6: {  	_ = 	snop  }
0x7: {  	_ = 	snop  }
__scs_overlays_trampoline_lowered:
0x8: {  	[smem:$0x3F97] =	sst s0  }
0x9: {  	[smem:$0x3F98] =	sst s1  }
0xa: {  	[smem:$0x3F99] =	sst s2  }
0xb: {  	[smem:$0x3F9A] =	sst s3  }
0xc: {  	[smem:$0x3F9B] =	sst s4  }
0xd: {  	[smem:$0x3F9C] =	sst s5  }
0xe: {  	[smem:$0x3F9D] =	sst s6  }
0xf: {  	[smem:$0x3F9E] =	sst s7  }
0x10: {  	[smem:$0x3F9F] =	sst s8  }
0x11: {  	[smem:$0x3FA0] =	sst s9;
	s0 =	simm.s32 @!p0 $0x0  }
0x12: {  	s1 =	sld [smem:$0x3F86];
	s0 =	simm.s32 @p0 $0x1  }
0x13: {  	[smem:$0x3FA1] =	sst s0;
	s0 =	simm.s32 @!p1 $0x0  }
0x14: {  	s2 =	sld [smem:$0x3F85];
	s0 =	simm.s32 @p1 $0x1  }
0x15: {  	[smem:$0x3FA2] =	sst s0;
	s0 =	simm.s32 @!p2 $0x0  }
0x16: {  	s3 =	sld [smem:$0x3FDB];
	s0 =	simm.s32 @p2 $0x1  }
0x17: {  	s4 =	simm.s32 $0x1BF5;
	[smem:$0x3FA4] =	sst s0  }
0x18: {  	s0 =	sld [smem:$0x3F87];
	_ =	swait.ge [sflag:s4], $0x0  }
0x19: {  	s7 =	sld [smem:$0x3F88]  }
0x1a: {  	s8 =	sadd.s32 $0xFFFFE003, lr  }
0x1b: {  	s9 =	sadd.s32 $0xFFFFFEF7, lr;
	s5 =	simm.s32 $0xFFFFFFFF;
	p2 =	slt.u32 s8, $0xFFFFF086  }
0x1c: {  	p1 =	slt.u32 s9, $0xF7A;
	s5 =	simm.s32 @!p2 $0x0  }
0x1d: {  	s5 =	simm.s32 @p1 $0x1;
	p0 =	seq.s32 s7, s2  }
0x1e: {  	s7 =	smul.u32 @!p0 $0xF7A, s2;
	p2 =	seq.s32 @!p0 s5, $0x0  }
0x1f: {  	s9 =	smul.u32 $0xF7A, s1;
	s8 =	simm.s32 @!p0 $0x1BF5;
	p2 =	por !p2, p0  }
0x20: {  	[sflag:s8] =	ssyncset.s32 @!p0 $0xFFFFF086;
	s6 =	sadd.s32 @!p0 s3, s7;
	s7 =	simm.s32 @!p0 $0x108  }
0x21: {  	s3 =	sadd.s32 s3, s9;
	s6 =	sadd.s32 @!p0 $0x88, s6;
	s7 =	simm.s32 @p2 $0x1082  }
0x22: {  	[simem:s7], [sflag:s8] =	dma.local @!p0 [hbm:s6], $0xF7A  }
0x23: {  	s9 =	sor.u32 $0xD0000000, s2;
	s6 =	simm.s32 $0x108;
	_ =	swait.ge @!p0 [sflag:s8], $0x0  }
0x24: {  	s3 =	sadd.s32 $0x88, s3;
	s6 =	simm.s32 @!p1 $0x1082;
	[sflag:s4] =	ssyncset.s32 $0xFFFFF086  }
0x25: {  	[simem:s6], [sflag:s4] =	dma.local [hbm:s3], $0xF7A  }
0x26: {  	[smem:$0x3F88] =	sst s1;
	(tag) =	ssettag s2;
	_ =	strace s9  }
0x27: {  	s1 =	sld [smem:$0x3F98]  }
0x28: {  	s2 =	sld [smem:$0x3F99]  }
0x29: {  	s4 =	sld [smem:$0x3F9B]  }
0x2a: {  	p0 =	seq.s32 s5, $0x0;
	s5 =	sld [smem:$0x3F9C]  }
0x2b: {  	s6 =	sld [smem:$0x3F9D]  }
0x2c: {  	s7 =	sld [smem:$0x3F9E]  }
0x2d: {  	s3 =	simm.s32 $0x108;
	s8 =	sld [smem:$0x3F9F]  }
0x2e: {  	s3 =	simm.s32 @!p0 $0x1082;
	s9 =	sld [smem:$0x3FA0]  }
0x2f: {  	lr =	sadd.s32 s0, s3;
	s0 =	sld [smem:$0x3F97]  }
0x30: {  	s3 =	sld [smem:$0x3F9A]  }
0x31: {  	[smem:$0x3FA3] =	sst s10  }
0x32: {  	s10 =	sld [smem:$0x3FA1];
	_ =	sdelay $0x3  }
0x33: {  	p0 =	seq.s32 s10, $0x1;
	s10 =	sld [smem:$0x3FA3];
	_ =	sdelay $0x3  }
0x34: {  	[smem:$0x3FA3] =	sst s10  }
0x35: {  	s10 =	sld [smem:$0x3FA2];
	_ =	sdelay $0x3  }
0x36: {  	p1 =	seq.s32 s10, $0x1;
	s10 =	sld [smem:$0x3FA3];
	_ =	sdelay $0x3  }
0x37: {  	[smem:$0x3FA3] =	sst s10  }
0x38: {  	s10 =	sld [smem:$0x3FA4]  }
0x39: {  	_ = 	snop;
	(pc) =	sbr.ind lr, $3  }
0x3a: {  	_ = 	snop  }
0x3b: {  	_ = 	snop  }
0x3c: {  	p2 =	seq.s32 s10, $0x1;
	s10 =	sld [smem:$0x3FA3]  }
0x3d: {  	_ =	shalt  }
0x3e: {  	_ =	shalt  }
0x3f: {  	_ =	shalt  }
0x40: {  	_ =	shalt  }
0x41: {  	_ =	shalt  }
0x42: {  	_ =	shalt  }
0x43: {  	_ =	shalt  }
0x44: {  	_ =	shalt  }
0x45: {  	_ =	shalt  }
0x46: {  	_ =	shalt  }
0x47: {  	_ =	shalt  }
0x48: {  	_ =	shalt  }
0x49: {  	_ =	shalt  }
0x4a: {  	_ =	shalt  }
0x4b: {  	_ =	shalt  }
0x4c: {  	_ =	shalt  }
0x4d: {  	_ =	shalt  }
0x4e: {  	_ =	shalt  }
0x4f: {  	_ =	shalt  }
0x50: {  	_ =	shalt  }
0x51: {  	_ =	shalt  }
0x52: {  	_ =	shalt  }
0x53: {  	_ =	shalt  }
0x54: {  	_ =	shalt  }
0x55: {  	_ =	shalt  }
0x56: {  	_ =	shalt  }
0x57: {  	_ =	shalt  }
0x58: {  	_ =	shalt  }
0x59: {  	_ =	shalt  }
0x5a: {  	_ =	shalt  }
0x5b: {  	_ =	shalt  }
0x5c: {  	_ =	shalt  }
0x5d: {  	_ =	shalt  }
0x5e: {  	_ =	shalt  }
0x5f: {  	_ =	shalt  }
0x60: {  	_ =	shalt  }
0x61: {  	_ =	shalt  }
0x62: {  	_ =	shalt  }
0x63: {  	_ =	shalt  }
0x64: {  	_ =	shalt  }
0x65: {  	_ =	shalt  }
0x66: {  	_ =	shalt  }
0x67: {  	_ =	shalt  }
0x68: {  	_ =	shalt  }
0x69: {  	_ =	shalt  }
0x6a: {  	_ =	shalt  }
0x6b: {  	_ =	shalt  }
0x6c: {  	_ =	shalt  }
0x6d: {  	_ =	shalt  }
0x6e: {  	_ =	shalt  }
0x6f: {  	_ =	shalt  }
0x70: {  	_ =	shalt  }
0x71: {  	_ =	shalt  }
0x72: {  	_ =	shalt  }
0x73: {  	_ =	shalt  }
0x74: {  	_ =	shalt  }
0x75: {  	_ =	shalt  }
0x76: {  	_ =	shalt  }
0x77: {  	_ =	shalt  }
0x78: {  	_ =	shalt  }
0x79: {  	_ =	shalt  }
0x7a: {  	_ =	shalt  }
0x7b: {  	_ =	shalt  }
0x7c: {  	_ =	shalt  }
0x7d: {  	_ =	shalt  }
0x7e: {  	_ =	shalt  }
0x7f: {  	_ =	shalt  }
0x80: {  	_ =	shalt  }
0x81: {  	_ =	shalt  }
0x82: {  	_ =	shalt  }
0x83: {  	_ =	shalt  }
0x84: {  	_ =	shalt  }
0x85: {  	_ =	shalt  }
0x86: {  	_ =	shalt  }
0x87: {  	_ =	shalt  }
.Lfunc_end0:
.L_simem_size_0:
called_computation.1_lowered:
.L_overlay_start_0:
0x88: {  	s2 =	sld [smem:$0x3FD9]  }
0x89: {  	s3 =	sld [smem:$0x3FFE];
	_ =	sdelay $0x1  }
0x8a: {  	s1 =	srdreg.scid  }
0x8b: {  	s0 =	sand.u32 $0x1, s1  }
0x8c: {  	s16 =	sshll.u32 s0, $0xA;
	s2 =	sadd.s32 s3, s2  }
0x8d: {  	s2 =	sadd.s32 s2, s16  }
0x8e: {  	[smem:$0x3FAF] =	sst s2  }
0x8f: {  	_ = 	snop  }
0x90: {  	(tm) =	ssettm $0x1  }
0x91: {  	s17 =	sld [smem:$0x3FFB];
	_ =	sdelay $0x3  }
0x92: {  	_ =	strace s17  }
0x93: {  	s2 =	sld [smem:$0x3FFC];
	_ =	sdelay $0x3  }
0x94: {  	_ =	strace s2  }
0x95: {  	s2 =	sld [smem:$0x3FFD];
	_ =	sdelay $0x3  }
0x96: {  	_ =	strace s2  }
0x97: {  	_ =	strace $0x8FFFFFFF  }
0x98: {  	s18 =	sld [smem:$0x3FDB];
	_ =	sdelay $0x1  }
0x99: {  	s19 =	simm.s32 $_scs_section_size  }
0x9a: {  	s4 =	simm.s32 $_size__tile_overlayer_lowered;
	s5 =	simm.s32 $_tile_overlayer_lowered  }
0x9b: {  	s22 =	simm.s32 $0x1BFF;
	s21 =	sshll.u32 s5, $0x1;
	s2 =	sadd.s32 s19, s18  }
0x9c: {  	s6 =	simm.s32 $0x0;
	s20 =	sshll.u32 s4, $0x1;
	s4 =	sadd.s32 s21, s2  }
0x9d: {  	[timem:s6], [sflag:s22] =	dma.local [hbm:s4], s20  }
0x9e: {  	_ =	swait.ge [sflag:s22], s20  }
0x9f: {  	s3 =	ssub.s32 $0x0, s20;
	[sflag:s22] =	ssyncset.done $0x0  }
0xa0: {  	[sflag:s22] =	ssyncadd.s32 s3;
	_ =	sdelay $0x1  }
0xa1: {  	s23 =	simm.s32 $0x1B8B  }
0xa2: {  	_ =	swait.ge [sflag:s23], $0x1  }
0xa3: {  	[sflag:s23] =	ssyncset.done $0x0  }
0xa4: {  	s25 =	simm.s32 $0x1B8E;
	s24 =	sld [smem:$0x3FFE];
	[sflag:s23] =	ssyncadd.s32 $0xFFFFFFFF  }
0xa5: {  	s26 =	simm.s32 $execute0_lowered;
	[smem:$0x3FD2] =	sst s25  }
0xa6: {  	s4 =	sshll.u32 s26, $0x1;
	_ =	strace $0x80000049;
	[dreg:$0x1] =	wrdreg $0xFFFFFFFF  }
0xa7: {  	s28 =	simm.s32 $_size_execute0_lowered;
	s2 =	sadd.s32 s2, s4;
	[dreg:$0x0] =	wrdreg $0x0  }
0xa8: {  	s4 =	sshll.u32 s28, $0x1;
	[dreg:$0x2] =	wrdreg s2  }
0xa9: {  	[dreg:$0x3] =	wrdreg s4  }
0xaa: {  	[dreg:$0x4] =	wrdreg $0xC0  }
0xab: {  	_ =	task [dreg:s6], $0x5FFFF  }
0xac: {  	[dreg:$0x1] =	wrdreg $0xFFFFFFFF  }
0xad: {  	[dreg:$0x0] =	wrdreg $0x60  }
0xae: {  	[dreg:$0x2] =	wrdreg s24  }
0xaf: {  	[dreg:$0x3] =	wrdreg $0xC3000  }
0xb0: {  	[dreg:$0x4] =	wrdreg $0x9  }
0xb1: {  	_ =	task.clear_ibuf [dreg:s6], $0x5FFFF;
	_ =	strace $0x90000049  }
0xb2: {  	s29 =	simm.s32 $0x9;
	_ =	strace $0x8000004B  }
0xb3: {  	_ =	swait.ge [sflag:s29], $0x1  }
0xb4: {  	[sflag:s29] =	ssyncadd.s32 $0xFFFFFFFF  }
0xb5: {  	_ =	strace $0x9000004B  }
0xb6: {  	_ =	sfence  }
0xb7: {  	s30 =	sld [smem:$0x0];
	_ =	sdelay $0x2  }
0xb8: {  	s31 =	sshll.u32 s1, $0xD;
	s1 =	sshrl.u32 s1, $0x2  }
0xb9: {  	s3 =	sand.u32 $0x4000, s31;
	s1 =	sadd.s32 s1, s30  }
0xba: {  	s0 =	sor.u32 s3, s0;
	s1 =	sshll.u32 s1, $0x11  }
0xbb: {  	s0 =	sor.u32 s1, s0  }
0xbc: {  	s0 =	sadd.s32 $0x8F2B, s0  }
0xbd: {  	[sflag:s0] =	ssyncadd.remote.s32 $0x1  }
0xbe: {  	_ =	sfence.sel $0xFFFF  }
0xbf: {  	[dreg:$0x0] =	wrdreg $0xFFFFFFFF;
	(pc) =	sbr.abs _section_cstart, $3  }
0xc0: {  	[dreg:$0x1] =	wrdreg $0xFFFFFFFF  }
0xc1: {  	_ =	task.clear_ibuf [dreg:s6], $0x2FFFF;
	_ =	strace $0x9FFFFFFF  }
0xc2: {  	(tm) =	ssettm $0x7FFFFFFF  }
0xc3: {  	_ =	shalt  }
tec
execute0_lowered:
.L_overlay_start_1:
0x0: {  	(tag) =	ssettag $0x1  }
0x1: {  	s0 =	rddreg [dreg:$0x0]  }
0x2: {  	s1 =	rddreg [dreg:$0x1]  }
0x3: {  	s2 =	simm.s32 $0x0;
	s3 =	srdreg.scid;
	s26 =	stileid.u32  }
0x4: {  	s28 =	simm.s32 $0x8300;
	s29 =	simm.s32 $0x2;
	s30 =	simm.s32 $0x3  }
0x5: {  	s31 =	simm.s32 $0x4;
	[smem:$0x7FF] =	sst s2;
	s20 =	smul.u32 $0x46000, s26  }
0x6: {  	s4 =	sadd.s32 $0x16E00, s0;
	s7 =	sadd.s32 $0xD000, s0;
	s15 =	smul.u32 $0x9C0, s26  }
0x7: {  	s3 =	sand.u32 $0x1, s3;
	s11 =	smin.u32 s26, $0xD;
	s24 =	smul.u32 $0x11800, s26  }
0x8: {  	s8 =	sadd.s32 $0x3200, s0;
	p0 =	slt.u32 s26, $0xD;
	s21 =	smul.u32 $0xA000, s11  }
0x9: {  	s5 =	sshll.u32 s26, $0x1;
	_ =	strace $0x8000004A;
	s22 =	smul.u32 $0x138800, s3  }
0xa: {  	s6 =	ssub.s32 $0x2, s3;
	s9 =	sor.u32 s3, s5;
	s3 =	smul.u32 $0x4E0, s3  }
0xb: {  	s5 =	sadd.s32 $0x3E000, s0;
	s25 =	smul.u32 $0x2800, s11;
	s18 =	sshrl.u32 s6, $0x1  }
0xc: {  	s10 =	smul.u32 $0x4E0, s9;
	s9 =	sshll.u32 s9, $0x4;
	s0 =	ssub.s32 s6, s18  }
0xd: {  	s6 =	simm.s32 $0x8;
	s9 =	sor.u32 $0x9C00, s9;
	s18 =	simm.s32 $0x300  }
0xe: {  	s6 =	simm.s32 @!p0 $0x7;
	s12 =	sadd.s32 s7, s10;
	s19 =	sadd.s32 s8, s10  }
0xf: {  	s10 =	sor.u32 $0x10, s10;
	s14 =	sadd.s32 s7, s9;
	[dreg:$0x3] =	wrdreg s12  }
0x10: {  	s9 =	sadd.s32 s8, s9;
	p0 =	sgt.u32 s26, $0x1;
	[dreg:$0x4] =	wrdreg s19  }
0x11: {  	s26 =	simm.s32 $0x280;
	s13 =	sadd.s32 s7, s10;
	[dreg:$0x7] =	wrdreg s14  }
0x12: {  	s10 =	sadd.s32 s8, s10;
	[dreg:$0x8] =	wrdreg s9;
	s7 =	sadd.s32 s15, s7  }
0x13: {  	s8 =	sadd.s32 s15, s8;
	s19 =	simm.s32 $0x7;
	[dreg:$0x5] =	wrdreg s13  }
0x14: {  	[dreg:$0x6] =	wrdreg s10;
	s13 =	sadd.s32 s21, s20;
	s15 =	sadd.s32 s3, s7  }
0x15: {  	s16 =	sadd.s32 s3, s8;
	s20 =	simm.s32 $0x180;
	s21 =	simm.s32 $0x80  }
0x16: {  	s3 =	simm.s32 $0x6;
	s7 =	simm.s32 $0x0;
	s23 =	sshrl.u32 s13, $0x2  }
0x17: {  	s13 =	smax.u32 s0, $0x1;
	s0 =	sadd.s32 s24, s22;
	s22 =	simm.s32 $0x200  }
0x18: {  	s24 =	simm.s32 $0x1;
	s14 =	sadd.s32 s23, s1;
	s17 =	sadd.s32 s25, s0  }
0x19: {  	v0 =	vimm.f32 $0.0e+00;
	s23 =	simm.s32 $0x4300;
	s25 =	simm.s32 $0x100;
	s0 =	simm.s32 $0x5  }
.LBB2_1:
0x1a: {  	s8 =	simm.s32 $0x0;
	s9 =	simm.s32 $0x200  }
.LBB2_2:
0x1b: {  	p1 =	sne.s32 s9, $0x9E00;
	[tilespmem:s8+$0x370] =	vst v0  }
0x1c: {  	[tilespmem:s8+$0x300] =	vst v0  }
0x1d: {  	[tilespmem:s8+$0x310] =	vst v0  }
.Ltmp0:
0x1e: {  	[tilespmem:s8+$0x320] =	vst v0;
	(pc) =	sbr.rel @p1 .LBB2_2-.Ltmp0, $4  }
0x1f: {  	[tilespmem:s8+$0x330] =	vst v0  }
0x20: {  	[tilespmem:s8+$0x340] =	vst v0  }
0x21: {  	[tilespmem:s8+$0x350] =	vst v0  }
0x22: {  	[tilespmem:s8+$0x360] =	vst v0;
	s8 =	sshra.s32 s9, $0x2;
	s9 =	sadd.s32 $0x200, s9  }
0x23: {  	[tilespmem:s8+$0x370] =	vst v0  }
0x24: {  	[tilespmem:s8+$0x300] =	vst v0  }
0x25: {  	[tilespmem:s8+$0x310] =	vst v0  }
0x26: {  	[tilespmem:s8+$0x320] =	vst v0  }
0x27: {  	[tilespmem:s8+$0x330] =	vst v0  }
0x28: {  	[tilespmem:s8+$0x340] =	vst v0;
	p1 =	sne.s32 s6, $0x1  }
.Ltmp1:
0x29: {  	[tilespmem:s8+$0x350] =	vst v0;
	(pc) =	sbr.rel @!p1 .LBB2_5-.Ltmp1, $4  }
0x2a: {  	[tilespmem:s8+$0x360] =	vst v0  }
0x2b: {  	[spmem:s14] =	stream.linear.scatter [tilespmem:s18], [sflag:$0x7], $0x2800, $0x38;
	[tilespmem:$0x1FB80] =	vst v63  }
0x2c: {  	_ =	swait.ge [sflag:s19], $0x2800  }
0x2d: {  	s8 =	sadd.s32 $0xFFFFFFFF, s6;
	s9 =	smov.u32 s14;
	[sflag:s19] =	ssyncset.done $0x0  }
.LBB2_4:
0x2e: {  	p2 =	sne.s32 s8, $0x1;
	[sflag:s19] =	ssyncadd.s32 $0xFFFFD800;
	s9 =	sadd.s32 $0x2800, s9  }
.Ltmp2:
0x2f: {  	s8 =	sadd.s32 $0xFFFFFFFF, s8;
	(pc) =	sbr.rel @p2 .LBB2_4-.Ltmp2, $4  }
0x30: {  	_ = 	snop  }
0x31: {  	[spmem:s9] =	stream.linear.scatter [tilespmem:s18], [sflag:$0x7], $0x2800, $0x38;
	[tilespmem:$0x1FB80] =	vst v63  }
0x32: {  	_ =	swait.ge [sflag:s19], $0x2800  }
0x33: {  	[sflag:s19] =	ssyncset.done $0x0  }
.LBB2_5:
0x34: {  	[sflag:s19] =	ssyncadd.s32 $0xFFFFD800  }
0x35: {  	[bflag:$0x0] =	sbarrier.arrive $0xFFFF  }
0x36: {  	s8 =	simm.s32 $0x0;
	s9 =	rddreg [dreg:$0x3]  }
0x37: {  	[tilespmem:s8], [sflag:$0x7] =	stream.linear.gather [hbm4b:s9+s8], $0x80, $0x38;
	[tilespmem:$0x1FB80] =	vst v63  }
0x38: {  	_ =	swait.ge [sflag:s19], $0x80  }
0x39: {  	[sflag:s19] =	ssyncset.done $0x0  }
0x3a: {  	s10 =	rddreg [dreg:$0x4];
	[sflag:s19] =	ssyncadd.s32 $0xFFFFFF80  }
0x3b: {  	[tilespmem:s20], [sflag:$0x7] =	stream.linear.gather [hbm4b:s10+s8], $0x80, $0x38;
	[tilespmem:$0x1FB80] =	vst v63  }
0x3c: {  	_ =	swait.ge [sflag:s19], $0x80  }
0x3d: {  	[sflag:s19] =	ssyncset.done $0x0  }
0x3e: {  	[sflag:s19] =	ssyncadd.s32 $0xFFFFFF80  }
0x3f: {  	[tilespmem:s18], [sflag:$0x1] =	stream.indirect.gather [hbm4b:s4+s21], $0x80, s8, s21, $0xb8;
	[tilespmem:$0x1FB80] =	vst v63  }
0x40: {  	s11 =	rddreg [dreg:$0x5]  }
0x41: {  	[tilespmem:s21], [sflag:$0x7] =	stream.linear.gather [hbm4b:s11+s8], $0x80, $0x38;
	[tilespmem:$0x1FB80] =	vst v63  }
0x42: {  	_ =	swait.ge [sflag:s19], $0x80  }
0x43: {  	[sflag:s19] =	ssyncset.done $0x0  }
0x44: {  	s12 =	rddreg [dreg:$0x6];
	[sflag:s19] =	ssyncadd.s32 $0xFFFFFF80  }
0x45: {  	[tilespmem:s22], [sflag:$0x7] =	stream.linear.gather [hbm4b:s12+s8], $0x80, $0x38;
	[tilespmem:$0x1FB80] =	vst v63  }
0x46: {  	_ =	swait.ge [sflag:s19], $0x80  }
0x47: {  	[sflag:s19] =	ssyncset.done $0x0  }
0x48: {  	s9 =	simm.s32 $0xFFFFFFFF;
	[sflag:s19] =	ssyncadd.s32 $0xFFFFFF80  }
0x49: {  	[tilespmem:s23], [sflag:$0x2] =	stream.indirect.gather [hbm4b:s4+s21], $0x80, s21, s21, $0xb8;
	[tilespmem:$0x1FB80] =	vst v63  }
.LBB2_6:
0x4a: {  	_ =	swait.ge [sflag:s24], $0x4000  }
0x4b: {  	p2 =	sgt.u32 s9, $0x4A;
	[sflag:s24] =	ssyncset.done $0x0  }
0x4c: {  	s11 =	simm.s32 @!p2 $0x6;
	[sflag:s24] =	ssyncadd.s32 $0xFFFFC000  }
0x4d: {  	[spmem:s1] =	stream.indirect.scatter.add.f32 [tilespmem:s18], [sflag:$0x4], $0x80, s20, s21, $0xb8;
	[tilespmem:$0x1FB80] =	vst v63  }
0x4e: {  	_ =	swait.ge @!p2 [sflag:s11], $0x4000  }
0x4f: {  	s10 =	sadd.s32 s8, s15;
	[sflag:s11] =	ssyncset.done @!p2 $0x0  }
0x50: {  	s12 =	sadd.s32 $0x20, s10;
	[sflag:s11] =	ssyncadd.s32 @!p2 $0xFFFFC000  }
0x51: {  	[tilespmem:s25], [sflag:$0x7] =	stream.linear.gather [hbm4b:s12+s2], $0x80, $0x38;
	[tilespmem:$0x1FB80] =	vst v63  }
0x52: {  	_ =	swait.ge [sflag:s19], $0x80  }
0x53: {  	s11 =	sadd.s32 s8, s16;
	[sflag:s19] =	ssyncset.done $0x0  }
0x54: {  	s12 =	sadd.s32 $0x20, s11;
	[sflag:s19] =	ssyncadd.s32 $0xFFFFFF80  }
0x55: {  	[tilespmem:s26], [sflag:$0x7] =	stream.linear.gather [hbm4b:s12+s2], $0x80, $0x38;
	[tilespmem:$0x1FB80] =	vst v63  }
0x56: {  	_ =	swait.ge [sflag:s19], $0x80  }
0x57: {  	[sflag:s19] =	ssyncset.done $0x0  }
0x58: {  	p2 =	seq.s32 s8, $0x4B0;
	[sflag:s19] =	ssyncadd.s32 $0xFFFFFF80  }
0x59: {  	[tilespmem:s28], [sflag:$0x3] =	stream.indirect.gather [hbm4b:s4+s21], $0x80, s25, s21, $0xb8;
	[tilespmem:$0x1FB80] =	vst v63  }
.Ltmp3:
0x5a: {  	_ = 	snop;
	(pc) =	sbr.rel @p2 .LBB2_8-.Ltmp3, $4  }
0x5b: {  	_ =	swait.ge [sflag:s29], $0x4000  }
0x5c: {  	[sflag:s29] =	ssyncset.done $0x0  }
0x5d: {  	[sflag:s29] =	ssyncadd.s32 $0xFFFFC000  }
0x5e: {  	[spmem:s1] =	stream.indirect.scatter.add.f32 [tilespmem:s23], [sflag:$0x5], $0x80, s22, s21, $0xb8;
	[tilespmem:$0x1FB80] =	vst v63  }
0x5f: {  	_ =	swait.ge [sflag:s31], $0x4000  }
0x60: {  	[sflag:s31] =	ssyncset.done $0x0  }
0x61: {  	s12 =	sadd.s32 $0x30, s10;
	[sflag:s31] =	ssyncadd.s32 $0xFFFFC000  }
0x62: {  	[tilespmem:s2], [sflag:$0x7] =	stream.linear.gather [hbm4b:s12+s2], $0x80, $0x38;
	[tilespmem:$0x1FB80] =	vst v63  }
0x63: {  	_ =	swait.ge [sflag:s19], $0x80  }
0x64: {  	[sflag:s19] =	ssyncset.done $0x0  }
0x65: {  	s12 =	sadd.s32 $0x30, s11;
	[sflag:s19] =	ssyncadd.s32 $0xFFFFFF80  }
0x66: {  	[tilespmem:s20], [sflag:$0x7] =	stream.linear.gather [hbm4b:s12+s2], $0x80, $0x38;
	[tilespmem:$0x1FB80] =	vst v63  }
0x67: {  	_ =	swait.ge [sflag:s19], $0x80  }
0x68: {  	[sflag:s19] =	ssyncset.done $0x0  }
0x69: {  	[sflag:s19] =	ssyncadd.s32 $0xFFFFFF80  }
0x6a: {  	[tilespmem:s18], [sflag:$0x1] =	stream.indirect.gather [hbm4b:s4+s21], $0x80, s2, s21, $0xb8;
	[tilespmem:$0x1FB80] =	vst v63  }
0x6b: {  	_ =	swait.ge [sflag:s30], $0x4000  }
0x6c: {  	[sflag:s30] =	ssyncset.done $0x0  }
0x6d: {  	[sflag:s30] =	ssyncadd.s32 $0xFFFFC000  }
0x6e: {  	[spmem:s1] =	stream.indirect.scatter.add.f32 [tilespmem:s28], [sflag:$0x6], $0x80, s26, s21, $0xb8;
	[tilespmem:$0x1FB80] =	vst v63  }
0x6f: {  	_ =	swait.ge [sflag:s0], $0x4000  }
0x70: {  	[sflag:s0] =	ssyncset.done $0x0  }
0x71: {  	s12 =	sadd.s32 $0x40, s10;
	[sflag:s0] =	ssyncadd.s32 $0xFFFFC000  }
0x72: {  	[tilespmem:s21], [sflag:$0x7] =	stream.linear.gather [hbm4b:s12+s2], $0x80, $0x38;
	[tilespmem:$0x1FB80] =	vst v63  }
0x73: {  	_ =	swait.ge [sflag:s19], $0x80  }
0x74: {  	[sflag:s19] =	ssyncset.done $0x0  }
0x75: {  	s12 =	sadd.s32 $0x40, s11;
	[sflag:s19] =	ssyncadd.s32 $0xFFFFFF80  }
0x76: {  	[tilespmem:s22], [sflag:$0x7] =	stream.linear.gather [hbm4b:s12+s2], $0x80, $0x38;
	[tilespmem:$0x1FB80] =	vst v63  }
.Ltmp4:
0x77: {  	_ = 	snop;
	(pc) =	sbr.rel .LBB2_6-.Ltmp4, $4  }
0x78: {  	_ =	swait.ge [sflag:s19], $0x80  }
0x79: {  	[sflag:s19] =	ssyncset.done $0x0  }
0x7a: {  	s8 =	sadd.s32 $0x30, s8;
	s9 =	sadd.s32 $0x3, s9;
	[sflag:s19] =	ssyncadd.s32 $0xFFFFFF80  }
0x7b: {  	[tilespmem:s23], [sflag:$0x2] =	stream.indirect.gather [hbm4b:s4+s21], $0x80, s21, s21, $0xb8;
	[tilespmem:$0x1FB80] =	vst v63  }
.LBB2_8:
0x7c: {  	_ =	swait.ge [sflag:s30], $0x4000  }
0x7d: {  	[sflag:s30] =	ssyncset.done $0x0  }
0x7e: {  	[sflag:s30] =	ssyncadd.s32 $0xFFFFC000  }
0x7f: {  	[spmem:s1] =	stream.indirect.scatter.add.f32 [tilespmem:s28], [sflag:$0x6], $0x80, s26, s21, $0xb8;
	[tilespmem:$0x1FB80] =	vst v63  }
0x80: {  	_ =	swait.ge [sflag:s31], $0x4000  }
0x81: {  	[sflag:s31] =	ssyncset.done $0x0  }
0x82: {  	[sflag:s31] =	ssyncadd.s32 $0xFFFFC000  }
0x83: {  	_ =	swait.ge [sflag:s0], $0x4000  }
0x84: {  	[sflag:s0] =	ssyncset.done $0x0  }
0x85: {  	[sflag:s0] =	ssyncadd.s32 $0xFFFFC000  }
0x86: {  	_ =	swait.ge [sflag:s3], $0x4000  }
0x87: {  	[sflag:s3] =	ssyncset.done $0x0  }
0x88: {  	s8 =	simm.s32 @!p0 $0x0;
	s9 =	rddreg [dreg:$0x7];
	[sflag:s3] =	ssyncadd.s32 $0xFFFFC000  }
0x89: {  	[tilespmem:s8], [sflag:$0x7] =	stream.linear.gather @!p0 [hbm4b:s9+s8], $0x80, $0x38;
	[tilespmem:$0x1FB80] =	vst v63  }
0x8a: {  	s9 =	simm.s32 @!p0 $0x7  }
0x8b: {  	_ =	swait.ge @!p0 [sflag:s9], $0x80  }
0x8c: {  	[sflag:s9] =	ssyncset.done @!p0 $0x0  }
0x8d: {  	s10 =	simm.s32 @!p0 $0x180;
	s11 =	rddreg [dreg:$0x8];
	[sflag:s9] =	ssyncadd.s32 @!p0 $0xFFFFFF80  }
0x8e: {  	[tilespmem:s10], [sflag:$0x7] =	stream.linear.gather @!p0 [hbm4b:s11+s8], $0x80, $0x38;
	[tilespmem:$0x1FB80] =	vst v63  }
0x8f: {  	_ =	swait.ge @!p0 [sflag:s9], $0x80  }
0x90: {  	[sflag:s9] =	ssyncset.done @!p0 $0x0  }
0x91: {  	s12 =	simm.s32 @!p0 $0x300;
	s11 =	simm.s32 @!p0 $0x80;
	[sflag:s9] =	ssyncadd.s32 @!p0 $0xFFFFFF80  }
0x92: {  	[tilespmem:s12], [sflag:$0x1] =	stream.indirect.gather @!p0 [hbm4b:s4+s11], $0x80, s8, s11, $0xb8;
	[tilespmem:$0x1FB80] =	vst v63  }
0x93: {  	s8 =	simm.s32 @!p0 $0x1  }
0x94: {  	_ =	swait.ge @!p0 [sflag:s8], $0x4000  }
0x95: {  	[sflag:s8] =	ssyncset.done @!p0 $0x0  }
0x96: {  	[sflag:s8] =	ssyncadd.s32 @!p0 $0xFFFFC000  }
0x97: {  	[spmem:s1] =	stream.indirect.scatter.add.f32 @!p0 [tilespmem:s12], [sflag:$0x7], $0x80, s10, s11, $0xb8;
	[tilespmem:$0x1FB80] =	vst v63  }
0x98: {  	_ =	swait.ge @!p0 [sflag:s9], $0x4000  }
0x99: {  	[sflag:s9] =	ssyncset.done @!p0 $0x0  }
0x9a: {  	[sflag:s9] =	ssyncadd.s32 @!p0 $0xFFFFC000  }
0x9b: {  	[bflag:$0x0] =	sbarrier.arrive $0xFFFF  }
0x9c: {  	[tilespmem:s18], [sflag:$0x7] =	stream.linear.gather [spmem:s14], $0x2800, $0x38;
	[tilespmem:$0x1FB80] =	vst v63  }
0x9d: {  	_ =	swait.ge [sflag:s19], $0x2800  }
.Ltmp5:
0x9e: {  	s12 =	sshrl.u32 s17, $0x3;
	[sflag:s19] =	ssyncset.done $0x0;
	(pc) =	sbr.rel @!p1 .LBB2_10-.Ltmp5, $4  }
0x9f: {  	s8 =	sadd.s32 s5, s12;
	[sflag:s19] =	ssyncadd.s32 $0xFFFFD800  }
0xa0: {  	[hbm4b:s8+s2] =	stream.linear.scatter [tilespmem:s18], [sflag:$0x7], $0x2800, $0x38;
	[tilespmem:$0x1FB80] =	vst v63  }
0xa1: {  	s10 =	smov.u32 s14;
	_ =	swait.ge [sflag:s19], $0x2800  }
0xa2: {  	s9 =	smov.u32 s17;
	s8 =	sadd.s32 $0xFFFFFFFF, s6;
	[sflag:s19] =	ssyncset.done $0x0  }
.LBB2_9:
0xa3: {  	[sflag:s19] =	ssyncadd.s32 $0xFFFFD800;
	s9 =	sadd.s32 $0x2800, s9;
	s10 =	sadd.s32 $0x2800, s10  }
0xa4: {  	[tilespmem:s18], [sflag:$0x7] =	stream.linear.gather [spmem:s10], $0x2800, $0x38;
	[tilespmem:$0x1FB80] =	vst v63  }
0xa5: {  	p1 =	sne.s32 s8, $0x1;
	s8 =	sadd.s32 $0xFFFFFFFF, s8;
	_ =	swait.ge [sflag:s19], $0x2800  }
.Ltmp6:
0xa6: {  	s11 =	sshrl.u32 s9, $0x3;
	[sflag:s19] =	ssyncset.done $0x0;
	(pc) =	sbr.rel @p1 .LBB2_9-.Ltmp6, $4  }
0xa7: {  	s11 =	sadd.s32 s5, s11;
	[sflag:s19] =	ssyncadd.s32 $0xFFFFD800  }
0xa8: {  	[hbm4b:s11+s2] =	stream.linear.scatter [tilespmem:s18], [sflag:$0x7], $0x2800, $0x38;
	[tilespmem:$0x1FB80] =	vst v63  }
0xa9: {  	_ =	swait.ge [sflag:s19], $0x2800  }
0xaa: {  	[sflag:s19] =	ssyncset.done $0x0  }
.LBB2_10:
0xab: {  	s7 =	sadd.s32 $0x1, s7  }
0xac: {  	p1 =	sne.s32 s7, s13  }
.Ltmp7:
0xad: {  	_ = 	snop;
	(pc) =	sbr.rel @p1 .LBB2_1-.Ltmp7, $2  }
0xae: {  	_ =	sdelay $0x2  }
0xaf: {  	[sflag:s19] =	ssyncadd.s32 $0xFFFFD800  }
0xb0: {  	_ =	sfence.sel $0x180000  }
0xb1: {  	[bflag:$0x0] =	sbarrier.arrive $0xFFFF  }
0xb2: {  	_ =	strace $0x9000004A  }
0xb3: {  	s0 =	stileid.u32;
	[bflag:$0x2] =	sbarrier.arrive $0xFFFF  }
0xb4: {  	p0 =	sne.s32 s0, $0x0;
	s0 =	rddreg [dreg:$0x2]  }
0xb5: {  	s0 =	sadd.s32 @!p0 $0x100000, s0  }
0xb6: {  	[sflag:s0] =	ssyncadd.tile.s32 @!p0 $0x1;
	_ =	shalt  }
.Lfunc_end2:
_tile_overlayer_lowered:
.L_overlay_start_2:
0xb7: {  	(tag) =	ssettag $0x2  }
0xb8: {  	s0 =	rddreg [dreg:$0x0];
	s2 =	stileid.u32  }
0xb9: {  	s1 =	rddreg [dreg:$0x1];
	p0 =	sne.s32 s2, $0x0  }
0xba: {  	s3 =	rddreg [dreg:$0x2];
	[bflag:$0x3] =	sbarrier.arrive $0xFFFF;
	s2 =	simm.s32 @!p0 $0x1C07  }
0xbb: {  	[timem:s3], [sflag:s2] =	dma.local @!p0 [hbm:s0], s1  }
0xbc: {  	s0 =	simm.s32 @!p0 $0x7  }
0xbd: {  	_ =	swait.ge @!p0 [sflag:s0], s1  }
0xbe: {  	s1 =	ssub.s32 @!p0 $0x0, s1;
	[sflag:s0] =	ssyncset.done @!p0 $0x0  }
0xbf: {  	[sflag:s0] =	ssyncadd.s32 @!p0 s1  }
0xc0: {  	[bflag:$0x3] =	sbarrier.arrive $0xFFFF  }
0xc1: {  	_ =	shalt  }

// kernel: kernel.7.cloned.1.call-start
scs
__scs_entry_jumppad:
0x0: {  	(pc) =	sbr.rel $0x88, $3  }
0x1: {  	(tag) =	ssettag $0x0;
	lr =	simm.s32 $0x1  }
0x2: {  	[smem:$0x3F88] =	sst lr;
	_ =	strace $0xD0000000  }
0x3: {  	_ = 	snop  }
0x4: {  	_ = 	snop  }
0x5: {  	_ = 	snop  }
0x6: {  	_ = 	snop  }
0x7: {  	_ = 	snop  }
__scs_overlays_trampoline_lowered:
0x8: {  	[smem:$0x3F97] =	sst s0  }
0x9: {  	[smem:$0x3F98] =	sst s1  }
0xa: {  	[smem:$0x3F99] =	sst s2  }
0xb: {  	[smem:$0x3F9A] =	sst s3  }
0xc: {  	[smem:$0x3F9B] =	sst s4  }
0xd: {  	[smem:$0x3F9C] =	sst s5  }
0xe: {  	[smem:$0x3F9D] =	sst s6  }
0xf: {  	[smem:$0x3F9E] =	sst s7  }
0x10: {  	[smem:$0x3F9F] =	sst s8  }
0x11: {  	[smem:$0x3FA0] =	sst s9;
	s0 =	simm.s32 @!p0 $0x0  }
0x12: {  	s1 =	sld [smem:$0x3F86];
	s0 =	simm.s32 @p0 $0x1  }
0x13: {  	[smem:$0x3FA1] =	sst s0;
	s0 =	simm.s32 @!p1 $0x0  }
0x14: {  	s2 =	sld [smem:$0x3F85];
	s0 =	simm.s32 @p1 $0x1  }
0x15: {  	[smem:$0x3FA2] =	sst s0;
	s0 =	simm.s32 @!p2 $0x0  }
0x16: {  	s3 =	sld [smem:$0x3FDB];
	s0 =	simm.s32 @p2 $0x1  }
0x17: {  	s4 =	simm.s32 $0x1BF5;
	[smem:$0x3FA4] =	sst s0  }
0x18: {  	s0 =	sld [smem:$0x3F87];
	_ =	swait.ge [sflag:s4], $0x0  }
0x19: {  	s7 =	sld [smem:$0x3F88]  }
0x1a: {  	s8 =	sadd.s32 $0xFFFFE003, lr  }
0x1b: {  	s9 =	sadd.s32 $0xFFFFFEF7, lr;
	s5 =	simm.s32 $0xFFFFFFFF;
	p2 =	slt.u32 s8, $0xFFFFF086  }
0x1c: {  	p1 =	slt.u32 s9, $0xF7A;
	s5 =	simm.s32 @!p2 $0x0  }
0x1d: {  	s5 =	simm.s32 @p1 $0x1;
	p0 =	seq.s32 s7, s2  }
0x1e: {  	s7 =	smul.u32 @!p0 $0xF7A, s2;
	p2 =	seq.s32 @!p0 s5, $0x0  }
0x1f: {  	s9 =	smul.u32 $0xF7A, s1;
	s8 =	simm.s32 @!p0 $0x1BF5;
	p2 =	por !p2, p0  }
0x20: {  	[sflag:s8] =	ssyncset.s32 @!p0 $0xFFFFF086;
	s6 =	sadd.s32 @!p0 s3, s7;
	s7 =	simm.s32 @!p0 $0x108  }
0x21: {  	s3 =	sadd.s32 s3, s9;
	s6 =	sadd.s32 @!p0 $0x88, s6;
	s7 =	simm.s32 @p2 $0x1082  }
0x22: {  	[simem:s7], [sflag:s8] =	dma.local @!p0 [hbm:s6], $0xF7A  }
0x23: {  	s9 =	sor.u32 $0xD0000000, s2;
	s6 =	simm.s32 $0x108;
	_ =	swait.ge @!p0 [sflag:s8], $0x0  }
0x24: {  	s3 =	sadd.s32 $0x88, s3;
	s6 =	simm.s32 @!p1 $0x1082;
	[sflag:s4] =	ssyncset.s32 $0xFFFFF086  }
0x25: {  	[simem:s6], [sflag:s4] =	dma.local [hbm:s3], $0xF7A  }
0x26: {  	[smem:$0x3F88] =	sst s1;
	(tag) =	ssettag s2;
	_ =	strace s9  }
0x27: {  	s1 =	sld [smem:$0x3F98]  }
0x28: {  	s2 =	sld [smem:$0x3F99]  }
0x29: {  	s4 =	sld [smem:$0x3F9B]  }
0x2a: {  	p0 =	seq.s32 s5, $0x0;
	s5 =	sld [smem:$0x3F9C]  }
0x2b: {  	s6 =	sld [smem:$0x3F9D]  }
0x2c: {  	s7 =	sld [smem:$0x3F9E]  }
0x2d: {  	s3 =	simm.s32 $0x108;
	s8 =	sld [smem:$0x3F9F]  }
0x2e: {  	s3 =	simm.s32 @!p0 $0x1082;
	s9 =	sld [smem:$0x3FA0]  }
0x2f: {  	lr =	sadd.s32 s0, s3;
	s0 =	sld [smem:$0x3F97]  }
0x30: {  	s3 =	sld [smem:$0x3F9A]  }
0x31: {  	[smem:$0x3FA3] =	sst s10  }
0x32: {  	s10 =	sld [smem:$0x3FA1];
	_ =	sdelay $0x3  }
0x33: {  	p0 =	seq.s32 s10, $0x1;
	s10 =	sld [smem:$0x3FA3];
	_ =	sdelay $0x3  }
0x34: {  	[smem:$0x3FA3] =	sst s10  }
0x35: {  	s10 =	sld [smem:$0x3FA2];
	_ =	sdelay $0x3  }
0x36: {  	p1 =	seq.s32 s10, $0x1;
	s10 =	sld [smem:$0x3FA3];
	_ =	sdelay $0x3  }
0x37: {  	[smem:$0x3FA3] =	sst s10  }
0x38: {  	s10 =	sld [smem:$0x3FA4]  }
0x39: {  	_ = 	snop;
	(pc) =	sbr.ind lr, $3  }
0x3a: {  	_ = 	snop  }
0x3b: {  	_ = 	snop  }
0x3c: {  	p2 =	seq.s32 s10, $0x1;
	s10 =	sld [smem:$0x3FA3]  }
0x3d: {  	_ =	shalt  }
0x3e: {  	_ =	shalt  }
0x3f: {  	_ =	shalt  }
0x40: {  	_ =	shalt  }
0x41: {  	_ =	shalt  }
0x42: {  	_ =	shalt  }
0x43: {  	_ =	shalt  }
0x44: {  	_ =	shalt  }
0x45: {  	_ =	shalt  }
0x46: {  	_ =	shalt  }
0x47: {  	_ =	shalt  }
0x48: {  	_ =	shalt  }
0x49: {  	_ =	shalt  }
0x4a: {  	_ =	shalt  }
0x4b: {  	_ =	shalt  }
0x4c: {  	_ =	shalt  }
0x4d: {  	_ =	shalt  }
0x4e: {  	_ =	shalt  }
0x4f: {  	_ =	shalt  }
0x50: {  	_ =	shalt  }
0x51: {  	_ =	shalt  }
0x52: {  	_ =	shalt  }
0x53: {  	_ =	shalt  }
0x54: {  	_ =	shalt  }
0x55: {  	_ =	shalt  }
0x56: {  	_ =	shalt  }
0x57: {  	_ =	shalt  }
0x58: {  	_ =	shalt  }
0x59: {  	_ =	shalt  }
0x5a: {  	_ =	shalt  }
0x5b: {  	_ =	shalt  }
0x5c: {  	_ =	shalt  }
0x5d: {  	_ =	shalt  }
0x5e: {  	_ =	shalt  }
0x5f: {  	_ =	shalt  }
0x60: {  	_ =	shalt  }
0x61: {  	_ =	shalt  }
0x62: {  	_ =	shalt  }
0x63: {  	_ =	shalt  }
0x64: {  	_ =	shalt  }
0x65: {  	_ =	shalt  }
0x66: {  	_ =	shalt  }
0x67: {  	_ =	shalt  }
0x68: {  	_ =	shalt  }
0x69: {  	_ =	shalt  }
0x6a: {  	_ =	shalt  }
0x6b: {  	_ =	shalt  }
0x6c: {  	_ =	shalt  }
0x6d: {  	_ =	shalt  }
0x6e: {  	_ =	shalt  }
0x6f: {  	_ =	shalt  }
0x70: {  	_ =	shalt  }
0x71: {  	_ =	shalt  }
0x72: {  	_ =	shalt  }
0x73: {  	_ =	shalt  }
0x74: {  	_ =	shalt  }
0x75: {  	_ =	shalt  }
0x76: {  	_ =	shalt  }
0x77: {  	_ =	shalt  }
0x78: {  	_ =	shalt  }
0x79: {  	_ =	shalt  }
0x7a: {  	_ =	shalt  }
0x7b: {  	_ =	shalt  }
0x7c: {  	_ =	shalt  }
0x7d: {  	_ =	shalt  }
0x7e: {  	_ =	shalt  }
0x7f: {  	_ =	shalt  }
0x80: {  	_ =	shalt  }
0x81: {  	_ =	shalt  }
0x82: {  	_ =	shalt  }
0x83: {  	_ =	shalt  }
0x84: {  	_ =	shalt  }
0x85: {  	_ =	shalt  }
0x86: {  	_ =	shalt  }
0x87: {  	_ =	shalt  }
.Lfunc_end0:
.L_simem_size_0:
called_computation_lowered:
.L_overlay_start_0:
0x88: {  	s2 =	sld [smem:$0x3FD9]  }
0x89: {  	s3 =	sld [smem:$0x3FFE];
	_ =	sdelay $0x1  }
0x8a: {  	s1 =	srdreg.scid  }
0x8b: {  	s0 =	sand.u32 $0x1, s1  }
0x8c: {  	s17 =	sshll.u32 s0, $0xA;
	s2 =	sadd.s32 s3, s2  }
0x8d: {  	s2 =	sadd.s32 s2, s17  }
0x8e: {  	[smem:$0x3FAF] =	sst s2  }
0x8f: {  	_ = 	snop  }
0x90: {  	s2 =	sld [smem:$0x3FC9];
	(tm) =	ssettm $0x1  }
0x91: {  	s18 =	sld [smem:$0x3FFB];
	_ =	sdelay $0x3  }
0x92: {  	_ =	strace s18  }
0x93: {  	s3 =	sld [smem:$0x3FFC];
	_ =	sdelay $0x3  }
0x94: {  	_ =	strace s3  }
0x95: {  	s3 =	sld [smem:$0x3FFD];
	_ =	sdelay $0x3  }
0x96: {  	_ =	strace s3  }
0x97: {  	_ =	strace $0x8FFFFFFF  }
0x98: {  	s19 =	sld [smem:$0x3FDB];
	_ =	sdelay $0x1  }
0x99: {  	s4 =	simm.s32 $_scs_section_size  }
0x9a: {  	s5 =	simm.s32 $_size__tile_overlayer_lowered;
	s6 =	simm.s32 $_tile_overlayer_lowered  }
0x9b: {  	s22 =	simm.s32 $0x1BFF;
	s21 =	sshll.u32 s6, $0x1;
	s3 =	sadd.s32 s4, s19  }
0x9c: {  	s7 =	simm.s32 $0x0;
	s20 =	sshll.u32 s5, $0x1;
	s5 =	sadd.s32 s21, s3  }
0x9d: {  	[timem:s7], [sflag:s22] =	dma.local [hbm:s5], s20  }
0x9e: {  	_ =	swait.ge [sflag:s22], s20  }
0x9f: {  	s4 =	ssub.s32 $0x0, s20;
	[sflag:s22] =	ssyncset.done $0x0  }
0xa0: {  	[sflag:s22] =	ssyncadd.s32 s4;
	_ =	sdelay $0x1  }
0xa1: {  	s23 =	simm.s32 $0x1B8B  }
0xa2: {  	_ =	swait.ge [sflag:s23], $0x1  }
0xa3: {  	[sflag:s23] =	ssyncset.done $0x0  }
0xa4: {  	s25 =	simm.s32 $0x1B8E;
	s24 =	sld [smem:$0x3FFE];
	[sflag:s23] =	ssyncadd.s32 $0xFFFFFFFF  }
0xa5: {  	s26 =	simm.s32 $execute0_lowered;
	[smem:$0x3FD2] =	sst s25  }
0xa6: {  	s5 =	sshll.u32 s26, $0x1;
	_ =	strace $0x80000046;
	[dreg:$0x1] =	wrdreg $0xFFFFFFFF  }
0xa7: {  	s28 =	simm.s32 $_size_execute0_lowered;
	s3 =	sadd.s32 s3, s5;
	[dreg:$0x0] =	wrdreg $0x0  }
0xa8: {  	s5 =	sshll.u32 s28, $0x1;
	[dreg:$0x2] =	wrdreg s3  }
0xa9: {  	[dreg:$0x3] =	wrdreg s5  }
0xaa: {  	[dreg:$0x4] =	wrdreg $0xC0  }
0xab: {  	_ =	task [dreg:s7], $0x5FFFF  }
0xac: {  	[dreg:$0x1] =	wrdreg $0xFFFFFFFF  }
0xad: {  	[dreg:$0x0] =	wrdreg $0x60  }
0xae: {  	[dreg:$0x2] =	wrdreg s2  }
0xaf: {  	[dreg:$0x3] =	wrdreg s24  }
0xb0: {  	[dreg:$0x4] =	wrdreg $0xC3000  }
0xb1: {  	[dreg:$0x5] =	wrdreg $0x9  }
0xb2: {  	_ =	task.clear_ibuf [dreg:s7], $0x6FFFF;
	_ =	strace $0x90000046  }
0xb3: {  	s29 =	simm.s32 $0x9;
	_ =	strace $0x80000048  }
0xb4: {  	_ =	swait.ge [sflag:s29], $0x1  }
0xb5: {  	[sflag:s29] =	ssyncadd.s32 $0xFFFFFFFF  }
0xb6: {  	_ =	strace $0x90000048  }
0xb7: {  	_ =	sfence  }
0xb8: {  	s30 =	sld [smem:$0x0];
	_ =	sdelay $0x2  }
0xb9: {  	s31 =	sshll.u32 s1, $0xD;
	s1 =	sshrl.u32 s1, $0x2  }
0xba: {  	s3 =	sand.u32 $0x4000, s31;
	s1 =	sadd.s32 s1, s30  }
0xbb: {  	s0 =	sor.u32 s3, s0;
	s1 =	sshll.u32 s1, $0x11  }
0xbc: {  	s0 =	sor.u32 s1, s0  }
0xbd: {  	s0 =	sadd.s32 $0x8F2B, s0  }
0xbe: {  	[sflag:s0] =	ssyncadd.remote.s32 $0x1  }
0xbf: {  	_ =	sfence.sel $0xFFFF  }
0xc0: {  	[dreg:$0x0] =	wrdreg $0xFFFFFFFF;
	(pc) =	sbr.abs _section_cstart, $3  }
0xc1: {  	[dreg:$0x1] =	wrdreg $0xFFFFFFFF  }
0xc2: {  	_ =	task.clear_ibuf [dreg:s7], $0x2FFFF;
	_ =	strace $0x9FFFFFFF  }
0xc3: {  	(tm) =	ssettm $0x7FFFFFFF  }
tec
execute0_lowered:
.L_overlay_start_1:
0x0: {  	(tag) =	ssettag $0x1  }
0x1: {  	s1 =	rddreg [dreg:$0x0]  }
0x2: {  	s0 =	rddreg [dreg:$0x1]  }
0x3: {  	s2 =	rddreg [dreg:$0x2];
	s4 =	simm.s32 $0x0;
	s3 =	srdreg.scid  }
0x4: {  	s26 =	stileid.u32;
	s28 =	simm.s32 $0x8300;
	s29 =	simm.s32 $0x2  }
0x5: {  	s30 =	simm.s32 $0x3;
	s31 =	simm.s32 $0x4;
	s20 =	smul.u32 $0x46000, s26  }
0x6: {  	[smem:$0x7FF] =	sst s4;
	s7 =	sadd.s32 $0xD000, s0;
	s15 =	smul.u32 $0x9C0, s26  }
0x7: {  	s3 =	sand.u32 $0x1, s3;
	s11 =	smin.u32 s26, $0xD;
	s24 =	smul.u32 $0x11800, s26  }
0x8: {  	s8 =	sadd.s32 $0x3200, s0;
	p0 =	slt.u32 s26, $0xD;
	s21 =	smul.u32 $0xA000, s11  }
0x9: {  	s5 =	sshll.u32 s26, $0x1;
	_ =	strace $0x80000047;
	s22 =	smul.u32 $0x138800, s3  }
0xa: {  	s6 =	ssub.s32 $0x2, s3;
	s9 =	sor.u32 s3, s5;
	s3 =	smul.u32 $0x4E0, s3  }
0xb: {  	s5 =	sadd.s32 $0x16E00, s0;
	s25 =	smul.u32 $0x2800, s11;
	s18 =	sshrl.u32 s6, $0x1  }
0xc: {  	s10 =	smul.u32 $0x4E0, s9;
	s9 =	sshll.u32 s9, $0x4;
	s0 =	ssub.s32 s6, s18  }
0xd: {  	s6 =	simm.s32 $0x8;
	s9 =	sor.u32 $0x9C00, s9;
	s18 =	simm.s32 $0x300  }
0xe: {  	s6 =	simm.s32 @!p0 $0x7;
	s12 =	sadd.s32 s7, s10;
	s19 =	sadd.s32 s8, s10  }
0xf: {  	s10 =	sor.u32 $0x10, s10;
	s14 =	sadd.s32 s7, s9;
	[dreg:$0x4] =	wrdreg s12  }
0x10: {  	s9 =	sadd.s32 s8, s9;
	p0 =	sgt.u32 s26, $0x1;
	[dreg:$0x5] =	wrdreg s19  }
0x11: {  	s26 =	simm.s32 $0x280;
	s13 =	sadd.s32 s7, s10;
	[dreg:$0x8] =	wrdreg s14  }
0x12: {  	s10 =	sadd.s32 s8, s10;
	[dreg:$0x9] =	wrdreg s9;
	s7 =	sadd.s32 s15, s7  }
0x13: {  	s8 =	sadd.s32 s15, s8;
	s19 =	simm.s32 $0x7;
	[dreg:$0x6] =	wrdreg s13  }
0x14: {  	[dreg:$0x7] =	wrdreg s10;
	s13 =	sadd.s32 s21, s20;
	s15 =	sadd.s32 s3, s7  }
0x15: {  	s16 =	sadd.s32 s3, s8;
	s20 =	simm.s32 $0x180;
	s21 =	simm.s32 $0x80  }
0x16: {  	s3 =	simm.s32 $0x6;
	s7 =	simm.s32 $0x0;
	s23 =	sshrl.u32 s13, $0x2  }
0x17: {  	s13 =	smax.u32 s0, $0x1;
	s0 =	sadd.s32 s24, s22;
	s22 =	simm.s32 $0x200  }
0x18: {  	s24 =	simm.s32 $0x1;
	s14 =	sadd.s32 s23, s2;
	s17 =	sadd.s32 s25, s0  }
0x19: {  	v0 =	vimm.f32 $0.0e+00;
	s23 =	simm.s32 $0x4300;
	s25 =	simm.s32 $0x100;
	s0 =	simm.s32 $0x5  }
.LBB2_1:
0x1a: {  	s8 =	simm.s32 $0x0;
	s9 =	simm.s32 $0x200  }
.LBB2_2:
0x1b: {  	p1 =	sne.s32 s9, $0x9E00;
	[tilespmem:s8+$0x370] =	vst v0  }
0x1c: {  	[tilespmem:s8+$0x300] =	vst v0  }
0x1d: {  	[tilespmem:s8+$0x310] =	vst v0  }
.Ltmp0:
0x1e: {  	[tilespmem:s8+$0x320] =	vst v0;
	(pc) =	sbr.rel @p1 .LBB2_2-.Ltmp0, $4  }
0x1f: {  	[tilespmem:s8+$0x330] =	vst v0  }
0x20: {  	[tilespmem:s8+$0x340] =	vst v0  }
0x21: {  	[tilespmem:s8+$0x350] =	vst v0  }
0x22: {  	[tilespmem:s8+$0x360] =	vst v0;
	s8 =	sshra.s32 s9, $0x2;
	s9 =	sadd.s32 $0x200, s9  }
0x23: {  	[tilespmem:s8+$0x370] =	vst v0  }
0x24: {  	[tilespmem:s8+$0x300] =	vst v0  }
0x25: {  	[tilespmem:s8+$0x310] =	vst v0  }
0x26: {  	[tilespmem:s8+$0x320] =	vst v0  }
0x27: {  	[tilespmem:s8+$0x330] =	vst v0  }
0x28: {  	[tilespmem:s8+$0x340] =	vst v0;
	p1 =	sne.s32 s6, $0x1  }
.Ltmp1:
0x29: {  	[tilespmem:s8+$0x350] =	vst v0;
	(pc) =	sbr.rel @!p1 .LBB2_5-.Ltmp1, $4  }
0x2a: {  	[tilespmem:s8+$0x360] =	vst v0  }
0x2b: {  	[spmem:s14] =	stream.linear.scatter [tilespmem:s18], [sflag:$0x7], $0x2800, $0x38;
	[tilespmem:$0x1FB80] =	vst v63  }
0x2c: {  	_ =	swait.ge [sflag:s19], $0x2800  }
0x2d: {  	s8 =	sadd.s32 $0xFFFFFFFF, s6;
	s9 =	smov.u32 s14;
	[sflag:s19] =	ssyncset.done $0x0  }
.LBB2_4:
0x2e: {  	p2 =	sne.s32 s8, $0x1;
	[sflag:s19] =	ssyncadd.s32 $0xFFFFD800;
	s9 =	sadd.s32 $0x2800, s9  }
.Ltmp2:
0x2f: {  	s8 =	sadd.s32 $0xFFFFFFFF, s8;
	(pc) =	sbr.rel @p2 .LBB2_4-.Ltmp2, $4  }
0x30: {  	_ = 	snop  }
0x31: {  	[spmem:s9] =	stream.linear.scatter [tilespmem:s18], [sflag:$0x7], $0x2800, $0x38;
	[tilespmem:$0x1FB80] =	vst v63  }
0x32: {  	_ =	swait.ge [sflag:s19], $0x2800  }
0x33: {  	[sflag:s19] =	ssyncset.done $0x0  }
.LBB2_5:
0x34: {  	[sflag:s19] =	ssyncadd.s32 $0xFFFFD800  }
0x35: {  	[bflag:$0x0] =	sbarrier.arrive $0xFFFF  }
0x36: {  	s8 =	simm.s32 $0x0;
	s9 =	rddreg [dreg:$0x4]  }
0x37: {  	[tilespmem:s8], [sflag:$0x7] =	stream.linear.gather [hbm4b:s9+s8], $0x80, $0x38;
	[tilespmem:$0x1FB80] =	vst v63  }
0x38: {  	_ =	swait.ge [sflag:s19], $0x80  }
0x39: {  	[sflag:s19] =	ssyncset.done $0x0  }
0x3a: {  	s10 =	rddreg [dreg:$0x5];
	[sflag:s19] =	ssyncadd.s32 $0xFFFFFF80  }
0x3b: {  	[tilespmem:s20], [sflag:$0x7] =	stream.linear.gather [hbm4b:s10+s8], $0x80, $0x38;
	[tilespmem:$0x1FB80] =	vst v63  }
0x3c: {  	_ =	swait.ge [sflag:s19], $0x80  }
0x3d: {  	[sflag:s19] =	ssyncset.done $0x0  }
0x3e: {  	[sflag:s19] =	ssyncadd.s32 $0xFFFFFF80  }
0x3f: {  	[tilespmem:s18], [sflag:$0x1] =	stream.indirect.gather [hbm4b:s1+s21], $0x80, s8, s21, $0xb8;
	[tilespmem:$0x1FB80] =	vst v63  }
0x40: {  	s11 =	rddreg [dreg:$0x6]  }
0x41: {  	[tilespmem:s21], [sflag:$0x7] =	stream.linear.gather [hbm4b:s11+s8], $0x80, $0x38;
	[tilespmem:$0x1FB80] =	vst v63  }
0x42: {  	_ =	swait.ge [sflag:s19], $0x80  }
0x43: {  	[sflag:s19] =	ssyncset.done $0x0  }
0x44: {  	s12 =	rddreg [dreg:$0x7];
	[sflag:s19] =	ssyncadd.s32 $0xFFFFFF80  }
0x45: {  	[tilespmem:s22], [sflag:$0x7] =	stream.linear.gather [hbm4b:s12+s8], $0x80, $0x38;
	[tilespmem:$0x1FB80] =	vst v63  }
0x46: {  	_ =	swait.ge [sflag:s19], $0x80  }
0x47: {  	[sflag:s19] =	ssyncset.done $0x0  }
0x48: {  	s9 =	simm.s32 $0xFFFFFFFF;
	[sflag:s19] =	ssyncadd.s32 $0xFFFFFF80  }
0x49: {  	[tilespmem:s23], [sflag:$0x2] =	stream.indirect.gather [hbm4b:s1+s21], $0x80, s21, s21, $0xb8;
	[tilespmem:$0x1FB80] =	vst v63  }
.LBB2_6:
0x4a: {  	_ =	swait.ge [sflag:s24], $0x4000  }
0x4b: {  	p2 =	sgt.u32 s9, $0x4A;
	[sflag:s24] =	ssyncset.done $0x0  }
0x4c: {  	s11 =	simm.s32 @!p2 $0x6;
	[sflag:s24] =	ssyncadd.s32 $0xFFFFC000  }
0x4d: {  	[spmem:s2] =	stream.indirect.scatter.add.f32 [tilespmem:s18], [sflag:$0x4], $0x80, s20, s21, $0xb8;
	[tilespmem:$0x1FB80] =	vst v63  }
0x4e: {  	_ =	swait.ge @!p2 [sflag:s11], $0x4000  }
0x4f: {  	s10 =	sadd.s32 s8, s15;
	[sflag:s11] =	ssyncset.done @!p2 $0x0  }
0x50: {  	s12 =	sadd.s32 $0x20, s10;
	[sflag:s11] =	ssyncadd.s32 @!p2 $0xFFFFC000  }
0x51: {  	[tilespmem:s25], [sflag:$0x7] =	stream.linear.gather [hbm4b:s12+s4], $0x80, $0x38;
	[tilespmem:$0x1FB80] =	vst v63  }
0x52: {  	_ =	swait.ge [sflag:s19], $0x80  }
0x53: {  	s11 =	sadd.s32 s8, s16;
	[sflag:s19] =	ssyncset.done $0x0  }
0x54: {  	s12 =	sadd.s32 $0x20, s11;
	[sflag:s19] =	ssyncadd.s32 $0xFFFFFF80  }
0x55: {  	[tilespmem:s26], [sflag:$0x7] =	stream.linear.gather [hbm4b:s12+s4], $0x80, $0x38;
	[tilespmem:$0x1FB80] =	vst v63  }
0x56: {  	_ =	swait.ge [sflag:s19], $0x80  }
0x57: {  	[sflag:s19] =	ssyncset.done $0x0  }
0x58: {  	p2 =	seq.s32 s8, $0x4B0;
	[sflag:s19] =	ssyncadd.s32 $0xFFFFFF80  }
0x59: {  	[tilespmem:s28], [sflag:$0x3] =	stream.indirect.gather [hbm4b:s1+s21], $0x80, s25, s21, $0xb8;
	[tilespmem:$0x1FB80] =	vst v63  }
.Ltmp3:
0x5a: {  	_ = 	snop;
	(pc) =	sbr.rel @p2 .LBB2_8-.Ltmp3, $4  }
0x5b: {  	_ =	swait.ge [sflag:s29], $0x4000  }
0x5c: {  	[sflag:s29] =	ssyncset.done $0x0  }
0x5d: {  	[sflag:s29] =	ssyncadd.s32 $0xFFFFC000  }
0x5e: {  	[spmem:s2] =	stream.indirect.scatter.add.f32 [tilespmem:s23], [sflag:$0x5], $0x80, s22, s21, $0xb8;
	[tilespmem:$0x1FB80] =	vst v63  }
0x5f: {  	_ =	swait.ge [sflag:s31], $0x4000  }
0x60: {  	[sflag:s31] =	ssyncset.done $0x0  }
0x61: {  	s12 =	sadd.s32 $0x30, s10;
	[sflag:s31] =	ssyncadd.s32 $0xFFFFC000  }
0x62: {  	[tilespmem:s4], [sflag:$0x7] =	stream.linear.gather [hbm4b:s12+s4], $0x80, $0x38;
	[tilespmem:$0x1FB80] =	vst v63  }
0x63: {  	_ =	swait.ge [sflag:s19], $0x80  }
0x64: {  	[sflag:s19] =	ssyncset.done $0x0  }
0x65: {  	s12 =	sadd.s32 $0x30, s11;
	[sflag:s19] =	ssyncadd.s32 $0xFFFFFF80  }
0x66: {  	[tilespmem:s20], [sflag:$0x7] =	stream.linear.gather [hbm4b:s12+s4], $0x80, $0x38;
	[tilespmem:$0x1FB80] =	vst v63  }
0x67: {  	_ =	swait.ge [sflag:s19], $0x80  }
0x68: {  	[sflag:s19] =	ssyncset.done $0x0  }
0x69: {  	[sflag:s19] =	ssyncadd.s32 $0xFFFFFF80  }
0x6a: {  	[tilespmem:s18], [sflag:$0x1] =	stream.indirect.gather [hbm4b:s1+s21], $0x80, s4, s21, $0xb8;
	[tilespmem:$0x1FB80] =	vst v63  }
0x6b: {  	_ =	swait.ge [sflag:s30], $0x4000  }
0x6c: {  	[sflag:s30] =	ssyncset.done $0x0  }
0x6d: {  	[sflag:s30] =	ssyncadd.s32 $0xFFFFC000  }
0x6e: {  	[spmem:s2] =	stream.indirect.scatter.add.f32 [tilespmem:s28], [sflag:$0x6], $0x80, s26, s21, $0xb8;
	[tilespmem:$0x1FB80] =	vst v63  }
0x6f: {  	_ =	swait.ge [sflag:s0], $0x4000  }
0x70: {  	[sflag:s0] =	ssyncset.done $0x0  }
0x71: {  	s12 =	sadd.s32 $0x40, s10;
	[sflag:s0] =	ssyncadd.s32 $0xFFFFC000  }
0x72: {  	[tilespmem:s21], [sflag:$0x7] =	stream.linear.gather [hbm4b:s12+s4], $0x80, $0x38;
	[tilespmem:$0x1FB80] =	vst v63  }
0x73: {  	_ =	swait.ge [sflag:s19], $0x80  }
0x74: {  	[sflag:s19] =	ssyncset.done $0x0  }
0x75: {  	s12 =	sadd.s32 $0x40, s11;
	[sflag:s19] =	ssyncadd.s32 $0xFFFFFF80  }
0x76: {  	[tilespmem:s22], [sflag:$0x7] =	stream.linear.gather [hbm4b:s12+s4], $0x80, $0x38;
	[tilespmem:$0x1FB80] =	vst v63  }
.Ltmp4:
0x77: {  	_ = 	snop;
	(pc) =	sbr.rel .LBB2_6-.Ltmp4, $4  }
0x78: {  	_ =	swait.ge [sflag:s19], $0x80  }
0x79: {  	[sflag:s19] =	ssyncset.done $0x0  }
0x7a: {  	s8 =	sadd.s32 $0x30, s8;
	s9 =	sadd.s32 $0x3, s9;
	[sflag:s19] =	ssyncadd.s32 $0xFFFFFF80  }
0x7b: {  	[tilespmem:s23], [sflag:$0x2] =	stream.indirect.gather [hbm4b:s1+s21], $0x80, s21, s21, $0xb8;
	[tilespmem:$0x1FB80] =	vst v63  }
.LBB2_8:
0x7c: {  	_ =	swait.ge [sflag:s30], $0x4000  }
0x7d: {  	[sflag:s30] =	ssyncset.done $0x0  }
0x7e: {  	[sflag:s30] =	ssyncadd.s32 $0xFFFFC000  }
0x7f: {  	[spmem:s2] =	stream.indirect.scatter.add.f32 [tilespmem:s28], [sflag:$0x6], $0x80, s26, s21, $0xb8;
	[tilespmem:$0x1FB80] =	vst v63  }
0x80: {  	_ =	swait.ge [sflag:s31], $0x4000  }
0x81: {  	[sflag:s31] =	ssyncset.done $0x0  }
0x82: {  	[sflag:s31] =	ssyncadd.s32 $0xFFFFC000  }
0x83: {  	_ =	swait.ge [sflag:s0], $0x4000  }
0x84: {  	[sflag:s0] =	ssyncset.done $0x0  }
0x85: {  	[sflag:s0] =	ssyncadd.s32 $0xFFFFC000  }
0x86: {  	_ =	swait.ge [sflag:s3], $0x4000  }
0x87: {  	[sflag:s3] =	ssyncset.done $0x0  }
0x88: {  	s8 =	simm.s32 @!p0 $0x0;
	s9 =	rddreg [dreg:$0x8];
	[sflag:s3] =	ssyncadd.s32 $0xFFFFC000  }
0x89: {  	[tilespmem:s8], [sflag:$0x7] =	stream.linear.gather @!p0 [hbm4b:s9+s8], $0x80, $0x38;
	[tilespmem:$0x1FB80] =	vst v63  }
0x8a: {  	s9 =	simm.s32 @!p0 $0x7  }
0x8b: {  	_ =	swait.ge @!p0 [sflag:s9], $0x80  }
0x8c: {  	[sflag:s9] =	ssyncset.done @!p0 $0x0  }
0x8d: {  	s10 =	simm.s32 @!p0 $0x180;
	s11 =	rddreg [dreg:$0x9];
	[sflag:s9] =	ssyncadd.s32 @!p0 $0xFFFFFF80  }
0x8e: {  	[tilespmem:s10], [sflag:$0x7] =	stream.linear.gather @!p0 [hbm4b:s11+s8], $0x80, $0x38;
	[tilespmem:$0x1FB80] =	vst v63  }
0x8f: {  	_ =	swait.ge @!p0 [sflag:s9], $0x80  }
0x90: {  	[sflag:s9] =	ssyncset.done @!p0 $0x0  }
0x91: {  	s12 =	simm.s32 @!p0 $0x300;
	s11 =	simm.s32 @!p0 $0x80;
	[sflag:s9] =	ssyncadd.s32 @!p0 $0xFFFFFF80  }
0x92: {  	[tilespmem:s12], [sflag:$0x1] =	stream.indirect.gather @!p0 [hbm4b:s1+s11], $0x80, s8, s11, $0xb8;
	[tilespmem:$0x1FB80] =	vst v63  }
0x93: {  	s8 =	simm.s32 @!p0 $0x1  }
0x94: {  	_ =	swait.ge @!p0 [sflag:s8], $0x4000  }
0x95: {  	[sflag:s8] =	ssyncset.done @!p0 $0x0  }
0x96: {  	[sflag:s8] =	ssyncadd.s32 @!p0 $0xFFFFC000  }
0x97: {  	[spmem:s2] =	stream.indirect.scatter.add.f32 @!p0 [tilespmem:s12], [sflag:$0x7], $0x80, s10, s11, $0xb8;
	[tilespmem:$0x1FB80] =	vst v63  }
0x98: {  	_ =	swait.ge @!p0 [sflag:s9], $0x4000  }
0x99: {  	[sflag:s9] =	ssyncset.done @!p0 $0x0  }
0x9a: {  	[sflag:s9] =	ssyncadd.s32 @!p0 $0xFFFFC000  }
0x9b: {  	[bflag:$0x0] =	sbarrier.arrive $0xFFFF  }
0x9c: {  	[tilespmem:s18], [sflag:$0x7] =	stream.linear.gather [spmem:s14], $0x2800, $0x38;
	[tilespmem:$0x1FB80] =	vst v63  }
0x9d: {  	_ =	swait.ge [sflag:s19], $0x2800  }
.Ltmp5:
0x9e: {  	s12 =	sshrl.u32 s17, $0x3;
	[sflag:s19] =	ssyncset.done $0x0;
	(pc) =	sbr.rel @!p1 .LBB2_10-.Ltmp5, $4  }
0x9f: {  	s8 =	sadd.s32 s5, s12;
	[sflag:s19] =	ssyncadd.s32 $0xFFFFD800  }
0xa0: {  	[hbm4b:s8+s4] =	stream.linear.scatter [tilespmem:s18], [sflag:$0x7], $0x2800, $0x38;
	[tilespmem:$0x1FB80] =	vst v63  }
0xa1: {  	s10 =	smov.u32 s14;
	_ =	swait.ge [sflag:s19], $0x2800  }
0xa2: {  	s9 =	smov.u32 s17;
	s8 =	sadd.s32 $0xFFFFFFFF, s6;
	[sflag:s19] =	ssyncset.done $0x0  }
.LBB2_9:
0xa3: {  	[sflag:s19] =	ssyncadd.s32 $0xFFFFD800;
	s9 =	sadd.s32 $0x2800, s9;
	s10 =	sadd.s32 $0x2800, s10  }
0xa4: {  	[tilespmem:s18], [sflag:$0x7] =	stream.linear.gather [spmem:s10], $0x2800, $0x38;
	[tilespmem:$0x1FB80] =	vst v63  }
0xa5: {  	p1 =	sne.s32 s8, $0x1;
	s8 =	sadd.s32 $0xFFFFFFFF, s8;
	_ =	swait.ge [sflag:s19], $0x2800  }
.Ltmp6:
0xa6: {  	s11 =	sshrl.u32 s9, $0x3;
	[sflag:s19] =	ssyncset.done $0x0;
	(pc) =	sbr.rel @p1 .LBB2_9-.Ltmp6, $4  }
0xa7: {  	s11 =	sadd.s32 s5, s11;
	[sflag:s19] =	ssyncadd.s32 $0xFFFFD800  }
0xa8: {  	[hbm4b:s11+s4] =	stream.linear.scatter [tilespmem:s18], [sflag:$0x7], $0x2800, $0x38;
	[tilespmem:$0x1FB80] =	vst v63  }
0xa9: {  	_ =	swait.ge [sflag:s19], $0x2800  }
0xaa: {  	[sflag:s19] =	ssyncset.done $0x0  }
.LBB2_10:
0xab: {  	s7 =	sadd.s32 $0x1, s7  }
0xac: {  	p1 =	sne.s32 s7, s13  }
.Ltmp7:
0xad: {  	_ = 	snop;
	(pc) =	sbr.rel @p1 .LBB2_1-.Ltmp7, $2  }
0xae: {  	_ =	sdelay $0x2  }
0xaf: {  	[sflag:s19] =	ssyncadd.s32 $0xFFFFD800  }
0xb0: {  	_ =	sfence.sel $0x180000  }
0xb1: {  	[bflag:$0x0] =	sbarrier.arrive $0xFFFF  }
0xb2: {  	_ =	strace $0x90000047  }
0xb3: {  	s0 =	stileid.u32;
	[bflag:$0x2] =	sbarrier.arrive $0xFFFF  }
0xb4: {  	p0 =	sne.s32 s0, $0x0;
	s0 =	rddreg [dreg:$0x3]  }
0xb5: {  	s0 =	sadd.s32 @!p0 $0x100000, s0  }
0xb6: {  	[sflag:s0] =	ssyncadd.tile.s32 @!p0 $0x1;
	_ =	shalt  }
.Lfunc_end2:
_tile_overlayer_lowered:
.L_overlay_start_2:
0xb7: {  	(tag) =	ssettag $0x2  }
0xb8: {  	s0 =	rddreg [dreg:$0x0];
	s2 =	stileid.u32  }
0xb9: {  	s1 =	rddreg [dreg:$0x1];
	p0 =	sne.s32 s2, $0x0  }
0xba: {  	s3 =	rddreg [dreg:$0x2];
	[bflag:$0x3] =	sbarrier.arrive $0xFFFF;
	s2 =	simm.s32 @!p0 $0x1C07  }
0xbb: {  	[timem:s3], [sflag:s2] =	dma.local @!p0 [hbm:s0], s1  }
0xbc: {  	s0 =	simm.s32 @!p0 $0x7  }
0xbd: {  	_ =	swait.ge @!p0 [sflag:s0], s1  }
0xbe: {  	s1 =	ssub.s32 @!p0 $0x0, s1;
	[sflag:s0] =	ssyncset.done @!p0 $0x0  }
0xbf: {  	[sflag:s0] =	ssyncadd.s32 @!p0 s1  }
0xc0: {  	[bflag:$0x3] =	sbarrier.arrive $0xFFFF  }
0xc1: {  	_ =	shalt  }

</sc_bundles>
